<compile_context>
chip_gen: v7x
topology: tpu7x:2x2x1
jax: 0.10.2.dev20260603
libtpu: 0.0.44.dev20260713+nightly
codegen_flags: <defaults>
</compile_context>

<pallas_src>
import dataclasses
import functools

import jax
import jax.numpy as jnp
from jax import lax
from jax.experimental import pallas as pl
from jax.experimental.pallas import tpu as pltpu
from jax.experimental.pallas import tpu_sc as plsc

N = 10000
E = 320000
D = 128
R = 7
T = 4
KEYS = R * N
KEYS_PAD = 70144
C = 128
CHUNKS = E // C
NC = 2
NS = 16
NW = NC * NS
ITERS = (CHUNKS + NW - 1) // NW
PAIRS = (ITERS + 1) // 2
ITERS_CNT = (CHUNKS + NS - 1) // NS
PAIRS_CNT = (ITERS_CNT + 1) // 2
ELEMS_PER_TILE = KEYS_PAD // NS
NPT = 624

_mesh = plsc.VectorSubcoreMesh(core_axis_name="c", subcore_axis_name="s")
_f32 = jnp.float32
_i32 = jnp.int32

_sc_params = pltpu.CompilerParams()
if "needs_layout_passes" in pltpu.CompilerParams.__dataclass_fields__:
    _sc_params = dataclasses.replace(_sc_params, needs_layout_passes=False)


def _tc_pre_body(xs_ref, xt_ref, wr_ref, wroot_ref, broot_ref, tnt_ref,
                 z_ref, root_ref):
    xs = xs_ref[...]
    dn = (((1,), (1,)), ((), ()))
    for r in range(R):
        z_ref[r] = lax.dot_general(xs, wr_ref[r], dn,
                                   preferred_element_type=_f32)
    xt = xt_ref[...]
    tt = tnt_ref[...]
    acc = jnp.zeros((tt.shape[0], D), _f32)
    for i in range(T):
        v = lax.dot_general(xt, wroot_ref[i], dn,
                            preferred_element_type=_f32) + broot_ref[i][None, :]
        acc = acc + jnp.where(tt == i, 1.0, 0.0).astype(_f32) * v
    root_ref[...] = acc


def _tc_precompute(x_src, x_target, W_rel, W_root, b_root, tnt2d):
    nb = 5
    bn = N // nb
    return pl.pallas_call(
        _tc_pre_body,
        grid=(nb,),
        in_specs=[
            pl.BlockSpec((bn, D), lambda i: (i, 0)),
            pl.BlockSpec((bn, D), lambda i: (i, 0)),
            pl.BlockSpec((R, D, D), lambda i: (0, 0, 0)),
            pl.BlockSpec((T, D, D), lambda i: (0, 0, 0)),
            pl.BlockSpec((T, D), lambda i: (0, 0)),
            pl.BlockSpec((bn, 1), lambda i: (i, 0)),
        ],
        out_specs=[
            pl.BlockSpec((R, bn, D), lambda i: (0, i, 0)),
            pl.BlockSpec((bn, D), lambda i: (i, 0)),
        ],
        out_shape=[
            jax.ShapeDtypeStruct((R, N, D), _f32),
            jax.ShapeDtypeStruct((N, D), _f32),
        ],
        compiler_params=pltpu.CompilerParams(
            dimension_semantics=("parallel",)),
    )(x_src, x_target, W_rel, W_root, b_root, tnt2d)


def _tc_keys_body(ei_ref, typ_ref, pk_ref):
    t = typ_ref[...]
    gk = t * N + ei_ref[0]
    ck = t * N + ei_ref[1]
    pk_ref[...] = jnp.concatenate(
        [gk.reshape(CHUNKS, C), ck.reshape(CHUNKS, C),
         (ck + KEYS_PAD).reshape(CHUNKS, C),
         ei_ref[1].reshape(CHUNKS, C)], axis=1)


def _tc_keys(edge_index, edge_type):
    return pl.pallas_call(
        _tc_keys_body,
        out_shape=jax.ShapeDtypeStruct((CHUNKS, 4 * C), _i32),
    )(edge_index, edge_type)


def _sc_count_body(ei_hbm, typ_hbm, out_hbm, kv0, kv1, tv0, tv1,
                   onesv, zerov, cnt_sh, si0, si1, so0, so1):
    KV = (kv0, kv1)
    TV = (tv0, tv1)
    SI = (si0, si1)
    SO = (so0, so1)
    core = lax.axis_index("c")
    sub = lax.axis_index("s")
    wid = sub * NC + core
    ones16 = jnp.full((16,), 1.0, _f32)
    zero16 = jnp.zeros((16,), _f32)

    @pl.loop(0, C, step=16)
    def _(g):
        onesv[pl.ds(g, 16)] = ones16

    @pl.loop(0, ELEMS_PER_TILE, step=16)
    def _(g):
        zerov[pl.ds(g, 16)] = zero16

    pltpu.sync_copy(zerov, cnt_sh.at[pl.ds(sub * ELEMS_PER_TILE, ELEMS_PER_TILE)])
    plsc.subcore_barrier()

    def idx_issue(cid, b):
        pltpu.async_copy(ei_hbm.at[1, pl.ds(cid * C, C)], KV[b], SI[b])
        pltpu.async_copy(typ_hbm.at[pl.ds(cid * C, C)], TV[b], SI[b])

    for i0 in (0, 1):
        idx_issue(wid + i0 * NW, i0)

    @pl.loop(0, PAIRS)
    def _(p):
        for off in (0, 1):
            b = off
            i = 2 * p + off
            cid = wid + i * NW
            cid2 = cid + 2 * NW

            @pl.when(cid < CHUNKS)
            def _():
                pltpu.make_async_copy(ei_hbm.at[1, pl.ds(cid * C, C)],
                                      KV[b], SI[b]).wait()
                pltpu.make_async_copy(typ_hbm.at[pl.ds(cid * C, C)],
                                      TV[b], SI[b]).wait()

                @pl.loop(0, C, step=16)
                def _(g):
                    KV[b][pl.ds(g, 16)] = (TV[b][pl.ds(g, 16)] * N
                                           + KV[b][pl.ds(g, 16)])

                pltpu.async_copy(onesv, cnt_sh.at[KV[b]], SO[b], add=True)

            @pl.when(cid2 < CHUNKS)
            def _():
                pltpu.make_async_copy(onesv, cnt_sh.at[KV[b]], SO[b]).wait()
                idx_issue(cid2, b)

    pltpu.make_async_copy(onesv, cnt_sh.at[KV[0]], SO[0]).wait()
    pltpu.make_async_copy(onesv, cnt_sh.at[KV[1]], SO[1]).wait()

    plsc.subcore_barrier()
    pltpu.sync_copy(cnt_sh.at[pl.ds(sub * ELEMS_PER_TILE, ELEMS_PER_TILE)], zerov)
    pltpu.sync_copy(zerov,
                    out_hbm.at[pl.ds(core * KEYS_PAD + sub * ELEMS_PER_TILE,
                                     ELEMS_PER_TILE)])


_sc_count = pl.kernel(
    _sc_count_body,
    out_type=jax.ShapeDtypeStruct((NC * KEYS_PAD,), _f32),
    mesh=_mesh,
    scratch_types=[
        pltpu.VMEM((C,), _i32),
        pltpu.VMEM((C,), _i32),
        pltpu.VMEM((C,), _i32),
        pltpu.VMEM((C,), _i32),
        pltpu.VMEM((C,), _f32),
        pltpu.VMEM((ELEMS_PER_TILE,), _f32),
        pltpu.VMEM_SHARED((KEYS_PAD,), _f32),
        pltpu.SemaphoreType.DMA,
        pltpu.SemaphoreType.DMA,
        pltpu.SemaphoreType.DMA,
        pltpu.SemaphoreType.DMA,
    ],
    compiler_params=_sc_params,
)


def _sc_main_body(pk_hbm, z_hbm, cnt_hbm, out_hbm,
                  kb0, kb1, sd0, sd1,
                  sc0, sc1, sw0, sw1, r0, r1,
                  si0, si1, ss0, ss1, sz0, sz1, so0, so1,
                  acc_sh):
    KB = (kb0, kb1)
    SD = (sd0, sd1)
    SCV = (sc0, sc1)
    SCW = (sw0, sw1)
    RW = (r0, r1)
    SI = (si0, si1)
    SS = (ss0, ss1)
    SZ = (sz0, sz1)
    SO = (so0, so1)
    core = lax.axis_index("c")
    sub = lax.axis_index("s")
    wid = sub * NC + core
    zero_row = jnp.zeros((16,), _f32)

    @pl.loop(0, C)
    def _(j):
        for k in range(8):
            r0[j, pl.ds(k * 16, 16)] = zero_row

    for k in range(4):
        pltpu.sync_copy(r0, acc_sh.at[pl.ds(sub * NPT + k * 128, 128)])
    pltpu.sync_copy(r0.at[pl.ds(0, 112)],
                    acc_sh.at[pl.ds(sub * NPT + 512, 112)])

    @pl.when(sub == NS - 1)
    def _():
        pltpu.sync_copy(r0.at[pl.ds(0, 16)], acc_sh.at[pl.ds(NS * NPT, 16)])

    plsc.subcore_barrier()

    def idx_issue(i, b):
        cid = wid + i * NW

        @pl.when(cid < CHUNKS)
        def _():
            pltpu.async_copy(pk_hbm.at[cid], KB[b], SI[b])

    def gathers_issue(i, b):
        cid = wid + i * NW

        @pl.when(cid < CHUNKS)
        def _():
            pltpu.make_async_copy(pk_hbm.at[cid], KB[b], SI[b]).wait()

            @pl.when(i >= 2)
            def _():
                pltpu.make_async_copy(RW[b], acc_sh.at[SD[b]], SO[b]).wait()

            pltpu.async_copy(cnt_hbm.at[KB[b].at[pl.ds(C, C)]], SCV[b], SS[b])
            pltpu.async_copy(cnt_hbm.at[KB[b].at[pl.ds(2 * C, C)]], SCW[b], SS[b])
            pltpu.async_copy(z_hbm.at[KB[b].at[pl.ds(0, C)]], RW[b], SZ[b])

    def process(i, b):
        cid = wid + i * NW

        @pl.when(cid < CHUNKS)
        def _():
            pltpu.make_async_copy(cnt_hbm.at[KB[b].at[pl.ds(C, C)]],
                                  SCV[b], SS[b]).wait()
            pltpu.make_async_copy(cnt_hbm.at[KB[b].at[pl.ds(2 * C, C)]],
                                  SCW[b], SS[b]).wait()
            pltpu.make_async_copy(z_hbm.at[KB[b].at[pl.ds(0, C)]],
                                  RW[b], SZ[b]).wait()

            @pl.loop(0, C, step=16)
            def _(g):
                cval = SCV[b][pl.ds(g, 16)] + SCW[b][pl.ds(g, 16)]
                SCV[b][pl.ds(g, 16)] = 1.0 / jnp.maximum(cval, 1.0)

            @pl.loop(0, C, step=16)
            def _(g):
                SD[b][pl.ds(g, 16)] = KB[b][pl.ds(3 * C + g, 16)]

        idx_issue(i + 2, b)

        @pl.when(cid < CHUNKS)
        def _():
            @pl.loop(0, C, step=4)
            def _(j):
                s16 = [plsc.load_gather(SCV[b], [lax.broadcast(j + u, (16,))])
                       for u in range(4)]
                for u in range(4):
                    for k in range(8):
                        RW[b][j + u, pl.ds(k * 16, 16)] = (
                            RW[b][j + u, pl.ds(k * 16, 16)] * s16[u])

            pltpu.async_copy(RW[b], acc_sh.at[SD[b]], SO[b], add=True)

    idx_issue(0, 0)
    idx_issue(1, 1)
    gathers_issue(0, 0)

    @pl.loop(0, PAIRS)
    def _(p):
        for off in (0, 1):
            i = 2 * p + off
            gathers_issue(i + 1, (off + 1) % 2)
            process(i, off)

    pltpu.make_async_copy(RW[0], acc_sh.at[SD[0]], SO[0]).wait()
    pltpu.make_async_copy(RW[1], acc_sh.at[SD[1]], SO[1]).wait()

    plsc.subcore_barrier()
    for k in range(4):
        pltpu.sync_copy(acc_sh.at[pl.ds(sub * NPT + k * 128, 128)], r0)
        pltpu.sync_copy(r0, out_hbm.at[core, pl.ds(sub * NPT + k * 128, 128)])
    pltpu.sync_copy(acc_sh.at[pl.ds(sub * NPT + 512, 112)], r0.at[pl.ds(0, 112)])
    pltpu.sync_copy(r0.at[pl.ds(0, 112)],
                    out_hbm.at[core, pl.ds(sub * NPT + 512, 112)])

    @pl.when(sub == NS - 1)
    def _():
        pltpu.sync_copy(acc_sh.at[pl.ds(NS * NPT, 16)], r0.at[pl.ds(0, 16)])
        pltpu.sync_copy(r0.at[pl.ds(0, 16)],
                        out_hbm.at[core, pl.ds(NS * NPT, 16)])


_sc_main = pl.kernel(
    _sc_main_body,
    out_type=jax.ShapeDtypeStruct((NC, N, D), _f32),
    mesh=_mesh,
    scratch_types=[
        pltpu.VMEM((4 * C,), _i32),
        pltpu.VMEM((4 * C,), _i32),
        pltpu.VMEM((C,), _i32),
        pltpu.VMEM((C,), _i32),
        pltpu.VMEM((C,), _f32),
        pltpu.VMEM((C,), _f32),
        pltpu.VMEM((C,), _f32),
        pltpu.VMEM((C,), _f32),
        pltpu.VMEM((C, D), _f32),
        pltpu.VMEM((C, D), _f32),
        pltpu.SemaphoreType.DMA,
        pltpu.SemaphoreType.DMA,
        pltpu.SemaphoreType.DMA,
        pltpu.SemaphoreType.DMA,
        pltpu.SemaphoreType.DMA,
        pltpu.SemaphoreType.DMA,
        pltpu.SemaphoreType.DMA,
        pltpu.SemaphoreType.DMA,
        pltpu.VMEM_SHARED((N, D), _f32),
    ],
    compiler_params=_sc_params,
)


def _tc_final_body(part_ref, root_ref, out_ref):
    p = part_ref[...]
    out_ref[...] = p[0] + p[1] + root_ref[...]


def _tc_final(parts, root):
    nb = 10
    bn = N // nb
    return pl.pallas_call(
        _tc_final_body,
        grid=(nb,),
        in_specs=[
            pl.BlockSpec((NC, bn, D), lambda i: (0, i, 0)),
            pl.BlockSpec((bn, D), lambda i: (i, 0)),
        ],
        out_specs=pl.BlockSpec((bn, D), lambda i: (i, 0)),
        out_shape=jax.ShapeDtypeStruct((N, D), _f32),
    )(parts, root)


def kernel(x_src, x_target, edge_index, edge_type, target_node_type,
           src_node_type, W_rel, W_root, b_root):
    edge_index = edge_index.astype(_i32)
    edge_type = edge_type.astype(_i32)
    tnt2d = target_node_type.astype(_i32).reshape(N, 1)

    cnt = _sc_count(edge_index, edge_type)
    packed = _tc_keys(edge_index, edge_type)

    z, root = _tc_precompute(x_src.astype(_f32), x_target.astype(_f32),
                             W_rel.astype(_f32), W_root.astype(_f32),
                             b_root.astype(_f32), tnt2d)
    z = z.reshape(KEYS, D)

    parts = _sc_main(packed, z, cnt)
    return _tc_final(parts, root)

# --- scband reference (transcript-rebuilt; emitter-appended) ---
"""Pipeline reference for scband-rgcn-75574244540539 (READ-ONLY COPY).

The authoritative reference and input builder live on the scoring server;
editing this copy changes nothing except your own understanding.
"""

import jax, jax.numpy as jnp
import numpy as np

N_NODES = 10000
N_EDGES = 320000
D = 128
NUM_NODE_TYPES = 4
NUM_EDGE_TYPES = 7


def setup_inputs(seed: int = 0) -> dict:
    key = jax.random.key(seed)
    ks = jax.random.split(key, 9)
    x_src = jax.random.normal(ks[0], (N_NODES, D), dtype=jnp.float32)
    x_target = jax.random.normal(ks[1], (N_NODES, D), dtype=jnp.float32)
    edge_index = jax.random.randint(ks[2], (2, N_EDGES), 0, N_NODES)
    edge_type = jax.random.randint(ks[3], (N_EDGES,), 0, NUM_EDGE_TYPES)
    target_node_type = jax.random.randint(ks[4], (N_NODES,), 0, NUM_NODE_TYPES)
    src_node_type = jax.random.randint(ks[5], (N_NODES,), 0, NUM_NODE_TYPES)
    W_rel = jax.random.normal(ks[6], (NUM_EDGE_TYPES, D, D), dtype=jnp.float32) * (1.0 / np.sqrt(D))
    W_root = jax.random.normal(ks[7], (NUM_NODE_TYPES, D, D), dtype=jnp.float32) * (1.0 / np.sqrt(D))
    b_root = jax.random.normal(ks[8], (NUM_NODE_TYPES, D), dtype=jnp.float32) * 0.01
    return {
        'x_src': x_src,
        'x_target': x_target,
        'edge_index': edge_index,
        'edge_type': edge_type,
        'target_node_type': target_node_type,
        'src_node_type': src_node_type,
        'W_rel': W_rel,
        'W_root': W_root,
        'b_root': b_root,
    }


def reference(x_src, x_target, edge_index, edge_type, target_node_type, src_node_type, W_rel, W_root, b_root):
    # RGCNConv forward (non-regcn_like / non-gcn_like / Norm4=False path) with aggr='mean'.
    src = edge_index[0]
    dst = edge_index[1]
    n_t = x_target.shape[0]
    # gather source node features for every edge
    x_j = jnp.take(x_src, src, axis=0)
    out = jnp.zeros((n_t, W_rel.shape[1]), dtype=x_target.dtype)
    # per-relation message passing: message = rel_lins[i](x_j); aggr = mean over dst
    for i in range(NUM_EDGE_TYPES):
        m = (edge_type == i).astype(x_target.dtype)
        msg = (x_j * m[:, None]) @ W_rel[i].T  # Linear bias=False; masked edges contribute 0
        s = jax.ops.segment_sum(msg, dst, num_segments=n_t)
        cnt = jax.ops.segment_sum(m, dst, num_segments=n_t)
        out = out + s / jnp.maximum(cnt, 1.0)[:, None]
    # per-node-type root transform: out[mask] += root_lins[i](x_target[mask])
    for i in range(NUM_NODE_TYPES):
        m = (target_node_type == i).astype(x_target.dtype)
        out = out + m[:, None] * (x_target @ W_root[i].T + b_root[i])
    return out

if __name__ == "__main__":
    import jax
    _d = setup_inputs()
    print(jax.jit(kernel)(*tuple(_d.values())))

</pallas_src>

<mosaic_0001>
#map = affine_map<(d0, d1) -> (0, 0)>
#map1 = affine_map<(d0, d1) -> (0)>
module attributes {stable_mosaic.version = 14 : i64} {
  func.func @_sc_count_body(%arg0: i32, %arg1: i32, %arg2: memref<2x320000xi32, #tpu.memory_space<hbm>>, %arg3: memref<320000xi32, #tpu.memory_space<hbm>>, %arg4: memref<140288xf32, #tpu.memory_space<hbm>>, %arg5: memref<128xi32, #tpu.memory_space<vmem>>, %arg6: memref<128xi32, #tpu.memory_space<vmem>>, %arg7: memref<128xi32, #tpu.memory_space<vmem>>, %arg8: memref<128xi32, #tpu.memory_space<vmem>>, %arg9: memref<128xf32, #tpu.memory_space<vmem>>, %arg10: memref<4384xf32, #tpu.memory_space<vmem>>, %arg11: memref<70144xf32, #tpu.memory_space<vmem_shared>>, %arg12: memref<!tpu.dma_semaphore, #tpu.memory_space<semaphore_mem>>, %arg13: memref<!tpu.dma_semaphore, #tpu.memory_space<semaphore_mem>>, %arg14: memref<!tpu.dma_semaphore, #tpu.memory_space<semaphore_mem>>, %arg15: memref<!tpu.dma_semaphore, #tpu.memory_space<semaphore_mem>>) attributes {dimension_semantics = [#tpu.dimension_semantics<core_parallel>, #tpu.dimension_semantics<subcore_parallel>], iteration_bounds = array<i64: 2, 16>, scalar_prefetch = 0 : i64, scratch_operands = 11 : i64, tpu.core_type = #tpu.core_type<sc_vector_subcore>, window_params = [{transform_indices = #map}, {transform_indices = #map1}, {transform_indices = #map1}]} {
    %mul3A = arith.constant 2 : i32
    %mul3A_0 = arith.muli %arg1, %mul3A : i32
    %add3A = arith.addi %mul3A_0, %arg0 : i32
    %broadcast_in_dim3A = arith.constant 1.000000e+00 : f32
    %broadcast_in_dim3A_1 = vector.broadcast %broadcast_in_dim3A : f32 to vector<16xf32>
    %broadcast_in_dim3A_2 = arith.constant 0.000000e+00 : f32
    %broadcast_in_dim3A_3 = vector.broadcast %broadcast_in_dim3A_2 : f32 to vector<16xf32>
    %scan3A = arith.constant 0 : i32
    %scan3A_4 = arith.constant 8 : i32
    %scan3A_5 = arith.addi %scan3A, %scan3A_4 : i32
    %scan3A_6 = arith.constant 1 : i32
    scf.for %scan3A_56 = %scan3A to %scan3A_5 step %scan3A_6  : i32 {
      %mul3A_57 = arith.constant 16 : i32
      %mul3A_58 = arith.muli %scan3A_56, %mul3A_57 : i32
      %add3A_59 = arith.constant 0 : i32
      %add3A_60 = arith.addi %add3A_59, %mul3A_58 : i32
      %swap3A = arith.index_cast %add3A_60 : i32 to index
      %swap3A_61 = tpu.vector_load %arg9[%swap3A] {strides = array<i32>} : memref<128xf32, #tpu.memory_space<vmem>>, vector<16xf32>,
      tpu.vector_store %arg9[%swap3A], %broadcast_in_dim3A_1 {strides = array<i32>} : memref<128xf32, #tpu.memory_space<vmem>>, vector<16xf32>,
    }
    %scan3A_7 = arith.constant 8 : i32
    %scan3A_8 = arith.constant 0 : i32
    %scan3A_9 = arith.constant 274 : i32
    %scan3A_10 = arith.addi %scan3A_8, %scan3A_9 : i32
    %scan3A_11 = arith.constant 1 : i32
    scf.for %scan3A_56 = %scan3A_8 to %scan3A_10 step %scan3A_11  : i32 {
      %mul3A_57 = arith.constant 16 : i32
      %mul3A_58 = arith.muli %scan3A_56, %mul3A_57 : i32
      %add3A_59 = arith.constant 0 : i32
      %add3A_60 = arith.addi %add3A_59, %mul3A_58 : i32
      %swap3A = arith.index_cast %add3A_60 : i32 to index
      %swap3A_61 = tpu.vector_load %arg10[%swap3A] {strides = array<i32>} : memref<4384xf32, #tpu.memory_space<vmem>>, vector<16xf32>,
      tpu.vector_store %arg10[%swap3A], %broadcast_in_dim3A_3 {strides = array<i32>} : memref<4384xf32, #tpu.memory_space<vmem>>, vector<16xf32>,
    }
    %scan3A_12 = arith.constant 274 : i32
    %mul3A_13 = arith.constant 4384 : i32
    %mul3A_14 = arith.muli %arg1, %mul3A_13 : i32
    "tpu.region"() ({
      %run_scoped3A = tpu.sem_alloc : memref<!tpu.dma_semaphore, #tpu.memory_space<semaphore_mem>>
      %dma_start3A_56 = tpu.memref_slice %arg11[%mul3A_14] : memref<70144xf32, #tpu.memory_space<vmem_shared>> -> memref<4384xf32, #tpu.memory_space<vmem_shared>>
      %dma_start3A_57 = tpu.memref_slice %arg11[%mul3A_14] : memref<70144xf32, #tpu.memory_space<vmem_shared>> -> memref<4384xf32, #tpu.memory_space<vmem_shared>>
      tpu.enqueue_dma source(%arg10 : memref<4384xf32, #tpu.memory_space<vmem>>) target(%dma_start3A_57 : memref<4384xf32, #tpu.memory_space<vmem_shared>>) target_semaphore(%run_scoped3A : memref<!tpu.dma_semaphore, #tpu.memory_space<semaphore_mem>>)
      %dma_wait3A_58 = tpu.memref_slice %arg11[%mul3A_14] : memref<70144xf32, #tpu.memory_space<vmem_shared>> -> memref<4384xf32, #tpu.memory_space<vmem_shared>>
      %dma_wait3A_59 = tpu.memref_slice %arg11[%mul3A_14] : memref<70144xf32, #tpu.memory_space<vmem_shared>> -> memref<4384xf32, #tpu.memory_space<vmem_shared>>
      tpu.wait_dma2 semaphore(%run_scoped3A : memref<!tpu.dma_semaphore, #tpu.memory_space<semaphore_mem>>) src(%arg10 : memref<4384xf32, #tpu.memory_space<vmem>>) dst(%dma_wait3A_59 : memref<4384xf32, #tpu.memory_space<vmem_shared>>)
      tpu.yield
    }) : () -> ()
    %barrier3A = arith.constant 0 : index
    tpu.barrier barrier_id(%barrier3A)
    %add3A_15 = arith.constant 0 : i32
    %add3A_16 = arith.addi %add3A, %add3A_15 : i32
    %mul3A_17 = arith.constant 128 : i32
    %mul3A_18 = arith.muli %add3A_16, %mul3A_17 : i32
    %dma_start3A = arith.constant 1 : i32
    %dma_start3A_19 = tpu.memref_slice %arg2[%dma_start3A, %mul3A_18] : memref<2x320000xi32, #tpu.memory_space<hbm>> -> memref<1x128xi32, #tpu.memory_space<hbm>>
    %dma_start3A_20 = tpu.memref_squeeze %dma_start3A_19 : memref<1x128xi32, #tpu.memory_space<hbm>> -> memref<128xi32, #tpu.memory_space<hbm>>
    %dma_start3A_21 = tpu.memref_slice %arg2[%dma_start3A, %mul3A_18] : memref<2x320000xi32, #tpu.memory_space<hbm>> -> memref<1x128xi32, #tpu.memory_space<hbm>>
    %dma_start3A_22 = tpu.memref_squeeze %dma_start3A_21 : memref<1x128xi32, #tpu.memory_space<hbm>> -> memref<128xi32, #tpu.memory_space<hbm>>
    tpu.enqueue_dma source(%dma_start3A_22 : memref<128xi32, #tpu.memory_space<hbm>>) target(%arg5 : memref<128xi32, #tpu.memory_space<vmem>>) target_semaphore(%arg12 : memref<!tpu.dma_semaphore, #tpu.memory_space<semaphore_mem>>)
    %mul3A_23 = arith.constant 128 : i32
    %mul3A_24 = arith.muli %add3A_16, %mul3A_23 : i32
    %dma_start3A_25 = tpu.memref_slice %arg3[%mul3A_24] : memref<320000xi32, #tpu.memory_space<hbm>> -> memref<128xi32, #tpu.memory_space<hbm>>
    %dma_start3A_26 = tpu.memref_slice %arg3[%mul3A_24] : memref<320000xi32, #tpu.memory_space<hbm>> -> memref<128xi32, #tpu.memory_space<hbm>>
    tpu.enqueue_dma source(%dma_start3A_26 : memref<128xi32, #tpu.memory_space<hbm>>) target(%arg7 : memref<128xi32, #tpu.memory_space<vmem>>) target_semaphore(%arg12 : memref<!tpu.dma_semaphore, #tpu.memory_space<semaphore_mem>>)
    %add3A_27 = arith.constant 32 : i32
    %add3A_28 = arith.addi %add3A, %add3A_27 : i32
    %mul3A_29 = arith.constant 128 : i32
    %mul3A_30 = arith.muli %add3A_28, %mul3A_29 : i32
    %dma_start3A_31 = arith.constant 1 : i32
    %dma_start3A_32 = tpu.memref_slice %arg2[%dma_start3A_31, %mul3A_30] : memref<2x320000xi32, #tpu.memory_space<hbm>> -> memref<1x128xi32, #tpu.memory_space<hbm>>
    %dma_start3A_33 = tpu.memref_squeeze %dma_start3A_32 : memref<1x128xi32, #tpu.memory_space<hbm>> -> memref<128xi32, #tpu.memory_space<hbm>>
    %dma_start3A_34 = tpu.memref_slice %arg2[%dma_start3A_31, %mul3A_30] : memref<2x320000xi32, #tpu.memory_space<hbm>> -> memref<1x128xi32, #tpu.memory_space<hbm>>
    %dma_start3A_35 = tpu.memref_squeeze %dma_start3A_34 : memref<1x128xi32, #tpu.memory_space<hbm>> -> memref<128xi32, #tpu.memory_space<hbm>>
    tpu.enqueue_dma source(%dma_start3A_35 : memref<128xi32, #tpu.memory_space<hbm>>) target(%arg6 : memref<128xi32, #tpu.memory_space<vmem>>) target_semaphore(%arg13 : memref<!tpu.dma_semaphore, #tpu.memory_space<semaphore_mem>>)
    %mul3A_36 = arith.constant 128 : i32
    %mul3A_37 = arith.muli %add3A_28, %mul3A_36 : i32
    %dma_start3A_38 = tpu.memref_slice %arg3[%mul3A_37] : memref<320000xi32, #tpu.memory_space<hbm>> -> memref<128xi32, #tpu.memory_space<hbm>>
    %dma_start3A_39 = tpu.memref_slice %arg3[%mul3A_37] : memref<320000xi32, #tpu.memory_space<hbm>> -> memref<128xi32, #tpu.memory_space<hbm>>
    tpu.enqueue_dma source(%dma_start3A_39 : memref<128xi32, #tpu.memory_space<hbm>>) target(%arg8 : memref<128xi32, #tpu.memory_space<vmem>>) target_semaphore(%arg13 : memref<!tpu.dma_semaphore, #tpu.memory_space<semaphore_mem>>)
    %scan3A_40 = arith.constant 0 : i32
    %scan3A_41 = arith.constant 40 : i32
    %scan3A_42 = arith.addi %scan3A_40, %scan3A_41 : i32
    %scan3A_43 = arith.constant 1 : i32
    scf.for %scan3A_56 = %scan3A_40 to %scan3A_42 step %scan3A_43  : i32 {
      %mul3A_57 = arith.constant 1 : i32
      %mul3A_58 = arith.muli %scan3A_56, %mul3A_57 : i32
      %add3A_59 = arith.constant 0 : i32
      %add3A_60 = arith.addi %add3A_59, %mul3A_58 : i32
      %mul3A_61 = arith.constant 2 : i32
      %mul3A_62 = arith.muli %mul3A_61, %add3A_60 : i32
      %add3A_63 = arith.constant 0 : i32
      %add3A_64 = arith.addi %mul3A_62, %add3A_63 : i32
      %mul3A_65 = arith.constant 32 : i32
      %mul3A_66 = arith.muli %add3A_64, %mul3A_65 : i32
      %add3A_67 = arith.addi %add3A, %mul3A_66 : i32
      %add3A_68 = arith.constant 64 : i32
      %add3A_69 = arith.addi %add3A_67, %add3A_68 : i32
      %lt3A = arith.constant 2500 : i32
      %lt3A_70 = arith.cmpi slt, %add3A_67, %lt3A : i32
      %convert_element_type3A = arith.extui %lt3A_70 : i1 to i32
      %cond3A = arith.constant 0 : i32
      %cond3A_71 = arith.cmpi ne, %convert_element_type3A, %cond3A : i32
      scf.if %cond3A_71 {
        %mul3A_96 = arith.constant 128 : i32
        %mul3A_97 = arith.muli %add3A_67, %mul3A_96 : i32
        %dma_wait3A_98 = arith.constant 1 : i32
        %dma_wait3A_99 = tpu.memref_slice %arg2[%dma_wait3A_98, %mul3A_97] : memref<2x320000xi32, #tpu.memory_space<hbm>> -> memref<1x128xi32, #tpu.memory_space<hbm>>
        %dma_wait3A_100 = tpu.memref_squeeze %dma_wait3A_99 : memref<1x128xi32, #tpu.memory_space<hbm>> -> memref<128xi32, #tpu.memory_space<hbm>>
        %dma_wait3A_101 = tpu.memref_slice %arg2[%dma_wait3A_98, %mul3A_97] : memref<2x320000xi32, #tpu.memory_space<hbm>> -> memref<1x128xi32, #tpu.memory_space<hbm>>
        %dma_wait3A_102 = tpu.memref_squeeze %dma_wait3A_101 : memref<1x128xi32, #tpu.memory_space<hbm>> -> memref<128xi32, #tpu.memory_space<hbm>>
        tpu.wait_dma2 semaphore(%arg12 : memref<!tpu.dma_semaphore, #tpu.memory_space<semaphore_mem>>) src(%dma_wait3A_102 : memref<128xi32, #tpu.memory_space<hbm>>) dst(%arg5 : memref<128xi32, #tpu.memory_space<vmem>>)
        %mul3A_103 = arith.constant 128 : i32
        %mul3A_104 = arith.muli %add3A_67, %mul3A_103 : i32
        %dma_wait3A_105 = tpu.memref_slice %arg3[%mul3A_104] : memref<320000xi32, #tpu.memory_space<hbm>> -> memref<128xi32, #tpu.memory_space<hbm>>
        %dma_wait3A_106 = tpu.memref_slice %arg3[%mul3A_104] : memref<320000xi32, #tpu.memory_space<hbm>> -> memref<128xi32, #tpu.memory_space<hbm>>
        tpu.wait_dma2 semaphore(%arg12 : memref<!tpu.dma_semaphore, #tpu.memory_space<semaphore_mem>>) src(%dma_wait3A_106 : memref<128xi32, #tpu.memory_space<hbm>>) dst(%arg7 : memref<128xi32, #tpu.memory_space<vmem>>)
        %scan3A_107 = arith.constant 0 : i32
        %scan3A_108 = arith.constant 8 : i32
        %scan3A_109 = arith.addi %scan3A_107, %scan3A_108 : i32
        %scan3A_110 = arith.constant 1 : i32
        scf.for %scan3A_114 = %scan3A_107 to %scan3A_109 step %scan3A_110  : i32 {
          %mul3A_115 = arith.constant 16 : i32
          %mul3A_116 = arith.muli %scan3A_114, %mul3A_115 : i32
          %add3A_117 = arith.constant 0 : i32
          %add3A_118 = arith.addi %add3A_117, %mul3A_116 : i32
          %get3A = arith.index_cast %add3A_118 : i32 to index
          %get3A_119 = tpu.vector_load %arg7[%get3A] {strides = array<i32>} : memref<128xi32, #tpu.memory_space<vmem>>, vector<16xi32>,
          %mul3A_120 = arith.constant 10000 : i32
          %mul3A_121 = vector.broadcast %mul3A_120 : i32 to vector<16xi32>
          %mul3A_122 = arith.muli %get3A_119, %mul3A_121 : vector<16xi32>
          %get3A_123 = arith.index_cast %add3A_118 : i32 to index
          %get3A_124 = tpu.vector_load %arg5[%get3A_123] {strides = array<i32>} : memref<128xi32, #tpu.memory_space<vmem>>, vector<16xi32>,
          %add3A_125 = arith.addi %mul3A_122, %get3A_124 : vector<16xi32>
          %swap3A = arith.index_cast %add3A_118 : i32 to index
          %swap3A_126 = tpu.vector_load %arg5[%swap3A] {strides = array<i32>} : memref<128xi32, #tpu.memory_space<vmem>>, vector<16xi32>,
          tpu.vector_store %arg5[%swap3A], %add3A_125 {strides = array<i32>} : memref<128xi32, #tpu.memory_space<vmem>>, vector<16xi32>,
        }
        %scan3A_111 = arith.constant 8 : i32
        %dma_start3A_112 = arith.constant 0 : i32
        %dma_start3A_113 = tpu.memref_slice %arg11[%dma_start3A_112] : memref<70144xf32, #tpu.memory_space<vmem_shared>> -> memref<70144xf32, #tpu.memory_space<vmem_shared>>
        tpu.enqueue_indirect_dma source(%arg9 : memref<128xf32, #tpu.memory_space<vmem>>) target(%dma_start3A_113 : memref<70144xf32, #tpu.memory_space<vmem_shared>>) offsets(%arg5 : memref<128xi32, #tpu.memory_space<vmem>>) semaphore(%arg14 : memref<!tpu.dma_semaphore, #tpu.memory_space<semaphore_mem>>) {add = true}
      } else {
      }
      %lt3A_72 = arith.constant 2500 : i32
      %lt3A_73 = arith.cmpi slt, %add3A_69, %lt3A_72 : i32
      %convert_element_type3A_74 = arith.extui %lt3A_73 : i1 to i32
      %cond3A_75 = arith.constant 0 : i32
      %cond3A_76 = arith.cmpi ne, %convert_element_type3A_74, %cond3A_75 : i32
      scf.if %cond3A_76 {
        %dma_wait3A_96 = arith.constant 0 : i32
        %dma_wait3A_97 = tpu.memref_slice %arg11[%dma_wait3A_96] : memref<70144xf32, #tpu.memory_space<vmem_shared>> -> memref<70144xf32, #tpu.memory_space<vmem_shared>>
        tpu.wait_indirect_dma semaphore(%arg14 : memref<!tpu.dma_semaphore, #tpu.memory_space<semaphore_mem>>) src(%arg9 : memref<128xf32, #tpu.memory_space<vmem>>) dst(%dma_wait3A_97 : memref<70144xf32, #tpu.memory_space<vmem_shared>>)
        %mul3A_98 = arith.constant 128 : i32
        %mul3A_99 = arith.muli %add3A_69, %mul3A_98 : i32
        %dma_start3A_100 = arith.constant 1 : i32
        %dma_start3A_101 = tpu.memref_slice %arg2[%dma_start3A_100, %mul3A_99] : memref<2x320000xi32, #tpu.memory_space<hbm>> -> memref<1x128xi32, #tpu.memory_space<hbm>>
        %dma_start3A_102 = tpu.memref_squeeze %dma_start3A_101 : memref<1x128xi32, #tpu.memory_space<hbm>> -> memref<128xi32, #tpu.memory_space<hbm>>
        %dma_start3A_103 = tpu.memref_slice %arg2[%dma_start3A_100, %mul3A_99] : memref<2x320000xi32, #tpu.memory_space<hbm>> -> memref<1x128xi32, #tpu.memory_space<hbm>>
        %dma_start3A_104 = tpu.memref_squeeze %dma_start3A_103 : memref<1x128xi32, #tpu.memory_space<hbm>> -> memref<128xi32, #tpu.memory_space<hbm>>
        tpu.enqueue_dma source(%dma_start3A_104 : memref<128xi32, #tpu.memory_space<hbm>>) target(%arg5 : memref<128xi32, #tpu.memory_space<vmem>>) target_semaphore(%arg12 : memref<!tpu.dma_semaphore, #tpu.memory_space<semaphore_mem>>)
        %mul3A_105 = arith.constant 128 : i32
        %mul3A_106 = arith.muli %add3A_69, %mul3A_105 : i32
        %dma_start3A_107 = tpu.memref_slice %arg3[%mul3A_106] : memref<320000xi32, #tpu.memory_space<hbm>> -> memref<128xi32, #tpu.memory_space<hbm>>
        %dma_start3A_108 = tpu.memref_slice %arg3[%mul3A_106] : memref<320000xi32, #tpu.memory_space<hbm>> -> memref<128xi32, #tpu.memory_space<hbm>>
        tpu.enqueue_dma source(%dma_start3A_108 : memref<128xi32, #tpu.memory_space<hbm>>) target(%arg7 : memref<128xi32, #tpu.memory_space<vmem>>) target_semaphore(%arg12 : memref<!tpu.dma_semaphore, #tpu.memory_space<semaphore_mem>>)
      } else {
      }
      %mul3A_77 = arith.constant 2 : i32
      %mul3A_78 = arith.muli %mul3A_77, %add3A_60 : i32
      %add3A_79 = arith.constant 1 : i32
      %add3A_80 = arith.addi %mul3A_78, %add3A_79 : i32
      %mul3A_81 = arith.constant 32 : i32
      %mul3A_82 = arith.muli %add3A_80, %mul3A_81 : i32
      %add3A_83 = arith.addi %add3A, %mul3A_82 : i32
      %add3A_84 = arith.constant 64 : i32
      %add3A_85 = arith.addi %add3A_83, %add3A_84 : i32
      %lt3A_86 = arith.constant 2500 : i32
      %lt3A_87 = arith.cmpi slt, %add3A_83, %lt3A_86 : i32
      %convert_element_type3A_88 = arith.extui %lt3A_87 : i1 to i32
      %cond3A_89 = arith.constant 0 : i32
      %cond3A_90 = arith.cmpi ne, %convert_element_type3A_88, %cond3A_89 : i32
      scf.if %cond3A_90 {
        %mul3A_96 = arith.constant 128 : i32
        %mul3A_97 = arith.muli %add3A_83, %mul3A_96 : i32
        %dma_wait3A_98 = arith.constant 1 : i32
        %dma_wait3A_99 = tpu.memref_slice %arg2[%dma_wait3A_98, %mul3A_97] : memref<2x320000xi32, #tpu.memory_space<hbm>> -> memref<1x128xi32, #tpu.memory_space<hbm>>
        %dma_wait3A_100 = tpu.memref_squeeze %dma_wait3A_99 : memref<1x128xi32, #tpu.memory_space<hbm>> -> memref<128xi32, #tpu.memory_space<hbm>>
        %dma_wait3A_101 = tpu.memref_slice %arg2[%dma_wait3A_98, %mul3A_97] : memref<2x320000xi32, #tpu.memory_space<hbm>> -> memref<1x128xi32, #tpu.memory_space<hbm>>
        %dma_wait3A_102 = tpu.memref_squeeze %dma_wait3A_101 : memref<1x128xi32, #tpu.memory_space<hbm>> -> memref<128xi32, #tpu.memory_space<hbm>>
        tpu.wait_dma2 semaphore(%arg13 : memref<!tpu.dma_semaphore, #tpu.memory_space<semaphore_mem>>) src(%dma_wait3A_102 : memref<128xi32, #tpu.memory_space<hbm>>) dst(%arg6 : memref<128xi32, #tpu.memory_space<vmem>>)
        %mul3A_103 = arith.constant 128 : i32
        %mul3A_104 = arith.muli %add3A_83, %mul3A_103 : i32
        %dma_wait3A_105 = tpu.memref_slice %arg3[%mul3A_104] : memref<320000xi32, #tpu.memory_space<hbm>> -> memref<128xi32, #tpu.memory_space<hbm>>
        %dma_wait3A_106 = tpu.memref_slice %arg3[%mul3A_104] : memref<320000xi32, #tpu.memory_space<hbm>> -> memref<128xi32, #tpu.memory_space<hbm>>
        tpu.wait_dma2 semaphore(%arg13 : memref<!tpu.dma_semaphore, #tpu.memory_space<semaphore_mem>>) src(%dma_wait3A_106 : memref<128xi32, #tpu.memory_space<hbm>>) dst(%arg8 : memref<128xi32, #tpu.memory_space<vmem>>)
        %scan3A_107 = arith.constant 0 : i32
        %scan3A_108 = arith.constant 8 : i32
        %scan3A_109 = arith.addi %scan3A_107, %scan3A_108 : i32
        %scan3A_110 = arith.constant 1 : i32
        scf.for %scan3A_114 = %scan3A_107 to %scan3A_109 step %scan3A_110  : i32 {
          %mul3A_115 = arith.constant 16 : i32
          %mul3A_116 = arith.muli %scan3A_114, %mul3A_115 : i32
          %add3A_117 = arith.constant 0 : i32
          %add3A_118 = arith.addi %add3A_117, %mul3A_116 : i32
          %get3A = arith.index_cast %add3A_118 : i32 to index
          %get3A_119 = tpu.vector_load %arg8[%get3A] {strides = array<i32>} : memref<128xi32, #tpu.memory_space<vmem>>, vector<16xi32>,
          %mul3A_120 = arith.constant 10000 : i32
          %mul3A_121 = vector.broadcast %mul3A_120 : i32 to vector<16xi32>
          %mul3A_122 = arith.muli %get3A_119, %mul3A_121 : vector<16xi32>
          %get3A_123 = arith.index_cast %add3A_118 : i32 to index
          %get3A_124 = tpu.vector_load %arg6[%get3A_123] {strides = array<i32>} : memref<128xi32, #tpu.memory_space<vmem>>, vector<16xi32>,
          %add3A_125 = arith.addi %mul3A_122, %get3A_124 : vector<16xi32>
          %swap3A = arith.index_cast %add3A_118 : i32 to index
          %swap3A_126 = tpu.vector_load %arg6[%swap3A] {strides = array<i32>} : memref<128xi32, #tpu.memory_space<vmem>>, vector<16xi32>,
          tpu.vector_store %arg6[%swap3A], %add3A_125 {strides = array<i32>} : memref<128xi32, #tpu.memory_space<vmem>>, vector<16xi32>,
        }
        %scan3A_111 = arith.constant 8 : i32
        %dma_start3A_112 = arith.constant 0 : i32
        %dma_start3A_113 = tpu.memref_slice %arg11[%dma_start3A_112] : memref<70144xf32, #tpu.memory_space<vmem_shared>> -> memref<70144xf32, #tpu.memory_space<vmem_shared>>
        tpu.enqueue_indirect_dma source(%arg9 : memref<128xf32, #tpu.memory_space<vmem>>) target(%dma_start3A_113 : memref<70144xf32, #tpu.memory_space<vmem_shared>>) offsets(%arg6 : memref<128xi32, #tpu.memory_space<vmem>>) semaphore(%arg15 : memref<!tpu.dma_semaphore, #tpu.memory_space<semaphore_mem>>) {add = true}
      } else {
      }
      %lt3A_91 = arith.constant 2500 : i32
      %lt3A_92 = arith.cmpi slt, %add3A_85, %lt3A_91 : i32
      %convert_element_type3A_93 = arith.extui %lt3A_92 : i1 to i32
      %cond3A_94 = arith.constant 0 : i32
      %cond3A_95 = arith.cmpi ne, %convert_element_type3A_93, %cond3A_94 : i32
      scf.if %cond3A_95 {
        %dma_wait3A_96 = arith.constant 0 : i32
        %dma_wait3A_97 = tpu.memref_slice %arg11[%dma_wait3A_96] : memref<70144xf32, #tpu.memory_space<vmem_shared>> -> memref<70144xf32, #tpu.memory_space<vmem_shared>>
        tpu.wait_indirect_dma semaphore(%arg15 : memref<!tpu.dma_semaphore, #tpu.memory_space<semaphore_mem>>) src(%arg9 : memref<128xf32, #tpu.memory_space<vmem>>) dst(%dma_wait3A_97 : memref<70144xf32, #tpu.memory_space<vmem_shared>>)
        %mul3A_98 = arith.constant 128 : i32
        %mul3A_99 = arith.muli %add3A_85, %mul3A_98 : i32
        %dma_start3A_100 = arith.constant 1 : i32
        %dma_start3A_101 = tpu.memref_slice %arg2[%dma_start3A_100, %mul3A_99] : memref<2x320000xi32, #tpu.memory_space<hbm>> -> memref<1x128xi32, #tpu.memory_space<hbm>>
        %dma_start3A_102 = tpu.memref_squeeze %dma_start3A_101 : memref<1x128xi32, #tpu.memory_space<hbm>> -> memref<128xi32, #tpu.memory_space<hbm>>
        %dma_start3A_103 = tpu.memref_slice %arg2[%dma_start3A_100, %mul3A_99] : memref<2x320000xi32, #tpu.memory_space<hbm>> -> memref<1x128xi32, #tpu.memory_space<hbm>>
        %dma_start3A_104 = tpu.memref_squeeze %dma_start3A_103 : memref<1x128xi32, #tpu.memory_space<hbm>> -> memref<128xi32, #tpu.memory_space<hbm>>
        tpu.enqueue_dma source(%dma_start3A_104 : memref<128xi32, #tpu.memory_space<hbm>>) target(%arg6 : memref<128xi32, #tpu.memory_space<vmem>>) target_semaphore(%arg13 : memref<!tpu.dma_semaphore, #tpu.memory_space<semaphore_mem>>)
        %mul3A_105 = arith.constant 128 : i32
        %mul3A_106 = arith.muli %add3A_85, %mul3A_105 : i32
        %dma_start3A_107 = tpu.memref_slice %arg3[%mul3A_106] : memref<320000xi32, #tpu.memory_space<hbm>> -> memref<128xi32, #tpu.memory_space<hbm>>
        %dma_start3A_108 = tpu.memref_slice %arg3[%mul3A_106] : memref<320000xi32, #tpu.memory_space<hbm>> -> memref<128xi32, #tpu.memory_space<hbm>>
        tpu.enqueue_dma source(%dma_start3A_108 : memref<128xi32, #tpu.memory_space<hbm>>) target(%arg8 : memref<128xi32, #tpu.memory_space<vmem>>) target_semaphore(%arg13 : memref<!tpu.dma_semaphore, #tpu.memory_space<semaphore_mem>>)
      } else {
      }
    }
    %scan3A_44 = arith.constant 40 : i32
    %dma_wait3A = arith.constant 0 : i32
    %dma_wait3A_45 = tpu.memref_slice %arg11[%dma_wait3A] : memref<70144xf32, #tpu.memory_space<vmem_shared>> -> memref<70144xf32, #tpu.memory_space<vmem_shared>>
    tpu.wait_indirect_dma semaphore(%arg14 : memref<!tpu.dma_semaphore, #tpu.memory_space<semaphore_mem>>) src(%arg9 : memref<128xf32, #tpu.memory_space<vmem>>) dst(%dma_wait3A_45 : memref<70144xf32, #tpu.memory_space<vmem_shared>>)
    %dma_wait3A_46 = arith.constant 0 : i32
    %dma_wait3A_47 = tpu.memref_slice %arg11[%dma_wait3A_46] : memref<70144xf32, #tpu.memory_space<vmem_shared>> -> memref<70144xf32, #tpu.memory_space<vmem_shared>>
    tpu.wait_indirect_dma semaphore(%arg15 : memref<!tpu.dma_semaphore, #tpu.memory_space<semaphore_mem>>) src(%arg9 : memref<128xf32, #tpu.memory_space<vmem>>) dst(%dma_wait3A_47 : memref<70144xf32, #tpu.memory_space<vmem_shared>>)
    %barrier3A_48 = arith.constant 0 : index
    tpu.barrier barrier_id(%barrier3A_48)
    %mul3A_49 = arith.constant 4384 : i32
    %mul3A_50 = arith.muli %arg1, %mul3A_49 : i32
    "tpu.region"() ({
      %run_scoped3A = tpu.sem_alloc : memref<!tpu.dma_semaphore, #tpu.memory_space<semaphore_mem>>
      %dma_start3A_56 = tpu.memref_slice %arg11[%mul3A_50] : memref<70144xf32, #tpu.memory_space<vmem_shared>> -> memref<4384xf32, #tpu.memory_space<vmem_shared>>
      %dma_start3A_57 = tpu.memref_slice %arg11[%mul3A_50] : memref<70144xf32, #tpu.memory_space<vmem_shared>> -> memref<4384xf32, #tpu.memory_space<vmem_shared>>
      tpu.enqueue_dma source(%dma_start3A_57 : memref<4384xf32, #tpu.memory_space<vmem_shared>>) target(%arg10 : memref<4384xf32, #tpu.memory_space<vmem>>) target_semaphore(%run_scoped3A : memref<!tpu.dma_semaphore, #tpu.memory_space<semaphore_mem>>)
      %dma_wait3A_58 = tpu.memref_slice %arg11[%mul3A_50] : memref<70144xf32, #tpu.memory_space<vmem_shared>> -> memref<4384xf32, #tpu.memory_space<vmem_shared>>
      %dma_wait3A_59 = tpu.memref_slice %arg11[%mul3A_50] : memref<70144xf32, #tpu.memory_space<vmem_shared>> -> memref<4384xf32, #tpu.memory_space<vmem_shared>>
      tpu.wait_dma2 semaphore(%run_scoped3A : memref<!tpu.dma_semaphore, #tpu.memory_space<semaphore_mem>>) src(%dma_wait3A_59 : memref<4384xf32, #tpu.memory_space<vmem_shared>>) dst(%arg10 : memref<4384xf32, #tpu.memory_space<vmem>>)
      tpu.yield
    }) : () -> ()
    %mul3A_51 = arith.constant 70144 : i32
    %mul3A_52 = arith.muli %arg0, %mul3A_51 : i32
    %mul3A_53 = arith.constant 4384 : i32
    %mul3A_54 = arith.muli %arg1, %mul3A_53 : i32
    %add3A_55 = arith.addi %mul3A_52, %mul3A_54 : i32
    "tpu.region"() ({
      %run_scoped3A = tpu.sem_alloc : memref<!tpu.dma_semaphore, #tpu.memory_space<semaphore_mem>>
      %dma_start3A_56 = tpu.memref_slice %arg4[%add3A_55] : memref<140288xf32, #tpu.memory_space<hbm>> -> memref<4384xf32, #tpu.memory_space<hbm>>
      %dma_start3A_57 = tpu.memref_slice %arg4[%add3A_55] : memref<140288xf32, #tpu.memory_space<hbm>> -> memref<4384xf32, #tpu.memory_space<hbm>>
      tpu.enqueue_dma source(%arg10 : memref<4384xf32, #tpu.memory_space<vmem>>) target(%dma_start3A_57 : memref<4384xf32, #tpu.memory_space<hbm>>) target_semaphore(%run_scoped3A : memref<!tpu.dma_semaphore, #tpu.memory_space<semaphore_mem>>)
      %dma_wait3A_58 = tpu.memref_slice %arg4[%add3A_55] : memref<140288xf32, #tpu.memory_space<hbm>> -> memref<4384xf32, #tpu.memory_space<hbm>>
      %dma_wait3A_59 = tpu.memref_slice %arg4[%add3A_55] : memref<140288xf32, #tpu.memory_space<hbm>> -> memref<4384xf32, #tpu.memory_space<hbm>>
      tpu.wait_dma2 semaphore(%run_scoped3A : memref<!tpu.dma_semaphore, #tpu.memory_space<semaphore_mem>>) src(%arg10 : memref<4384xf32, #tpu.memory_space<vmem>>) dst(%dma_wait3A_59 : memref<4384xf32, #tpu.memory_space<hbm>>)
      tpu.yield
    }) : () -> ()
    return
  }
}

#map = affine_map<(d0, d1) -> (0, 0)>
#map1 = affine_map<(d0, d1) -> (0)>
#map2 = affine_map<(d0, d1) -> (0, 0, 0)>
module attributes {stable_mosaic.version = 14 : i64} {
  func.func @_sc_main_body(%arg0: i32, %arg1: i32, %arg2: memref<2500x512xi32, #tpu.memory_space<hbm>>, %arg3: memref<70000x128xf32, #tpu.memory_space<hbm>>, %arg4: memref<140288xf32, #tpu.memory_space<hbm>>, %arg5: memref<2x10000x128xf32, #tpu.memory_space<hbm>>, %arg6: memref<512xi32, #tpu.memory_space<vmem>>, %arg7: memref<512xi32, #tpu.memory_space<vmem>>, %arg8: memref<128xi32, #tpu.memory_space<vmem>>, %arg9: memref<128xi32, #tpu.memory_space<vmem>>, %arg10: memref<128xf32, #tpu.memory_space<vmem>>, %arg11: memref<128xf32, #tpu.memory_space<vmem>>, %arg12: memref<128xf32, #tpu.memory_space<vmem>>, %arg13: memref<128xf32, #tpu.memory_space<vmem>>, %arg14: memref<128x128xf32, #tpu.memory_space<vmem>>, %arg15: memref<128x128xf32, #tpu.memory_space<vmem>>, %arg16: memref<!tpu.dma_semaphore, #tpu.memory_space<semaphore_mem>>, %arg17: memref<!tpu.dma_semaphore, #tpu.memory_space<semaphore_mem>>, %arg18: memref<!tpu.dma_semaphore, #tpu.memory_space<semaphore_mem>>, %arg19: memref<!tpu.dma_semaphore, #tpu.memory_space<semaphore_mem>>, %arg20: memref<!tpu.dma_semaphore, #tpu.memory_space<semaphore_mem>>, %arg21: memref<!tpu.dma_semaphore, #tpu.memory_space<semaphore_mem>>, %arg22: memref<!tpu.dma_semaphore, #tpu.memory_space<semaphore_mem>>, %arg23: memref<!tpu.dma_semaphore, #tpu.memory_space<semaphore_mem>>, %arg24: memref<10000x128xf32, #tpu.memory_space<vmem_shared>>) attributes {dimension_semantics = [#tpu.dimension_semantics<core_parallel>, #tpu.dimension_semantics<subcore_parallel>], iteration_bounds = array<i64: 2, 16>, scalar_prefetch = 0 : i64, scratch_operands = 19 : i64, tpu.core_type = #tpu.core_type<sc_vector_subcore>, window_params = [{transform_indices = #map}, {transform_indices = #map}, {transform_indices = #map1}, {transform_indices = #map2}]} {
    %mul3A = arith.constant 2 : i32
    %mul3A_0 = arith.muli %arg1, %mul3A : i32
    %add3A = arith.addi %mul3A_0, %arg0 : i32
    %broadcast_in_dim3A = arith.constant 0.000000e+00 : f32
    %broadcast_in_dim3A_1 = vector.broadcast %broadcast_in_dim3A : f32 to vector<16xf32>
    %scan3A = arith.constant 0 : i32
    %scan3A_2 = arith.constant 128 : i32
    %scan3A_3 = arith.addi %scan3A, %scan3A_2 : i32
    %scan3A_4 = arith.constant 1 : i32
    scf.for %scan3A_104 = %scan3A to %scan3A_3 step %scan3A_4  : i32 {
      %mul3A_105 = arith.constant 1 : i32
      %mul3A_106 = arith.muli %scan3A_104, %mul3A_105 : i32
      %add3A_107 = arith.constant 0 : i32
      %add3A_108 = arith.addi %add3A_107, %mul3A_106 : i32
      %swap3A = arith.index_cast %add3A_108 : i32 to index
      %swap3A_109 = arith.constant 0 : index
      %swap3A_110 = tpu.vector_load %arg14[%swap3A, %swap3A_109] {strides = array<i32>} : memref<128x128xf32, #tpu.memory_space<vmem>>, vector<16xf32>,
      tpu.vector_store %arg14[%swap3A, %swap3A_109], %broadcast_in_dim3A_1 {strides = array<i32>} : memref<128x128xf32, #tpu.memory_space<vmem>>, vector<16xf32>,
      %swap3A_111 = arith.index_cast %add3A_108 : i32 to index
      %swap3A_112 = arith.constant 16 : index
      %swap3A_113 = tpu.vector_load %arg14[%swap3A_111, %swap3A_112] {strides = array<i32>} : memref<128x128xf32, #tpu.memory_space<vmem>>, vector<16xf32>,
      tpu.vector_store %arg14[%swap3A_111, %swap3A_112], %broadcast_in_dim3A_1 {strides = array<i32>} : memref<128x128xf32, #tpu.memory_space<vmem>>, vector<16xf32>,
      %swap3A_114 = arith.index_cast %add3A_108 : i32 to index
      %swap3A_115 = arith.constant 32 : index
      %swap3A_116 = tpu.vector_load %arg14[%swap3A_114, %swap3A_115] {strides = array<i32>} : memref<128x128xf32, #tpu.memory_space<vmem>>, vector<16xf32>,
      tpu.vector_store %arg14[%swap3A_114, %swap3A_115], %broadcast_in_dim3A_1 {strides = array<i32>} : memref<128x128xf32, #tpu.memory_space<vmem>>, vector<16xf32>,
      %swap3A_117 = arith.index_cast %add3A_108 : i32 to index
      %swap3A_118 = arith.constant 48 : index
      %swap3A_119 = tpu.vector_load %arg14[%swap3A_117, %swap3A_118] {strides = array<i32>} : memref<128x128xf32, #tpu.memory_space<vmem>>, vector<16xf32>,
      tpu.vector_store %arg14[%swap3A_117, %swap3A_118], %broadcast_in_dim3A_1 {strides = array<i32>} : memref<128x128xf32, #tpu.memory_space<vmem>>, vector<16xf32>,
      %swap3A_120 = arith.index_cast %add3A_108 : i32 to index
      %swap3A_121 = arith.constant 64 : index
      %swap3A_122 = tpu.vector_load %arg14[%swap3A_120, %swap3A_121] {strides = array<i32>} : memref<128x128xf32, #tpu.memory_space<vmem>>, vector<16xf32>,
      tpu.vector_store %arg14[%swap3A_120, %swap3A_121], %broadcast_in_dim3A_1 {strides = array<i32>} : memref<128x128xf32, #tpu.memory_space<vmem>>, vector<16xf32>,
      %swap3A_123 = arith.index_cast %add3A_108 : i32 to index
      %swap3A_124 = arith.constant 80 : index
      %swap3A_125 = tpu.vector_load %arg14[%swap3A_123, %swap3A_124] {strides = array<i32>} : memref<128x128xf32, #tpu.memory_space<vmem>>, vector<16xf32>,
      tpu.vector_store %arg14[%swap3A_123, %swap3A_124], %broadcast_in_dim3A_1 {strides = array<i32>} : memref<128x128xf32, #tpu.memory_space<vmem>>, vector<16xf32>,
      %swap3A_126 = arith.index_cast %add3A_108 : i32 to index
      %swap3A_127 = arith.constant 96 : index
      %swap3A_128 = tpu.vector_load %arg14[%swap3A_126, %swap3A_127] {strides = array<i32>} : memref<128x128xf32, #tpu.memory_space<vmem>>, vector<16xf32>,
      tpu.vector_store %arg14[%swap3A_126, %swap3A_127], %broadcast_in_dim3A_1 {strides = array<i32>} : memref<128x128xf32, #tpu.memory_space<vmem>>, vector<16xf32>,
      %swap3A_129 = arith.index_cast %add3A_108 : i32 to index
      %swap3A_130 = arith.constant 112 : index
      %swap3A_131 = tpu.vector_load %arg14[%swap3A_129, %swap3A_130] {strides = array<i32>} : memref<128x128xf32, #tpu.memory_space<vmem>>, vector<16xf32>,
      tpu.vector_store %arg14[%swap3A_129, %swap3A_130], %broadcast_in_dim3A_1 {strides = array<i32>} : memref<128x128xf32, #tpu.memory_space<vmem>>, vector<16xf32>,
    }
    %scan3A_5 = arith.constant 128 : i32
    %mul3A_6 = arith.constant 624 : i32
    %mul3A_7 = arith.muli %arg1, %mul3A_6 : i32
    %add3A_8 = arith.constant 0 : i32
    %add3A_9 = arith.addi %mul3A_7, %add3A_8 : i32
    "tpu.region"() ({
      %run_scoped3A = tpu.sem_alloc : memref<!tpu.dma_semaphore, #tpu.memory_space<semaphore_mem>>
      %dma_start3A = arith.constant 0 : i32
      %dma_start3A_104 = tpu.memref_slice %arg24[%add3A_9, %dma_start3A] : memref<10000x128xf32, #tpu.memory_space<vmem_shared>> -> memref<128x128xf32, #tpu.memory_space<vmem_shared>>
      %dma_start3A_105 = arith.constant 0 : i32
      %dma_start3A_106 = tpu.memref_slice %arg24[%add3A_9, %dma_start3A_105] : memref<10000x128xf32, #tpu.memory_space<vmem_shared>> -> memref<128x128xf32, #tpu.memory_space<vmem_shared>>
      tpu.enqueue_dma source(%arg14 : memref<128x128xf32, #tpu.memory_space<vmem>>) target(%dma_start3A_106 : memref<128x128xf32, #tpu.memory_space<vmem_shared>>) target_semaphore(%run_scoped3A : memref<!tpu.dma_semaphore, #tpu.memory_space<semaphore_mem>>)
      %dma_wait3A_107 = arith.constant 0 : i32
      %dma_wait3A_108 = tpu.memref_slice %arg24[%add3A_9, %dma_wait3A_107] : memref<10000x128xf32, #tpu.memory_space<vmem_shared>> -> memref<128x128xf32, #tpu.memory_space<vmem_shared>>
      %dma_wait3A_109 = arith.constant 0 : i32
      %dma_wait3A_110 = tpu.memref_slice %arg24[%add3A_9, %dma_wait3A_109] : memref<10000x128xf32, #tpu.memory_space<vmem_shared>> -> memref<128x128xf32, #tpu.memory_space<vmem_shared>>
      tpu.wait_dma2 semaphore(%run_scoped3A : memref<!tpu.dma_semaphore, #tpu.memory_space<semaphore_mem>>) src(%arg14 : memref<128x128xf32, #tpu.memory_space<vmem>>) dst(%dma_wait3A_110 : memref<128x128xf32, #tpu.memory_space<vmem_shared>>)
      tpu.yield
    }) : () -> ()
    %mul3A_10 = arith.constant 624 : i32
    %mul3A_11 = arith.muli %arg1, %mul3A_10 : i32
    %add3A_12 = arith.constant 128 : i32
    %add3A_13 = arith.addi %mul3A_11, %add3A_12 : i32
    "tpu.region"() ({
      %run_scoped3A = tpu.sem_alloc : memref<!tpu.dma_semaphore, #tpu.memory_space<semaphore_mem>>
      %dma_start3A = arith.constant 0 : i32
      %dma_start3A_104 = tpu.memref_slice %arg24[%add3A_13, %dma_start3A] : memref<10000x128xf32, #tpu.memory_space<vmem_shared>> -> memref<128x128xf32, #tpu.memory_space<vmem_shared>>
      %dma_start3A_105 = arith.constant 0 : i32
      %dma_start3A_106 = tpu.memref_slice %arg24[%add3A_13, %dma_start3A_105] : memref<10000x128xf32, #tpu.memory_space<vmem_shared>> -> memref<128x128xf32, #tpu.memory_space<vmem_shared>>
      tpu.enqueue_dma source(%arg14 : memref<128x128xf32, #tpu.memory_space<vmem>>) target(%dma_start3A_106 : memref<128x128xf32, #tpu.memory_space<vmem_shared>>) target_semaphore(%run_scoped3A : memref<!tpu.dma_semaphore, #tpu.memory_space<semaphore_mem>>)
      %dma_wait3A_107 = arith.constant 0 : i32
      %dma_wait3A_108 = tpu.memref_slice %arg24[%add3A_13, %dma_wait3A_107] : memref<10000x128xf32, #tpu.memory_space<vmem_shared>> -> memref<128x128xf32, #tpu.memory_space<vmem_shared>>
      %dma_wait3A_109 = arith.constant 0 : i32
      %dma_wait3A_110 = tpu.memref_slice %arg24[%add3A_13, %dma_wait3A_109] : memref<10000x128xf32, #tpu.memory_space<vmem_shared>> -> memref<128x128xf32, #tpu.memory_space<vmem_shared>>
      tpu.wait_dma2 semaphore(%run_scoped3A : memref<!tpu.dma_semaphore, #tpu.memory_space<semaphore_mem>>) src(%arg14 : memref<128x128xf32, #tpu.memory_space<vmem>>) dst(%dma_wait3A_110 : memref<128x128xf32, #tpu.memory_space<vmem_shared>>)
      tpu.yield
    }) : () -> ()
    %mul3A_14 = arith.constant 624 : i32
    %mul3A_15 = arith.muli %arg1, %mul3A_14 : i32
    %add3A_16 = arith.constant 256 : i32
    %add3A_17 = arith.addi %mul3A_15, %add3A_16 : i32
    "tpu.region"() ({
      %run_scoped3A = tpu.sem_alloc : memref<!tpu.dma_semaphore, #tpu.memory_space<semaphore_mem>>
      %dma_start3A = arith.constant 0 : i32
      %dma_start3A_104 = tpu.memref_slice %arg24[%add3A_17, %dma_start3A] : memref<10000x128xf32, #tpu.memory_space<vmem_shared>> -> memref<128x128xf32, #tpu.memory_space<vmem_shared>>
      %dma_start3A_105 = arith.constant 0 : i32
      %dma_start3A_106 = tpu.memref_slice %arg24[%add3A_17, %dma_start3A_105] : memref<10000x128xf32, #tpu.memory_space<vmem_shared>> -> memref<128x128xf32, #tpu.memory_space<vmem_shared>>
      tpu.enqueue_dma source(%arg14 : memref<128x128xf32, #tpu.memory_space<vmem>>) target(%dma_start3A_106 : memref<128x128xf32, #tpu.memory_space<vmem_shared>>) target_semaphore(%run_scoped3A : memref<!tpu.dma_semaphore, #tpu.memory_space<semaphore_mem>>)
      %dma_wait3A_107 = arith.constant 0 : i32
      %dma_wait3A_108 = tpu.memref_slice %arg24[%add3A_17, %dma_wait3A_107] : memref<10000x128xf32, #tpu.memory_space<vmem_shared>> -> memref<128x128xf32, #tpu.memory_space<vmem_shared>>
      %dma_wait3A_109 = arith.constant 0 : i32
      %dma_wait3A_110 = tpu.memref_slice %arg24[%add3A_17, %dma_wait3A_109] : memref<10000x128xf32, #tpu.memory_space<vmem_shared>> -> memref<128x128xf32, #tpu.memory_space<vmem_shared>>
      tpu.wait_dma2 semaphore(%run_scoped3A : memref<!tpu.dma_semaphore, #tpu.memory_space<semaphore_mem>>) src(%arg14 : memref<128x128xf32, #tpu.memory_space<vmem>>) dst(%dma_wait3A_110 : memref<128x128xf32, #tpu.memory_space<vmem_shared>>)
      tpu.yield
    }) : () -> ()
    %mul3A_18 = arith.constant 624 : i32
    %mul3A_19 = arith.muli %arg1, %mul3A_18 : i32
    %add3A_20 = arith.constant 384 : i32
    %add3A_21 = arith.addi %mul3A_19, %add3A_20 : i32
    "tpu.region"() ({
      %run_scoped3A = tpu.sem_alloc : memref<!tpu.dma_semaphore, #tpu.memory_space<semaphore_mem>>
      %dma_start3A = arith.constant 0 : i32
      %dma_start3A_104 = tpu.memref_slice %arg24[%add3A_21, %dma_start3A] : memref<10000x128xf32, #tpu.memory_space<vmem_shared>> -> memref<128x128xf32, #tpu.memory_space<vmem_shared>>
      %dma_start3A_105 = arith.constant 0 : i32
      %dma_start3A_106 = tpu.memref_slice %arg24[%add3A_21, %dma_start3A_105] : memref<10000x128xf32, #tpu.memory_space<vmem_shared>> -> memref<128x128xf32, #tpu.memory_space<vmem_shared>>
      tpu.enqueue_dma source(%arg14 : memref<128x128xf32, #tpu.memory_space<vmem>>) target(%dma_start3A_106 : memref<128x128xf32, #tpu.memory_space<vmem_shared>>) target_semaphore(%run_scoped3A : memref<!tpu.dma_semaphore, #tpu.memory_space<semaphore_mem>>)
      %dma_wait3A_107 = arith.constant 0 : i32
      %dma_wait3A_108 = tpu.memref_slice %arg24[%add3A_21, %dma_wait3A_107] : memref<10000x128xf32, #tpu.memory_space<vmem_shared>> -> memref<128x128xf32, #tpu.memory_space<vmem_shared>>
      %dma_wait3A_109 = arith.constant 0 : i32
      %dma_wait3A_110 = tpu.memref_slice %arg24[%add3A_21, %dma_wait3A_109] : memref<10000x128xf32, #tpu.memory_space<vmem_shared>> -> memref<128x128xf32, #tpu.memory_space<vmem_shared>>
      tpu.wait_dma2 semaphore(%run_scoped3A : memref<!tpu.dma_semaphore, #tpu.memory_space<semaphore_mem>>) src(%arg14 : memref<128x128xf32, #tpu.memory_space<vmem>>) dst(%dma_wait3A_110 : memref<128x128xf32, #tpu.memory_space<vmem_shared>>)
      tpu.yield
    }) : () -> ()
    %mul3A_22 = arith.constant 624 : i32
    %mul3A_23 = arith.muli %arg1, %mul3A_22 : i32
    %add3A_24 = arith.constant 512 : i32
    %add3A_25 = arith.addi %mul3A_23, %add3A_24 : i32
    "tpu.region"() ({
      %run_scoped3A = tpu.sem_alloc : memref<!tpu.dma_semaphore, #tpu.memory_space<semaphore_mem>>
      %dma_start3A = arith.constant 0 : i32
      %dma_start3A_104 = arith.constant 0 : i32
      %dma_start3A_105 = tpu.memref_slice %arg14[%dma_start3A, %dma_start3A_104] : memref<128x128xf32, #tpu.memory_space<vmem>> -> memref<112x128xf32, #tpu.memory_space<vmem>>
      %dma_start3A_106 = arith.constant 0 : i32
      %dma_start3A_107 = tpu.memref_slice %arg24[%add3A_25, %dma_start3A_106] : memref<10000x128xf32, #tpu.memory_space<vmem_shared>> -> memref<112x128xf32, #tpu.memory_space<vmem_shared>>
      %dma_start3A_108 = arith.constant 0 : i32
      %dma_start3A_109 = tpu.memref_slice %arg24[%add3A_25, %dma_start3A_108] : memref<10000x128xf32, #tpu.memory_space<vmem_shared>> -> memref<112x128xf32, #tpu.memory_space<vmem_shared>>
      %dma_start3A_110 = arith.constant 0 : i32
      %dma_start3A_111 = arith.constant 0 : i32
      %dma_start3A_112 = tpu.memref_slice %arg14[%dma_start3A_110, %dma_start3A_111] : memref<128x128xf32, #tpu.memory_space<vmem>> -> memref<112x128xf32, #tpu.memory_space<vmem>>
      tpu.enqueue_dma source(%dma_start3A_112 : memref<112x128xf32, #tpu.memory_space<vmem>>) target(%dma_start3A_109 : memref<112x128xf32, #tpu.memory_space<vmem_shared>>) target_semaphore(%run_scoped3A : memref<!tpu.dma_semaphore, #tpu.memory_space<semaphore_mem>>)
      %dma_wait3A_113 = arith.constant 0 : i32
      %dma_wait3A_114 = arith.constant 0 : i32
      %dma_wait3A_115 = tpu.memref_slice %arg14[%dma_wait3A_113, %dma_wait3A_114] : memref<128x128xf32, #tpu.memory_space<vmem>> -> memref<112x128xf32, #tpu.memory_space<vmem>>
      %dma_wait3A_116 = arith.constant 0 : i32
      %dma_wait3A_117 = tpu.memref_slice %arg24[%add3A_25, %dma_wait3A_116] : memref<10000x128xf32, #tpu.memory_space<vmem_shared>> -> memref<112x128xf32, #tpu.memory_space<vmem_shared>>
      %dma_wait3A_118 = arith.constant 0 : i32
      %dma_wait3A_119 = tpu.memref_slice %arg24[%add3A_25, %dma_wait3A_118] : memref<10000x128xf32, #tpu.memory_space<vmem_shared>> -> memref<112x128xf32, #tpu.memory_space<vmem_shared>>
      %dma_wait3A_120 = arith.constant 0 : i32
      %dma_wait3A_121 = arith.constant 0 : i32
      %dma_wait3A_122 = tpu.memref_slice %arg14[%dma_wait3A_120, %dma_wait3A_121] : memref<128x128xf32, #tpu.memory_space<vmem>> -> memref<112x128xf32, #tpu.memory_space<vmem>>
      tpu.wait_dma2 semaphore(%run_scoped3A : memref<!tpu.dma_semaphore, #tpu.memory_space<semaphore_mem>>) src(%dma_wait3A_122 : memref<112x128xf32, #tpu.memory_space<vmem>>) dst(%dma_wait3A_119 : memref<112x128xf32, #tpu.memory_space<vmem_shared>>)
      tpu.yield
    }) : () -> ()
    %eq3A = arith.constant 15 : i32
    %eq3A_26 = arith.cmpi eq, %arg1, %eq3A : i32
    %convert_element_type3A = arith.extui %eq3A_26 : i1 to i32
    %cond3A = arith.constant 0 : i32
    %cond3A_27 = arith.cmpi ne, %convert_element_type3A, %cond3A : i32
    scf.if %cond3A_27 {
      "tpu.region"() ({
        %run_scoped3A = tpu.sem_alloc : memref<!tpu.dma_semaphore, #tpu.memory_space<semaphore_mem>>
        %dma_start3A = arith.constant 0 : i32
        %dma_start3A_104 = arith.constant 0 : i32
        %dma_start3A_105 = tpu.memref_slice %arg14[%dma_start3A, %dma_start3A_104] : memref<128x128xf32, #tpu.memory_space<vmem>> -> memref<16x128xf32, #tpu.memory_space<vmem>>
        %dma_start3A_106 = arith.constant 9984 : i32
        %dma_start3A_107 = arith.constant 0 : i32
        %dma_start3A_108 = tpu.memref_slice %arg24[%dma_start3A_106, %dma_start3A_107] : memref<10000x128xf32, #tpu.memory_space<vmem_shared>> -> memref<16x128xf32, #tpu.memory_space<vmem_shared>>
        %dma_start3A_109 = arith.constant 9984 : i32
        %dma_start3A_110 = arith.constant 0 : i32
        %dma_start3A_111 = tpu.memref_slice %arg24[%dma_start3A_109, %dma_start3A_110] : memref<10000x128xf32, #tpu.memory_space<vmem_shared>> -> memref<16x128xf32, #tpu.memory_space<vmem_shared>>
        %dma_start3A_112 = arith.constant 0 : i32
        %dma_start3A_113 = arith.constant 0 : i32
        %dma_start3A_114 = tpu.memref_slice %arg14[%dma_start3A_112, %dma_start3A_113] : memref<128x128xf32, #tpu.memory_space<vmem>> -> memref<16x128xf32, #tpu.memory_space<vmem>>
        tpu.enqueue_dma source(%dma_start3A_114 : memref<16x128xf32, #tpu.memory_space<vmem>>) target(%dma_start3A_111 : memref<16x128xf32, #tpu.memory_space<vmem_shared>>) target_semaphore(%run_scoped3A : memref<!tpu.dma_semaphore, #tpu.memory_space<semaphore_mem>>)
        %dma_wait3A_115 = arith.constant 0 : i32
        %dma_wait3A_116 = arith.constant 0 : i32
        %dma_wait3A_117 = tpu.memref_slice %arg14[%dma_wait3A_115, %dma_wait3A_116] : memref<128x128xf32, #tpu.memory_space<vmem>> -> memref<16x128xf32, #tpu.memory_space<vmem>>
        %dma_wait3A_118 = arith.constant 9984 : i32
        %dma_wait3A_119 = arith.constant 0 : i32
        %dma_wait3A_120 = tpu.memref_slice %arg24[%dma_wait3A_118, %dma_wait3A_119] : memref<10000x128xf32, #tpu.memory_space<vmem_shared>> -> memref<16x128xf32, #tpu.memory_space<vmem_shared>>
        %dma_wait3A_121 = arith.constant 9984 : i32
        %dma_wait3A_122 = arith.constant 0 : i32
        %dma_wait3A_123 = tpu.memref_slice %arg24[%dma_wait3A_121, %dma_wait3A_122] : memref<10000x128xf32, #tpu.memory_space<vmem_shared>> -> memref<16x128xf32, #tpu.memory_space<vmem_shared>>
        %dma_wait3A_124 = arith.constant 0 : i32
        %dma_wait3A_125 = arith.constant 0 : i32
        %dma_wait3A_126 = tpu.memref_slice %arg14[%dma_wait3A_124, %dma_wait3A_125] : memref<128x128xf32, #tpu.memory_space<vmem>> -> memref<16x128xf32, #tpu.memory_space<vmem>>
        tpu.wait_dma2 semaphore(%run_scoped3A : memref<!tpu.dma_semaphore, #tpu.memory_space<semaphore_mem>>) src(%dma_wait3A_126 : memref<16x128xf32, #tpu.memory_space<vmem>>) dst(%dma_wait3A_123 : memref<16x128xf32, #tpu.memory_space<vmem_shared>>)
        tpu.yield
      }) : () -> ()
    } else {
    }
    %barrier3A = arith.constant 0 : index
    tpu.barrier barrier_id(%barrier3A)
    %add3A_28 = arith.constant 0 : i32
    %add3A_29 = arith.addi %add3A, %add3A_28 : i32
    %lt3A = arith.constant 2500 : i32
    %lt3A_30 = arith.cmpi slt, %add3A_29, %lt3A : i32
    %convert_element_type3A_31 = arith.extui %lt3A_30 : i1 to i32
    %cond3A_32 = arith.constant 0 : i32
    %cond3A_33 = arith.cmpi ne, %convert_element_type3A_31, %cond3A_32 : i32
    scf.if %cond3A_33 {
      %dma_start3A = arith.constant 0 : i32
      %dma_start3A_104 = tpu.memref_slice %arg2[%add3A_29, %dma_start3A] : memref<2500x512xi32, #tpu.memory_space<hbm>> -> memref<1x512xi32, #tpu.memory_space<hbm>>
      %dma_start3A_105 = tpu.memref_squeeze %dma_start3A_104 : memref<1x512xi32, #tpu.memory_space<hbm>> -> memref<512xi32, #tpu.memory_space<hbm>>
      %dma_start3A_106 = arith.constant 0 : i32
      %dma_start3A_107 = tpu.memref_slice %arg2[%add3A_29, %dma_start3A_106] : memref<2500x512xi32, #tpu.memory_space<hbm>> -> memref<1x512xi32, #tpu.memory_space<hbm>>
      %dma_start3A_108 = tpu.memref_squeeze %dma_start3A_107 : memref<1x512xi32, #tpu.memory_space<hbm>> -> memref<512xi32, #tpu.memory_space<hbm>>
      tpu.enqueue_dma source(%dma_start3A_108 : memref<512xi32, #tpu.memory_space<hbm>>) target(%arg6 : memref<512xi32, #tpu.memory_space<vmem>>) target_semaphore(%arg16 : memref<!tpu.dma_semaphore, #tpu.memory_space<semaphore_mem>>)
    } else {
    }
    %add3A_34 = arith.constant 32 : i32
    %add3A_35 = arith.addi %add3A, %add3A_34 : i32
    %lt3A_36 = arith.constant 2500 : i32
    %lt3A_37 = arith.cmpi slt, %add3A_35, %lt3A_36 : i32
    %convert_element_type3A_38 = arith.extui %lt3A_37 : i1 to i32
    %cond3A_39 = arith.constant 0 : i32
    %cond3A_40 = arith.cmpi ne, %convert_element_type3A_38, %cond3A_39 : i32
    scf.if %cond3A_40 {
      %dma_start3A = arith.constant 0 : i32
      %dma_start3A_104 = tpu.memref_slice %arg2[%add3A_35, %dma_start3A] : memref<2500x512xi32, #tpu.memory_space<hbm>> -> memref<1x512xi32, #tpu.memory_space<hbm>>
      %dma_start3A_105 = tpu.memref_squeeze %dma_start3A_104 : memref<1x512xi32, #tpu.memory_space<hbm>> -> memref<512xi32, #tpu.memory_space<hbm>>
      %dma_start3A_106 = arith.constant 0 : i32
      %dma_start3A_107 = tpu.memref_slice %arg2[%add3A_35, %dma_start3A_106] : memref<2500x512xi32, #tpu.memory_space<hbm>> -> memref<1x512xi32, #tpu.memory_space<hbm>>
      %dma_start3A_108 = tpu.memref_squeeze %dma_start3A_107 : memref<1x512xi32, #tpu.memory_space<hbm>> -> memref<512xi32, #tpu.memory_space<hbm>>
      tpu.enqueue_dma source(%dma_start3A_108 : memref<512xi32, #tpu.memory_space<hbm>>) target(%arg7 : memref<512xi32, #tpu.memory_space<vmem>>) target_semaphore(%arg17 : memref<!tpu.dma_semaphore, #tpu.memory_space<semaphore_mem>>)
    } else {
    }
    %add3A_41 = arith.constant 0 : i32
    %add3A_42 = arith.addi %add3A, %add3A_41 : i32
    %lt3A_43 = arith.constant 2500 : i32
    %lt3A_44 = arith.cmpi slt, %add3A_42, %lt3A_43 : i32
    %convert_element_type3A_45 = arith.extui %lt3A_44 : i1 to i32
    %cond3A_46 = arith.constant 0 : i32
    %cond3A_47 = arith.cmpi ne, %convert_element_type3A_45, %cond3A_46 : i32
    scf.if %cond3A_47 {
      %dma_wait3A_104 = arith.constant 0 : i32
      %dma_wait3A_105 = tpu.memref_slice %arg2[%add3A_42, %dma_wait3A_104] : memref<2500x512xi32, #tpu.memory_space<hbm>> -> memref<1x512xi32, #tpu.memory_space<hbm>>
      %dma_wait3A_106 = tpu.memref_squeeze %dma_wait3A_105 : memref<1x512xi32, #tpu.memory_space<hbm>> -> memref<512xi32, #tpu.memory_space<hbm>>
      %dma_wait3A_107 = arith.constant 0 : i32
      %dma_wait3A_108 = tpu.memref_slice %arg2[%add3A_42, %dma_wait3A_107] : memref<2500x512xi32, #tpu.memory_space<hbm>> -> memref<1x512xi32, #tpu.memory_space<hbm>>
      %dma_wait3A_109 = tpu.memref_squeeze %dma_wait3A_108 : memref<1x512xi32, #tpu.memory_space<hbm>> -> memref<512xi32, #tpu.memory_space<hbm>>
      tpu.wait_dma2 semaphore(%arg16 : memref<!tpu.dma_semaphore, #tpu.memory_space<semaphore_mem>>) src(%dma_wait3A_109 : memref<512xi32, #tpu.memory_space<hbm>>) dst(%arg6 : memref<512xi32, #tpu.memory_space<vmem>>)
      %dma_start3A = arith.constant 128 : i32
      %dma_start3A_110 = tpu.memref_slice %arg6[%dma_start3A] : memref<512xi32, #tpu.memory_space<vmem>> -> memref<128xi32, #tpu.memory_space<vmem>>
      %dma_start3A_111 = arith.constant 0 : i32
      %dma_start3A_112 = tpu.memref_slice %arg4[%dma_start3A_111] : memref<140288xf32, #tpu.memory_space<hbm>> -> memref<140288xf32, #tpu.memory_space<hbm>>
      tpu.enqueue_indirect_dma source(%dma_start3A_112 : memref<140288xf32, #tpu.memory_space<hbm>>) target(%arg10 : memref<128xf32, #tpu.memory_space<vmem>>) offsets(%dma_start3A_110 : memref<128xi32, #tpu.memory_space<vmem>>) semaphore(%arg18 : memref<!tpu.dma_semaphore, #tpu.memory_space<semaphore_mem>>)
      %dma_start3A_113 = arith.constant 256 : i32
      %dma_start3A_114 = tpu.memref_slice %arg6[%dma_start3A_113] : memref<512xi32, #tpu.memory_space<vmem>> -> memref<128xi32, #tpu.memory_space<vmem>>
      %dma_start3A_115 = arith.constant 0 : i32
      %dma_start3A_116 = tpu.memref_slice %arg4[%dma_start3A_115] : memref<140288xf32, #tpu.memory_space<hbm>> -> memref<140288xf32, #tpu.memory_space<hbm>>
      tpu.enqueue_indirect_dma source(%dma_start3A_116 : memref<140288xf32, #tpu.memory_space<hbm>>) target(%arg12 : memref<128xf32, #tpu.memory_space<vmem>>) offsets(%dma_start3A_114 : memref<128xi32, #tpu.memory_space<vmem>>) semaphore(%arg18 : memref<!tpu.dma_semaphore, #tpu.memory_space<semaphore_mem>>)
      %dma_start3A_117 = arith.constant 0 : i32
      %dma_start3A_118 = tpu.memref_slice %arg6[%dma_start3A_117] : memref<512xi32, #tpu.memory_space<vmem>> -> memref<128xi32, #tpu.memory_space<vmem>>
      %dma_start3A_119 = arith.constant 0 : i32
      %dma_start3A_120 = arith.constant 0 : i32
      %dma_start3A_121 = tpu.memref_slice %arg3[%dma_start3A_119, %dma_start3A_120] : memref<70000x128xf32, #tpu.memory_space<hbm>> -> memref<70000x128xf32, #tpu.memory_space<hbm>>
      tpu.enqueue_indirect_dma source(%dma_start3A_121 : memref<70000x128xf32, #tpu.memory_space<hbm>>) target(%arg14 : memref<128x128xf32, #tpu.memory_space<vmem>>) offsets(%dma_start3A_118 : memref<128xi32, #tpu.memory_space<vmem>>) semaphore(%arg20 : memref<!tpu.dma_semaphore, #tpu.memory_space<semaphore_mem>>)
    } else {
    }
    %scan3A_48 = arith.constant 0 : i32
    %scan3A_49 = arith.constant 40 : i32
    %scan3A_50 = arith.addi %scan3A_48, %scan3A_49 : i32
    %scan3A_51 = arith.constant 1 : i32
    scf.for %scan3A_104 = %scan3A_48 to %scan3A_50 step %scan3A_51  : i32 {
      %mul3A_105 = arith.constant 1 : i32
      %mul3A_106 = arith.muli %scan3A_104, %mul3A_105 : i32
      %add3A_107 = arith.constant 0 : i32
      %add3A_108 = arith.addi %add3A_107, %mul3A_106 : i32
      %mul3A_109 = arith.constant 2 : i32
      %mul3A_110 = arith.muli %mul3A_109, %add3A_108 : i32
      %add3A_111 = arith.constant 0 : i32
      %add3A_112 = arith.addi %mul3A_110, %add3A_111 : i32
      %add3A_113 = arith.constant 1 : i32
      %add3A_114 = arith.addi %add3A_112, %add3A_113 : i32
      %mul3A_115 = arith.constant 32 : i32
      %mul3A_116 = arith.muli %add3A_114, %mul3A_115 : i32
      %add3A_117 = arith.addi %add3A, %mul3A_116 : i32
      %lt3A_118 = arith.constant 2500 : i32
      %lt3A_119 = arith.cmpi slt, %add3A_117, %lt3A_118 : i32
      %convert_element_type3A_120 = arith.extui %lt3A_119 : i1 to i32
      %cond3A_121 = arith.constant 0 : i32
      %cond3A_122 = arith.cmpi ne, %convert_element_type3A_120, %cond3A_121 : i32
      scf.if %cond3A_122 {
        %dma_wait3A_183 = arith.constant 0 : i32
        %dma_wait3A_184 = tpu.memref_slice %arg2[%add3A_117, %dma_wait3A_183] : memref<2500x512xi32, #tpu.memory_space<hbm>> -> memref<1x512xi32, #tpu.memory_space<hbm>>
        %dma_wait3A_185 = tpu.memref_squeeze %dma_wait3A_184 : memref<1x512xi32, #tpu.memory_space<hbm>> -> memref<512xi32, #tpu.memory_space<hbm>>
        %dma_wait3A_186 = arith.constant 0 : i32
        %dma_wait3A_187 = tpu.memref_slice %arg2[%add3A_117, %dma_wait3A_186] : memref<2500x512xi32, #tpu.memory_space<hbm>> -> memref<1x512xi32, #tpu.memory_space<hbm>>
        %dma_wait3A_188 = tpu.memref_squeeze %dma_wait3A_187 : memref<1x512xi32, #tpu.memory_space<hbm>> -> memref<512xi32, #tpu.memory_space<hbm>>
        tpu.wait_dma2 semaphore(%arg17 : memref<!tpu.dma_semaphore, #tpu.memory_space<semaphore_mem>>) src(%dma_wait3A_188 : memref<512xi32, #tpu.memory_space<hbm>>) dst(%arg7 : memref<512xi32, #tpu.memory_space<vmem>>)
        %ge3A = arith.constant 2 : i32
        %ge3A_189 = arith.cmpi sge, %add3A_114, %ge3A : i32
        %convert_element_type3A_190 = arith.extui %ge3A_189 : i1 to i32
        %cond3A_191 = arith.constant 0 : i32
        %cond3A_192 = arith.cmpi ne, %convert_element_type3A_190, %cond3A_191 : i32
        scf.if %cond3A_192 {
          %dma_wait3A_205 = arith.constant 0 : i32
          %dma_wait3A_206 = arith.constant 0 : i32
          %dma_wait3A_207 = tpu.memref_slice %arg24[%dma_wait3A_205, %dma_wait3A_206] : memref<10000x128xf32, #tpu.memory_space<vmem_shared>> -> memref<10000x128xf32, #tpu.memory_space<vmem_shared>>
          tpu.wait_indirect_dma semaphore(%arg23 : memref<!tpu.dma_semaphore, #tpu.memory_space<semaphore_mem>>) src(%arg15 : memref<128x128xf32, #tpu.memory_space<vmem>>) dst(%dma_wait3A_207 : memref<10000x128xf32, #tpu.memory_space<vmem_shared>>)
        } else {
        }
        %dma_start3A = arith.constant 128 : i32
        %dma_start3A_193 = tpu.memref_slice %arg7[%dma_start3A] : memref<512xi32, #tpu.memory_space<vmem>> -> memref<128xi32, #tpu.memory_space<vmem>>
        %dma_start3A_194 = arith.constant 0 : i32
        %dma_start3A_195 = tpu.memref_slice %arg4[%dma_start3A_194] : memref<140288xf32, #tpu.memory_space<hbm>> -> memref<140288xf32, #tpu.memory_space<hbm>>
        tpu.enqueue_indirect_dma source(%dma_start3A_195 : memref<140288xf32, #tpu.memory_space<hbm>>) target(%arg11 : memref<128xf32, #tpu.memory_space<vmem>>) offsets(%dma_start3A_193 : memref<128xi32, #tpu.memory_space<vmem>>) semaphore(%arg19 : memref<!tpu.dma_semaphore, #tpu.memory_space<semaphore_mem>>)
        %dma_start3A_196 = arith.constant 256 : i32
        %dma_start3A_197 = tpu.memref_slice %arg7[%dma_start3A_196] : memref<512xi32, #tpu.memory_space<vmem>> -> memref<128xi32, #tpu.memory_space<vmem>>
        %dma_start3A_198 = arith.constant 0 : i32
        %dma_start3A_199 = tpu.memref_slice %arg4[%dma_start3A_198] : memref<140288xf32, #tpu.memory_space<hbm>> -> memref<140288xf32, #tpu.memory_space<hbm>>
        tpu.enqueue_indirect_dma source(%dma_start3A_199 : memref<140288xf32, #tpu.memory_space<hbm>>) target(%arg13 : memref<128xf32, #tpu.memory_space<vmem>>) offsets(%dma_start3A_197 : memref<128xi32, #tpu.memory_space<vmem>>) semaphore(%arg19 : memref<!tpu.dma_semaphore, #tpu.memory_space<semaphore_mem>>)
        %dma_start3A_200 = arith.constant 0 : i32
        %dma_start3A_201 = tpu.memref_slice %arg7[%dma_start3A_200] : memref<512xi32, #tpu.memory_space<vmem>> -> memref<128xi32, #tpu.memory_space<vmem>>
        %dma_start3A_202 = arith.constant 0 : i32
        %dma_start3A_203 = arith.constant 0 : i32
        %dma_start3A_204 = tpu.memref_slice %arg3[%dma_start3A_202, %dma_start3A_203] : memref<70000x128xf32, #tpu.memory_space<hbm>> -> memref<70000x128xf32, #tpu.memory_space<hbm>>
        tpu.enqueue_indirect_dma source(%dma_start3A_204 : memref<70000x128xf32, #tpu.memory_space<hbm>>) target(%arg15 : memref<128x128xf32, #tpu.memory_space<vmem>>) offsets(%dma_start3A_201 : memref<128xi32, #tpu.memory_space<vmem>>) semaphore(%arg21 : memref<!tpu.dma_semaphore, #tpu.memory_space<semaphore_mem>>)
      } else {
      }
      %mul3A_123 = arith.constant 32 : i32
      %mul3A_124 = arith.muli %add3A_112, %mul3A_123 : i32
      %add3A_125 = arith.addi %add3A, %mul3A_124 : i32
      %lt3A_126 = arith.constant 2500 : i32
      %lt3A_127 = arith.cmpi slt, %add3A_125, %lt3A_126 : i32
      %convert_element_type3A_128 = arith.extui %lt3A_127 : i1 to i32
      %cond3A_129 = arith.constant 0 : i32
      %cond3A_130 = arith.cmpi ne, %convert_element_type3A_128, %cond3A_129 : i32
      scf.if %cond3A_130 {
        %dma_wait3A_183 = arith.constant 128 : i32
        %dma_wait3A_184 = tpu.memref_slice %arg6[%dma_wait3A_183] : memref<512xi32, #tpu.memory_space<vmem>> -> memref<128xi32, #tpu.memory_space<vmem>>
        %dma_wait3A_185 = arith.constant 0 : i32
        %dma_wait3A_186 = tpu.memref_slice %arg4[%dma_wait3A_185] : memref<140288xf32, #tpu.memory_space<hbm>> -> memref<140288xf32, #tpu.memory_space<hbm>>
        tpu.wait_indirect_dma semaphore(%arg18 : memref<!tpu.dma_semaphore, #tpu.memory_space<semaphore_mem>>) src(%dma_wait3A_186 : memref<140288xf32, #tpu.memory_space<hbm>>) dst(%arg10 : memref<128xf32, #tpu.memory_space<vmem>>)
        %dma_wait3A_187 = arith.constant 256 : i32
        %dma_wait3A_188 = tpu.memref_slice %arg6[%dma_wait3A_187] : memref<512xi32, #tpu.memory_space<vmem>> -> memref<128xi32, #tpu.memory_space<vmem>>
        %dma_wait3A_189 = arith.constant 0 : i32
        %dma_wait3A_190 = tpu.memref_slice %arg4[%dma_wait3A_189] : memref<140288xf32, #tpu.memory_space<hbm>> -> memref<140288xf32, #tpu.memory_space<hbm>>
        tpu.wait_indirect_dma semaphore(%arg18 : memref<!tpu.dma_semaphore, #tpu.memory_space<semaphore_mem>>) src(%dma_wait3A_190 : memref<140288xf32, #tpu.memory_space<hbm>>) dst(%arg12 : memref<128xf32, #tpu.memory_space<vmem>>)
        %dma_wait3A_191 = arith.constant 0 : i32
        %dma_wait3A_192 = tpu.memref_slice %arg6[%dma_wait3A_191] : memref<512xi32, #tpu.memory_space<vmem>> -> memref<128xi32, #tpu.memory_space<vmem>>
        %dma_wait3A_193 = arith.constant 0 : i32
        %dma_wait3A_194 = arith.constant 0 : i32
        %dma_wait3A_195 = tpu.memref_slice %arg3[%dma_wait3A_193, %dma_wait3A_194] : memref<70000x128xf32, #tpu.memory_space<hbm>> -> memref<70000x128xf32, #tpu.memory_space<hbm>>
        tpu.wait_indirect_dma semaphore(%arg20 : memref<!tpu.dma_semaphore, #tpu.memory_space<semaphore_mem>>) src(%dma_wait3A_195 : memref<70000x128xf32, #tpu.memory_space<hbm>>) dst(%arg14 : memref<128x128xf32, #tpu.memory_space<vmem>>)
        %scan3A_196 = arith.constant 0 : i32
        %scan3A_197 = arith.constant 8 : i32
        %scan3A_198 = arith.addi %scan3A_196, %scan3A_197 : i32
        %scan3A_199 = arith.constant 1 : i32
        scf.for %scan3A_206 = %scan3A_196 to %scan3A_198 step %scan3A_199  : i32 {
          %mul3A_207 = arith.constant 16 : i32
          %mul3A_208 = arith.muli %scan3A_206, %mul3A_207 : i32
          %add3A_209 = arith.constant 0 : i32
          %add3A_210 = arith.addi %add3A_209, %mul3A_208 : i32
          %get3A = arith.index_cast %add3A_210 : i32 to index
          %get3A_211 = tpu.vector_load %arg10[%get3A] {strides = array<i32>} : memref<128xf32, #tpu.memory_space<vmem>>, vector<16xf32>,
          %get3A_212 = arith.index_cast %add3A_210 : i32 to index
          %get3A_213 = tpu.vector_load %arg12[%get3A_212] {strides = array<i32>} : memref<128xf32, #tpu.memory_space<vmem>>, vector<16xf32>,
          %add3A_214 = arith.addf %get3A_211, %get3A_213 : vector<16xf32>
          %max3A = arith.constant 1.000000e+00 : f32
          %max3A_215 = vector.broadcast %max3A : f32 to vector<16xf32>
          %max3A_216 = arith.maximumf %add3A_214, %max3A_215 : vector<16xf32>
          %div3A = arith.constant 1.000000e+00 : f32
          %div3A_217 = vector.broadcast %div3A : f32 to vector<16xf32>
          %div3A_218 = arith.divf %div3A_217, %max3A_216 : vector<16xf32>
          %swap3A = arith.index_cast %add3A_210 : i32 to index
          %swap3A_219 = tpu.vector_load %arg10[%swap3A] {strides = array<i32>} : memref<128xf32, #tpu.memory_space<vmem>>, vector<16xf32>,
          tpu.vector_store %arg10[%swap3A], %div3A_218 {strides = array<i32>} : memref<128xf32, #tpu.memory_space<vmem>>, vector<16xf32>,
        }
        %scan3A_200 = arith.constant 8 : i32
        %scan3A_201 = arith.constant 0 : i32
        %scan3A_202 = arith.constant 8 : i32
        %scan3A_203 = arith.addi %scan3A_201, %scan3A_202 : i32
        %scan3A_204 = arith.constant 1 : i32
        scf.for %scan3A_206 = %scan3A_201 to %scan3A_203 step %scan3A_204  : i32 {
          %mul3A_207 = arith.constant 16 : i32
          %mul3A_208 = arith.muli %scan3A_206, %mul3A_207 : i32
          %add3A_209 = arith.constant 0 : i32
          %add3A_210 = arith.addi %add3A_209, %mul3A_208 : i32
          %add3A_211 = arith.constant 384 : i32
          %add3A_212 = arith.addi %add3A_211, %add3A_210 : i32
          %get3A = arith.index_cast %add3A_212 : i32 to index
          %get3A_213 = tpu.vector_load %arg6[%get3A] {strides = array<i32>} : memref<512xi32, #tpu.memory_space<vmem>>, vector<16xi32>,
          %swap3A = arith.index_cast %add3A_210 : i32 to index
          %swap3A_214 = tpu.vector_load %arg8[%swap3A] {strides = array<i32>} : memref<128xi32, #tpu.memory_space<vmem>>, vector<16xi32>,
          tpu.vector_store %arg8[%swap3A], %get3A_213 {strides = array<i32>} : memref<128xi32, #tpu.memory_space<vmem>>, vector<16xi32>,
        }
        %scan3A_205 = arith.constant 8 : i32
      } else {
      }
      %add3A_131 = arith.constant 2 : i32
      %add3A_132 = arith.addi %add3A_112, %add3A_131 : i32
      %mul3A_133 = arith.constant 32 : i32
      %mul3A_134 = arith.muli %add3A_132, %mul3A_133 : i32
      %add3A_135 = arith.addi %add3A, %mul3A_134 : i32
      %lt3A_136 = arith.constant 2500 : i32
      %lt3A_137 = arith.cmpi slt, %add3A_135, %lt3A_136 : i32
      %convert_element_type3A_138 = arith.extui %lt3A_137 : i1 to i32
      %cond3A_139 = arith.constant 0 : i32
      %cond3A_140 = arith.cmpi ne, %convert_element_type3A_138, %cond3A_139 : i32
      scf.if %cond3A_140 {
        %dma_start3A = arith.constant 0 : i32
        %dma_start3A_183 = tpu.memref_slice %arg2[%add3A_135, %dma_start3A] : memref<2500x512xi32, #tpu.memory_space<hbm>> -> memref<1x512xi32, #tpu.memory_space<hbm>>
        %dma_start3A_184 = tpu.memref_squeeze %dma_start3A_183 : memref<1x512xi32, #tpu.memory_space<hbm>> -> memref<512xi32, #tpu.memory_space<hbm>>
        %dma_start3A_185 = arith.constant 0 : i32
        %dma_start3A_186 = tpu.memref_slice %arg2[%add3A_135, %dma_start3A_185] : memref<2500x512xi32, #tpu.memory_space<hbm>> -> memref<1x512xi32, #tpu.memory_space<hbm>>
        %dma_start3A_187 = tpu.memref_squeeze %dma_start3A_186 : memref<1x512xi32, #tpu.memory_space<hbm>> -> memref<512xi32, #tpu.memory_space<hbm>>
        tpu.enqueue_dma source(%dma_start3A_187 : memref<512xi32, #tpu.memory_space<hbm>>) target(%arg6 : memref<512xi32, #tpu.memory_space<vmem>>) target_semaphore(%arg16 : memref<!tpu.dma_semaphore, #tpu.memory_space<semaphore_mem>>)
      } else {
      }
      %lt3A_141 = arith.constant 2500 : i32
      %lt3A_142 = arith.cmpi slt, %add3A_125, %lt3A_141 : i32
      %convert_element_type3A_143 = arith.extui %lt3A_142 : i1 to i32
      %cond3A_144 = arith.constant 0 : i32
      %cond3A_145 = arith.cmpi ne, %convert_element_type3A_143, %cond3A_144 : i32
      scf.if %cond3A_145 {
        %scan3A_183 = arith.constant 0 : i32
        %scan3A_184 = arith.constant 32 : i32
        %scan3A_185 = arith.addi %scan3A_183, %scan3A_184 : i32
        %scan3A_186 = arith.constant 1 : i32
        scf.for %scan3A_190 = %scan3A_183 to %scan3A_185 step %scan3A_186  : i32 {
          %mul3A_191 = arith.constant 4 : i32
          %mul3A_192 = arith.muli %scan3A_190, %mul3A_191 : i32
          %add3A_193 = arith.constant 0 : i32
          %add3A_194 = arith.addi %add3A_193, %mul3A_192 : i32
          %add3A_195 = arith.constant 0 : i32
          %add3A_196 = arith.addi %add3A_194, %add3A_195 : i32
          %broadcast_in_dim3A_197 = vector.broadcast %add3A_196 : i32 to vector<16xi32>
          %gather3A = tpu.vector_load_idx %arg10[%broadcast_in_dim3A_197] : memref<128xf32, #tpu.memory_space<vmem>>[vector<16xi32>], vector<16xf32>,
          %add3A_198 = arith.constant 1 : i32
          %add3A_199 = arith.addi %add3A_194, %add3A_198 : i32
          %broadcast_in_dim3A_200 = vector.broadcast %add3A_199 : i32 to vector<16xi32>
          %gather3A_201 = tpu.vector_load_idx %arg10[%broadcast_in_dim3A_200] : memref<128xf32, #tpu.memory_space<vmem>>[vector<16xi32>], vector<16xf32>,
          %add3A_202 = arith.constant 2 : i32
          %add3A_203 = arith.addi %add3A_194, %add3A_202 : i32
          %broadcast_in_dim3A_204 = vector.broadcast %add3A_203 : i32 to vector<16xi32>
          %gather3A_205 = tpu.vector_load_idx %arg10[%broadcast_in_dim3A_204] : memref<128xf32, #tpu.memory_space<vmem>>[vector<16xi32>], vector<16xf32>,
          %add3A_206 = arith.constant 3 : i32
          %add3A_207 = arith.addi %add3A_194, %add3A_206 : i32
          %broadcast_in_dim3A_208 = vector.broadcast %add3A_207 : i32 to vector<16xi32>
          %gather3A_209 = tpu.vector_load_idx %arg10[%broadcast_in_dim3A_208] : memref<128xf32, #tpu.memory_space<vmem>>[vector<16xi32>], vector<16xf32>,
          %add3A_210 = arith.constant 0 : i32
          %add3A_211 = arith.addi %add3A_194, %add3A_210 : i32
          %get3A = arith.index_cast %add3A_211 : i32 to index
          %get3A_212 = arith.constant 0 : index
          %get3A_213 = tpu.vector_load %arg14[%get3A, %get3A_212] {strides = array<i32>} : memref<128x128xf32, #tpu.memory_space<vmem>>, vector<16xf32>,
          %mul3A_214 = arith.mulf %get3A_213, %gather3A : vector<16xf32>
          %add3A_215 = arith.constant 0 : i32
          %add3A_216 = arith.addi %add3A_194, %add3A_215 : i32
          %swap3A = arith.index_cast %add3A_216 : i32 to index
          %swap3A_217 = arith.constant 0 : index
          %swap3A_218 = tpu.vector_load %arg14[%swap3A, %swap3A_217] {strides = array<i32>} : memref<128x128xf32, #tpu.memory_space<vmem>>, vector<16xf32>,
          tpu.vector_store %arg14[%swap3A, %swap3A_217], %mul3A_214 {strides = array<i32>} : memref<128x128xf32, #tpu.memory_space<vmem>>, vector<16xf32>,
          %add3A_219 = arith.constant 0 : i32
          %add3A_220 = arith.addi %add3A_194, %add3A_219 : i32
          %get3A_221 = arith.index_cast %add3A_220 : i32 to index
          %get3A_222 = arith.constant 16 : index
          %get3A_223 = tpu.vector_load %arg14[%get3A_221, %get3A_222] {strides = array<i32>} : memref<128x128xf32, #tpu.memory_space<vmem>>, vector<16xf32>,
          %mul3A_224 = arith.mulf %get3A_223, %gather3A : vector<16xf32>
          %add3A_225 = arith.constant 0 : i32
          %add3A_226 = arith.addi %add3A_194, %add3A_225 : i32
          %swap3A_227 = arith.index_cast %add3A_226 : i32 to index
          %swap3A_228 = arith.constant 16 : index
          %swap3A_229 = tpu.vector_load %arg14[%swap3A_227, %swap3A_228] {strides = array<i32>} : memref<128x128xf32, #tpu.memory_space<vmem>>, vector<16xf32>,
          tpu.vector_store %arg14[%swap3A_227, %swap3A_228], %mul3A_224 {strides = array<i32>} : memref<128x128xf32, #tpu.memory_space<vmem>>, vector<16xf32>,
          %add3A_230 = arith.constant 0 : i32
          %add3A_231 = arith.addi %add3A_194, %add3A_230 : i32
          %get3A_232 = arith.index_cast %add3A_231 : i32 to index
          %get3A_233 = arith.constant 32 : index
          %get3A_234 = tpu.vector_load %arg14[%get3A_232, %get3A_233] {strides = array<i32>} : memref<128x128xf32, #tpu.memory_space<vmem>>, vector<16xf32>,
          %mul3A_235 = arith.mulf %get3A_234, %gather3A : vector<16xf32>
          %add3A_236 = arith.constant 0 : i32
          %add3A_237 = arith.addi %add3A_194, %add3A_236 : i32
          %swap3A_238 = arith.index_cast %add3A_237 : i32 to index
          %swap3A_239 = arith.constant 32 : index
          %swap3A_240 = tpu.vector_load %arg14[%swap3A_238, %swap3A_239] {strides = array<i32>} : memref<128x128xf32, #tpu.memory_space<vmem>>, vector<16xf32>,
          tpu.vector_store %arg14[%swap3A_238, %swap3A_239], %mul3A_235 {strides = array<i32>} : memref<128x128xf32, #tpu.memory_space<vmem>>, vector<16xf32>,
          %add3A_241 = arith.constant 0 : i32
          %add3A_242 = arith.addi %add3A_194, %add3A_241 : i32
          %get3A_243 = arith.index_cast %add3A_242 : i32 to index
          %get3A_244 = arith.constant 48 : index
          %get3A_245 = tpu.vector_load %arg14[%get3A_243, %get3A_244] {strides = array<i32>} : memref<128x128xf32, #tpu.memory_space<vmem>>, vector<16xf32>,
          %mul3A_246 = arith.mulf %get3A_245, %gather3A : vector<16xf32>
          %add3A_247 = arith.constant 0 : i32
          %add3A_248 = arith.addi %add3A_194, %add3A_247 : i32
          %swap3A_249 = arith.index_cast %add3A_248 : i32 to index
          %swap3A_250 = arith.constant 48 : index
          %swap3A_251 = tpu.vector_load %arg14[%swap3A_249, %swap3A_250] {strides = array<i32>} : memref<128x128xf32, #tpu.memory_space<vmem>>, vector<16xf32>,
          tpu.vector_store %arg14[%swap3A_249, %swap3A_250], %mul3A_246 {strides = array<i32>} : memref<128x128xf32, #tpu.memory_space<vmem>>, vector<16xf32>,
          %add3A_252 = arith.constant 0 : i32
          %add3A_253 = arith.addi %add3A_194, %add3A_252 : i32
          %get3A_254 = arith.index_cast %add3A_253 : i32 to index
          %get3A_255 = arith.constant 64 : index
          %get3A_256 = tpu.vector_load %arg14[%get3A_254, %get3A_255] {strides = array<i32>} : memref<128x128xf32, #tpu.memory_space<vmem>>, vector<16xf32>,
          %mul3A_257 = arith.mulf %get3A_256, %gather3A : vector<16xf32>
          %add3A_258 = arith.constant 0 : i32
          %add3A_259 = arith.addi %add3A_194, %add3A_258 : i32
          %swap3A_260 = arith.index_cast %add3A_259 : i32 to index
          %swap3A_261 = arith.constant 64 : index
          %swap3A_262 = tpu.vector_load %arg14[%swap3A_260, %swap3A_261] {strides = array<i32>} : memref<128x128xf32, #tpu.memory_space<vmem>>, vector<16xf32>,
          tpu.vector_store %arg14[%swap3A_260, %swap3A_261], %mul3A_257 {strides = array<i32>} : memref<128x128xf32, #tpu.memory_space<vmem>>, vector<16xf32>,
          %add3A_263 = arith.constant 0 : i32
          %add3A_264 = arith.addi %add3A_194, %add3A_263 : i32
          %get3A_265 = arith.index_cast %add3A_264 : i32 to index
          %get3A_266 = arith.constant 80 : index
          %get3A_267 = tpu.vector_load %arg14[%get3A_265, %get3A_266] {strides = array<i32>} : memref<128x128xf32, #tpu.memory_space<vmem>>, vector<16xf32>,
          %mul3A_268 = arith.mulf %get3A_267, %gather3A : vector<16xf32>
          %add3A_269 = arith.constant 0 : i32
          %add3A_270 = arith.addi %add3A_194, %add3A_269 : i32
          %swap3A_271 = arith.index_cast %add3A_270 : i32 to index
          %swap3A_272 = arith.constant 80 : index
          %swap3A_273 = tpu.vector_load %arg14[%swap3A_271, %swap3A_272] {strides = array<i32>} : memref<128x128xf32, #tpu.memory_space<vmem>>, vector<16xf32>,
          tpu.vector_store %arg14[%swap3A_271, %swap3A_272], %mul3A_268 {strides = array<i32>} : memref<128x128xf32, #tpu.memory_space<vmem>>, vector<16xf32>,
          %add3A_274 = arith.constant 0 : i32
          %add3A_275 = arith.addi %add3A_194, %add3A_274 : i32
          %get3A_276 = arith.index_cast %add3A_275 : i32 to index
          %get3A_277 = arith.constant 96 : index
          %get3A_278 = tpu.vector_load %arg14[%get3A_276, %get3A_277] {strides = array<i32>} : memref<128x128xf32, #tpu.memory_space<vmem>>, vector<16xf32>,
          %mul3A_279 = arith.mulf %get3A_278, %gather3A : vector<16xf32>
          %add3A_280 = arith.constant 0 : i32
          %add3A_281 = arith.addi %add3A_194, %add3A_280 : i32
          %swap3A_282 = arith.index_cast %add3A_281 : i32 to index
          %swap3A_283 = arith.constant 96 : index
          %swap3A_284 = tpu.vector_load %arg14[%swap3A_282, %swap3A_283] {strides = array<i32>} : memref<128x128xf32, #tpu.memory_space<vmem>>, vector<16xf32>,
          tpu.vector_store %arg14[%swap3A_282, %swap3A_283], %mul3A_279 {strides = array<i32>} : memref<128x128xf32, #tpu.memory_space<vmem>>, vector<16xf32>,
          %add3A_285 = arith.constant 0 : i32
          %add3A_286 = arith.addi %add3A_194, %add3A_285 : i32
          %get3A_287 = arith.index_cast %add3A_286 : i32 to index
          %get3A_288 = arith.constant 112 : index
          %get3A_289 = tpu.vector_load %arg14[%get3A_287, %get3A_288] {strides = array<i32>} : memref<128x128xf32, #tpu.memory_space<vmem>>, vector<16xf32>,
          %mul3A_290 = arith.mulf %get3A_289, %gather3A : vector<16xf32>
          %add3A_291 = arith.constant 0 : i32
          %add3A_292 = arith.addi %add3A_194, %add3A_291 : i32
          %swap3A_293 = arith.index_cast %add3A_292 : i32 to index
          %swap3A_294 = arith.constant 112 : index
          %swap3A_295 = tpu.vector_load %arg14[%swap3A_293, %swap3A_294] {strides = array<i32>} : memref<128x128xf32, #tpu.memory_space<vmem>>, vector<16xf32>,
          tpu.vector_store %arg14[%swap3A_293, %swap3A_294], %mul3A_290 {strides = array<i32>} : memref<128x128xf32, #tpu.memory_space<vmem>>, vector<16xf32>,
          %add3A_296 = arith.constant 1 : i32
          %add3A_297 = arith.addi %add3A_194, %add3A_296 : i32
          %get3A_298 = arith.index_cast %add3A_297 : i32 to index
          %get3A_299 = arith.constant 0 : index
          %get3A_300 = tpu.vector_load %arg14[%get3A_298, %get3A_299] {strides = array<i32>} : memref<128x128xf32, #tpu.memory_space<vmem>>, vector<16xf32>,
          %mul3A_301 = arith.mulf %get3A_300, %gather3A_201 : vector<16xf32>
          %add3A_302 = arith.constant 1 : i32
          %add3A_303 = arith.addi %add3A_194, %add3A_302 : i32
          %swap3A_304 = arith.index_cast %add3A_303 : i32 to index
          %swap3A_305 = arith.constant 0 : index
          %swap3A_306 = tpu.vector_load %arg14[%swap3A_304, %swap3A_305] {strides = array<i32>} : memref<128x128xf32, #tpu.memory_space<vmem>>, vector<16xf32>,
          tpu.vector_store %arg14[%swap3A_304, %swap3A_305], %mul3A_301 {strides = array<i32>} : memref<128x128xf32, #tpu.memory_space<vmem>>, vector<16xf32>,
          %add3A_307 = arith.constant 1 : i32
          %add3A_308 = arith.addi %add3A_194, %add3A_307 : i32
          %get3A_309 = arith.index_cast %add3A_308 : i32 to index
          %get3A_310 = arith.constant 16 : index
          %get3A_311 = tpu.vector_load %arg14[%get3A_309, %get3A_310] {strides = array<i32>} : memref<128x128xf32, #tpu.memory_space<vmem>>, vector<16xf32>,
          %mul3A_312 = arith.mulf %get3A_311, %gather3A_201 : vector<16xf32>
          %add3A_313 = arith.constant 1 : i32
          %add3A_314 = arith.addi %add3A_194, %add3A_313 : i32
          %swap3A_315 = arith.index_cast %add3A_314 : i32 to index
          %swap3A_316 = arith.constant 16 : index
          %swap3A_317 = tpu.vector_load %arg14[%swap3A_315, %swap3A_316] {strides = array<i32>} : memref<128x128xf32, #tpu.memory_space<vmem>>, vector<16xf32>,
          tpu.vector_store %arg14[%swap3A_315, %swap3A_316], %mul3A_312 {strides = array<i32>} : memref<128x128xf32, #tpu.memory_space<vmem>>, vector<16xf32>,
          %add3A_318 = arith.constant 1 : i32
          %add3A_319 = arith.addi %add3A_194, %add3A_318 : i32
          %get3A_320 = arith.index_cast %add3A_319 : i32 to index
          %get3A_321 = arith.constant 32 : index
          %get3A_322 = tpu.vector_load %arg14[%get3A_320, %get3A_321] {strides = array<i32>} : memref<128x128xf32, #tpu.memory_space<vmem>>, vector<16xf32>,
          %mul3A_323 = arith.mulf %get3A_322, %gather3A_201 : vector<16xf32>
          %add3A_324 = arith.constant 1 : i32
          %add3A_325 = arith.addi %add3A_194, %add3A_324 : i32
          %swap3A_326 = arith.index_cast %add3A_325 : i32 to index
          %swap3A_327 = arith.constant 32 : index
          %swap3A_328 = tpu.vector_load %arg14[%swap3A_326, %swap3A_327] {strides = array<i32>} : memref<128x128xf32, #tpu.memory_space<vmem>>, vector<16xf32>,
          tpu.vector_store %arg14[%swap3A_326, %swap3A_327], %mul3A_323 {strides = array<i32>} : memref<128x128xf32, #tpu.memory_space<vmem>>, vector<16xf32>,
          %add3A_329 = arith.constant 1 : i32
          %add3A_330 = arith.addi %add3A_194, %add3A_329 : i32
          %get3A_331 = arith.index_cast %add3A_330 : i32 to index
          %get3A_332 = arith.constant 48 : index
          %get3A_333 = tpu.vector_load %arg14[%get3A_331, %get3A_332] {strides = array<i32>} : memref<128x128xf32, #tpu.memory_space<vmem>>, vector<16xf32>,
          %mul3A_334 = arith.mulf %get3A_333, %gather3A_201 : vector<16xf32>
          %add3A_335 = arith.constant 1 : i32
          %add3A_336 = arith.addi %add3A_194, %add3A_335 : i32
          %swap3A_337 = arith.index_cast %add3A_336 : i32 to index
          %swap3A_338 = arith.constant 48 : index
          %swap3A_339 = tpu.vector_load %arg14[%swap3A_337, %swap3A_338] {strides = array<i32>} : memref<128x128xf32, #tpu.memory_space<vmem>>, vector<16xf32>,
          tpu.vector_store %arg14[%swap3A_337, %swap3A_338], %mul3A_334 {strides = array<i32>} : memref<128x128xf32, #tpu.memory_space<vmem>>, vector<16xf32>,
          %add3A_340 = arith.constant 1 : i32
          %add3A_341 = arith.addi %add3A_194, %add3A_340 : i32
          %get3A_342 = arith.index_cast %add3A_341 : i32 to index
          %get3A_343 = arith.constant 64 : index
          %get3A_344 = tpu.vector_load %arg14[%get3A_342, %get3A_343] {strides = array<i32>} : memref<128x128xf32, #tpu.memory_space<vmem>>, vector<16xf32>,
          %mul3A_345 = arith.mulf %get3A_344, %gather3A_201 : vector<16xf32>
          %add3A_346 = arith.constant 1 : i32
          %add3A_347 = arith.addi %add3A_194, %add3A_346 : i32
          %swap3A_348 = arith.index_cast %add3A_347 : i32 to index
          %swap3A_349 = arith.constant 64 : index
          %swap3A_350 = tpu.vector_load %arg14[%swap3A_348, %swap3A_349] {strides = array<i32>} : memref<128x128xf32, #tpu.memory_space<vmem>>, vector<16xf32>,
          tpu.vector_store %arg14[%swap3A_348, %swap3A_349], %mul3A_345 {strides = array<i32>} : memref<128x128xf32, #tpu.memory_space<vmem>>, vector<16xf32>,
          %add3A_351 = arith.constant 1 : i32
          %add3A_352 = arith.addi %add3A_194, %add3A_351 : i32
          %get3A_353 = arith.index_cast %add3A_352 : i32 to index
          %get3A_354 = arith.constant 80 : index
          %get3A_355 = tpu.vector_load %arg14[%get3A_353, %get3A_354] {strides = array<i32>} : memref<128x128xf32, #tpu.memory_space<vmem>>, vector<16xf32>,
          %mul3A_356 = arith.mulf %get3A_355, %gather3A_201 : vector<16xf32>
          %add3A_357 = arith.constant 1 : i32
          %add3A_358 = arith.addi %add3A_194, %add3A_357 : i32
          %swap3A_359 = arith.index_cast %add3A_358 : i32 to index
          %swap3A_360 = arith.constant 80 : index
          %swap3A_361 = tpu.vector_load %arg14[%swap3A_359, %swap3A_360] {strides = array<i32>} : memref<128x128xf32, #tpu.memory_space<vmem>>, vector<16xf32>,
          tpu.vector_store %arg14[%swap3A_359, %swap3A_360], %mul3A_356 {strides = array<i32>} : memref<128x128xf32, #tpu.memory_space<vmem>>, vector<16xf32>,
          %add3A_362 = arith.constant 1 : i32
          %add3A_363 = arith.addi %add3A_194, %add3A_362 : i32
          %get3A_364 = arith.index_cast %add3A_363 : i32 to index
          %get3A_365 = arith.constant 96 : index
          %get3A_366 = tpu.vector_load %arg14[%get3A_364, %get3A_365] {strides = array<i32>} : memref<128x128xf32, #tpu.memory_space<vmem>>, vector<16xf32>,
          %mul3A_367 = arith.mulf %get3A_366, %gather3A_201 : vector<16xf32>
          %add3A_368 = arith.constant 1 : i32
          %add3A_369 = arith.addi %add3A_194, %add3A_368 : i32
          %swap3A_370 = arith.index_cast %add3A_369 : i32 to index
          %swap3A_371 = arith.constant 96 : index
          %swap3A_372 = tpu.vector_load %arg14[%swap3A_370, %swap3A_371] {strides = array<i32>} : memref<128x128xf32, #tpu.memory_space<vmem>>, vector<16xf32>,
          tpu.vector_store %arg14[%swap3A_370, %swap3A_371], %mul3A_367 {strides = array<i32>} : memref<128x128xf32, #tpu.memory_space<vmem>>, vector<16xf32>,
          %add3A_373 = arith.constant 1 : i32
          %add3A_374 = arith.addi %add3A_194, %add3A_373 : i32
          %get3A_375 = arith.index_cast %add3A_374 : i32 to index
          %get3A_376 = arith.constant 112 : index
          %get3A_377 = tpu.vector_load %arg14[%get3A_375, %get3A_376] {strides = array<i32>} : memref<128x128xf32, #tpu.memory_space<vmem>>, vector<16xf32>,
          %mul3A_378 = arith.mulf %get3A_377, %gather3A_201 : vector<16xf32>
          %add3A_379 = arith.constant 1 : i32
          %add3A_380 = arith.addi %add3A_194, %add3A_379 : i32
          %swap3A_381 = arith.index_cast %add3A_380 : i32 to index
          %swap3A_382 = arith.constant 112 : index
          %swap3A_383 = tpu.vector_load %arg14[%swap3A_381, %swap3A_382] {strides = array<i32>} : memref<128x128xf32, #tpu.memory_space<vmem>>, vector<16xf32>,
          tpu.vector_store %arg14[%swap3A_381, %swap3A_382], %mul3A_378 {strides = array<i32>} : memref<128x128xf32, #tpu.memory_space<vmem>>, vector<16xf32>,
          %add3A_384 = arith.constant 2 : i32
          %add3A_385 = arith.addi %add3A_194, %add3A_384 : i32
          %get3A_386 = arith.index_cast %add3A_385 : i32 to index
          %get3A_387 = arith.constant 0 : index
          %get3A_388 = tpu.vector_load %arg14[%get3A_386, %get3A_387] {strides = array<i32>} : memref<128x128xf32, #tpu.memory_space<vmem>>, vector<16xf32>,
          %mul3A_389 = arith.mulf %get3A_388, %gather3A_205 : vector<16xf32>
          %add3A_390 = arith.constant 2 : i32
          %add3A_391 = arith.addi %add3A_194, %add3A_390 : i32
          %swap3A_392 = arith.index_cast %add3A_391 : i32 to index
          %swap3A_393 = arith.constant 0 : index
          %swap3A_394 = tpu.vector_load %arg14[%swap3A_392, %swap3A_393] {strides = array<i32>} : memref<128x128xf32, #tpu.memory_space<vmem>>, vector<16xf32>,
          tpu.vector_store %arg14[%swap3A_392, %swap3A_393], %mul3A_389 {strides = array<i32>} : memref<128x128xf32, #tpu.memory_space<vmem>>, vector<16xf32>,
          %add3A_395 = arith.constant 2 : i32
          %add3A_396 = arith.addi %add3A_194, %add3A_395 : i32
          %get3A_397 = arith.index_cast %add3A_396 : i32 to index
          %get3A_398 = arith.constant 16 : index
          %get3A_399 = tpu.vector_load %arg14[%get3A_397, %get3A_398] {strides = array<i32>} : memref<128x128xf32, #tpu.memory_space<vmem>>, vector<16xf32>,
          %mul3A_400 = arith.mulf %get3A_399, %gather3A_205 : vector<16xf32>
          %add3A_401 = arith.constant 2 : i32
          %add3A_402 = arith.addi %add3A_194, %add3A_401 : i32
          %swap3A_403 = arith.index_cast %add3A_402 : i32 to index
          %swap3A_404 = arith.constant 16 : index
          %swap3A_405 = tpu.vector_load %arg14[%swap3A_403, %swap3A_404] {strides = array<i32>} : memref<128x128xf32, #tpu.memory_space<vmem>>, vector<16xf32>,
          tpu.vector_store %arg14[%swap3A_403, %swap3A_404], %mul3A_400 {strides = array<i32>} : memref<128x128xf32, #tpu.memory_space<vmem>>, vector<16xf32>,
          %add3A_406 = arith.constant 2 : i32
          %add3A_407 = arith.addi %add3A_194, %add3A_406 : i32
          %get3A_408 = arith.index_cast %add3A_407 : i32 to index
          %get3A_409 = arith.constant 32 : index
          %get3A_410 = tpu.vector_load %arg14[%get3A_408, %get3A_409] {strides = array<i32>} : memref<128x128xf32, #tpu.memory_space<vmem>>, vector<16xf32>,
          %mul3A_411 = arith.mulf %get3A_410, %gather3A_205 : vector<16xf32>
          %add3A_412 = arith.constant 2 : i32
          %add3A_413 = arith.addi %add3A_194, %add3A_412 : i32
          %swap3A_414 = arith.index_cast %add3A_413 : i32 to index
          %swap3A_415 = arith.constant 32 : index
          %swap3A_416 = tpu.vector_load %arg14[%swap3A_414, %swap3A_415] {strides = array<i32>} : memref<128x128xf32, #tpu.memory_space<vmem>>, vector<16xf32>,
          tpu.vector_store %arg14[%swap3A_414, %swap3A_415], %mul3A_411 {strides = array<i32>} : memref<128x128xf32, #tpu.memory_space<vmem>>, vector<16xf32>,
          %add3A_417 = arith.constant 2 : i32
          %add3A_418 = arith.addi %add3A_194, %add3A_417 : i32
          %get3A_419 = arith.index_cast %add3A_418 : i32 to index
          %get3A_420 = arith.constant 48 : index
          %get3A_421 = tpu.vector_load %arg14[%get3A_419, %get3A_420] {strides = array<i32>} : memref<128x128xf32, #tpu.memory_space<vmem>>, vector<16xf32>,
          %mul3A_422 = arith.mulf %get3A_421, %gather3A_205 : vector<16xf32>
          %add3A_423 = arith.constant 2 : i32
          %add3A_424 = arith.addi %add3A_194, %add3A_423 : i32
          %swap3A_425 = arith.index_cast %add3A_424 : i32 to index
          %swap3A_426 = arith.constant 48 : index
          %swap3A_427 = tpu.vector_load %arg14[%swap3A_425, %swap3A_426] {strides = array<i32>} : memref<128x128xf32, #tpu.memory_space<vmem>>, vector<16xf32>,
          tpu.vector_store %arg14[%swap3A_425, %swap3A_426], %mul3A_422 {strides = array<i32>} : memref<128x128xf32, #tpu.memory_space<vmem>>, vector<16xf32>,
          %add3A_428 = arith.constant 2 : i32
          %add3A_429 = arith.addi %add3A_194, %add3A_428 : i32
          %get3A_430 = arith.index_cast %add3A_429 : i32 to index
          %get3A_431 = arith.constant 64 : index
          %get3A_432 = tpu.vector_load %arg14[%get3A_430, %get3A_431] {strides = array<i32>} : memref<128x128xf32, #tpu.memory_space<vmem>>, vector<16xf32>,
          %mul3A_433 = arith.mulf %get3A_432, %gather3A_205 : vector<16xf32>
          %add3A_434 = arith.constant 2 : i32
          %add3A_435 = arith.addi %add3A_194, %add3A_434 : i32
          %swap3A_436 = arith.index_cast %add3A_435 : i32 to index
          %swap3A_437 = arith.constant 64 : index
          %swap3A_438 = tpu.vector_load %arg14[%swap3A_436, %swap3A_437] {strides = array<i32>} : memref<128x128xf32, #tpu.memory_space<vmem>>, vector<16xf32>,
          tpu.vector_store %arg14[%swap3A_436, %swap3A_437], %mul3A_433 {strides = array<i32>} : memref<128x128xf32, #tpu.memory_space<vmem>>, vector<16xf32>,
          %add3A_439 = arith.constant 2 : i32
          %add3A_440 = arith.addi %add3A_194, %add3A_439 : i32
          %get3A_441 = arith.index_cast %add3A_440 : i32 to index
          %get3A_442 = arith.constant 80 : index
          %get3A_443 = tpu.vector_load %arg14[%get3A_441, %get3A_442] {strides = array<i32>} : memref<128x128xf32, #tpu.memory_space<vmem>>, vector<16xf32>,
          %mul3A_444 = arith.mulf %get3A_443, %gather3A_205 : vector<16xf32>
          %add3A_445 = arith.constant 2 : i32
          %add3A_446 = arith.addi %add3A_194, %add3A_445 : i32
          %swap3A_447 = arith.index_cast %add3A_446 : i32 to index
          %swap3A_448 = arith.constant 80 : index
          %swap3A_449 = tpu.vector_load %arg14[%swap3A_447, %swap3A_448] {strides = array<i32>} : memref<128x128xf32, #tpu.memory_space<vmem>>, vector<16xf32>,
          tpu.vector_store %arg14[%swap3A_447, %swap3A_448], %mul3A_444 {strides = array<i32>} : memref<128x128xf32, #tpu.memory_space<vmem>>, vector<16xf32>,
          %add3A_450 = arith.constant 2 : i32
          %add3A_451 = arith.addi %add3A_194, %add3A_450 : i32
          %get3A_452 = arith.index_cast %add3A_451 : i32 to index
          %get3A_453 = arith.constant 96 : index
          %get3A_454 = tpu.vector_load %arg14[%get3A_452, %get3A_453] {strides = array<i32>} : memref<128x128xf32, #tpu.memory_space<vmem>>, vector<16xf32>,
          %mul3A_455 = arith.mulf %get3A_454, %gather3A_205 : vector<16xf32>
          %add3A_456 = arith.constant 2 : i32
          %add3A_457 = arith.addi %add3A_194, %add3A_456 : i32
          %swap3A_458 = arith.index_cast %add3A_457 : i32 to index
          %swap3A_459 = arith.constant 96 : index
          %swap3A_460 = tpu.vector_load %arg14[%swap3A_458, %swap3A_459] {strides = array<i32>} : memref<128x128xf32, #tpu.memory_space<vmem>>, vector<16xf32>,
          tpu.vector_store %arg14[%swap3A_458, %swap3A_459], %mul3A_455 {strides = array<i32>} : memref<128x128xf32, #tpu.memory_space<vmem>>, vector<16xf32>,
          %add3A_461 = arith.constant 2 : i32
          %add3A_462 = arith.addi %add3A_194, %add3A_461 : i32
          %get3A_463 = arith.index_cast %add3A_462 : i32 to index
          %get3A_464 = arith.constant 112 : index
          %get3A_465 = tpu.vector_load %arg14[%get3A_463, %get3A_464] {strides = array<i32>} : memref<128x128xf32, #tpu.memory_space<vmem>>, vector<16xf32>,
          %mul3A_466 = arith.mulf %get3A_465, %gather3A_205 : vector<16xf32>
          %add3A_467 = arith.constant 2 : i32
          %add3A_468 = arith.addi %add3A_194, %add3A_467 : i32
          %swap3A_469 = arith.index_cast %add3A_468 : i32 to index
          %swap3A_470 = arith.constant 112 : index
          %swap3A_471 = tpu.vector_load %arg14[%swap3A_469, %swap3A_470] {strides = array<i32>} : memref<128x128xf32, #tpu.memory_space<vmem>>, vector<16xf32>,
          tpu.vector_store %arg14[%swap3A_469, %swap3A_470], %mul3A_466 {strides = array<i32>} : memref<128x128xf32, #tpu.memory_space<vmem>>, vector<16xf32>,
          %add3A_472 = arith.constant 3 : i32
          %add3A_473 = arith.addi %add3A_194, %add3A_472 : i32
          %get3A_474 = arith.index_cast %add3A_473 : i32 to index
          %get3A_475 = arith.constant 0 : index
          %get3A_476 = tpu.vector_load %arg14[%get3A_474, %get3A_475] {strides = array<i32>} : memref<128x128xf32, #tpu.memory_space<vmem>>, vector<16xf32>,
          %mul3A_477 = arith.mulf %get3A_476, %gather3A_209 : vector<16xf32>
          %add3A_478 = arith.constant 3 : i32
          %add3A_479 = arith.addi %add3A_194, %add3A_478 : i32
          %swap3A_480 = arith.index_cast %add3A_479 : i32 to index
          %swap3A_481 = arith.constant 0 : index
          %swap3A_482 = tpu.vector_load %arg14[%swap3A_480, %swap3A_481] {strides = array<i32>} : memref<128x128xf32, #tpu.memory_space<vmem>>, vector<16xf32>,
          tpu.vector_store %arg14[%swap3A_480, %swap3A_481], %mul3A_477 {strides = array<i32>} : memref<128x128xf32, #tpu.memory_space<vmem>>, vector<16xf32>,
          %add3A_483 = arith.constant 3 : i32
          %add3A_484 = arith.addi %add3A_194, %add3A_483 : i32
          %get3A_485 = arith.index_cast %add3A_484 : i32 to index
          %get3A_486 = arith.constant 16 : index
          %get3A_487 = tpu.vector_load %arg14[%get3A_485, %get3A_486] {strides = array<i32>} : memref<128x128xf32, #tpu.memory_space<vmem>>, vector<16xf32>,
          %mul3A_488 = arith.mulf %get3A_487, %gather3A_209 : vector<16xf32>
          %add3A_489 = arith.constant 3 : i32
          %add3A_490 = arith.addi %add3A_194, %add3A_489 : i32
          %swap3A_491 = arith.index_cast %add3A_490 : i32 to index
          %swap3A_492 = arith.constant 16 : index
          %swap3A_493 = tpu.vector_load %arg14[%swap3A_491, %swap3A_492] {strides = array<i32>} : memref<128x128xf32, #tpu.memory_space<vmem>>, vector<16xf32>,
          tpu.vector_store %arg14[%swap3A_491, %swap3A_492], %mul3A_488 {strides = array<i32>} : memref<128x128xf32, #tpu.memory_space<vmem>>, vector<16xf32>,
          %add3A_494 = arith.constant 3 : i32
          %add3A_495 = arith.addi %add3A_194, %add3A_494 : i32
          %get3A_496 = arith.index_cast %add3A_495 : i32 to index
          %get3A_497 = arith.constant 32 : index
          %get3A_498 = tpu.vector_load %arg14[%get3A_496, %get3A_497] {strides = array<i32>} : memref<128x128xf32, #tpu.memory_space<vmem>>, vector<16xf32>,
          %mul3A_499 = arith.mulf %get3A_498, %gather3A_209 : vector<16xf32>
          %add3A_500 = arith.constant 3 : i32
          %add3A_501 = arith.addi %add3A_194, %add3A_500 : i32
          %swap3A_502 = arith.index_cast %add3A_501 : i32 to index
          %swap3A_503 = arith.constant 32 : index
          %swap3A_504 = tpu.vector_load %arg14[%swap3A_502, %swap3A_503] {strides = array<i32>} : memref<128x128xf32, #tpu.memory_space<vmem>>, vector<16xf32>,
          tpu.vector_store %arg14[%swap3A_502, %swap3A_503], %mul3A_499 {strides = array<i32>} : memref<128x128xf32, #tpu.memory_space<vmem>>, vector<16xf32>,
          %add3A_505 = arith.constant 3 : i32
          %add3A_506 = arith.addi %add3A_194, %add3A_505 : i32
          %get3A_507 = arith.index_cast %add3A_506 : i32 to index
          %get3A_508 = arith.constant 48 : index
          %get3A_509 = tpu.vector_load %arg14[%get3A_507, %get3A_508] {strides = array<i32>} : memref<128x128xf32, #tpu.memory_space<vmem>>, vector<16xf32>,
          %mul3A_510 = arith.mulf %get3A_509, %gather3A_209 : vector<16xf32>
          %add3A_511 = arith.constant 3 : i32
          %add3A_512 = arith.addi %add3A_194, %add3A_511 : i32
          %swap3A_513 = arith.index_cast %add3A_512 : i32 to index
          %swap3A_514 = arith.constant 48 : index
          %swap3A_515 = tpu.vector_load %arg14[%swap3A_513, %swap3A_514] {strides = array<i32>} : memref<128x128xf32, #tpu.memory_space<vmem>>, vector<16xf32>,
          tpu.vector_store %arg14[%swap3A_513, %swap3A_514], %mul3A_510 {strides = array<i32>} : memref<128x128xf32, #tpu.memory_space<vmem>>, vector<16xf32>,
          %add3A_516 = arith.constant 3 : i32
          %add3A_517 = arith.addi %add3A_194, %add3A_516 : i32
          %get3A_518 = arith.index_cast %add3A_517 : i32 to index
          %get3A_519 = arith.constant 64 : index
          %get3A_520 = tpu.vector_load %arg14[%get3A_518, %get3A_519] {strides = array<i32>} : memref<128x128xf32, #tpu.memory_space<vmem>>, vector<16xf32>,
          %mul3A_521 = arith.mulf %get3A_520, %gather3A_209 : vector<16xf32>
          %add3A_522 = arith.constant 3 : i32
          %add3A_523 = arith.addi %add3A_194, %add3A_522 : i32
          %swap3A_524 = arith.index_cast %add3A_523 : i32 to index
          %swap3A_525 = arith.constant 64 : index
          %swap3A_526 = tpu.vector_load %arg14[%swap3A_524, %swap3A_525] {strides = array<i32>} : memref<128x128xf32, #tpu.memory_space<vmem>>, vector<16xf32>,
          tpu.vector_store %arg14[%swap3A_524, %swap3A_525], %mul3A_521 {strides = array<i32>} : memref<128x128xf32, #tpu.memory_space<vmem>>, vector<16xf32>,
          %add3A_527 = arith.constant 3 : i32
          %add3A_528 = arith.addi %add3A_194, %add3A_527 : i32
          %get3A_529 = arith.index_cast %add3A_528 : i32 to index
          %get3A_530 = arith.constant 80 : index
          %get3A_531 = tpu.vector_load %arg14[%get3A_529, %get3A_530] {strides = array<i32>} : memref<128x128xf32, #tpu.memory_space<vmem>>, vector<16xf32>,
          %mul3A_532 = arith.mulf %get3A_531, %gather3A_209 : vector<16xf32>
          %add3A_533 = arith.constant 3 : i32
          %add3A_534 = arith.addi %add3A_194, %add3A_533 : i32
          %swap3A_535 = arith.index_cast %add3A_534 : i32 to index
          %swap3A_536 = arith.constant 80 : index
          %swap3A_537 = tpu.vector_load %arg14[%swap3A_535, %swap3A_536] {strides = array<i32>} : memref<128x128xf32, #tpu.memory_space<vmem>>, vector<16xf32>,
          tpu.vector_store %arg14[%swap3A_535, %swap3A_536], %mul3A_532 {strides = array<i32>} : memref<128x128xf32, #tpu.memory_space<vmem>>, vector<16xf32>,
          %add3A_538 = arith.constant 3 : i32
          %add3A_539 = arith.addi %add3A_194, %add3A_538 : i32
          %get3A_540 = arith.index_cast %add3A_539 : i32 to index
          %get3A_541 = arith.constant 96 : index
          %get3A_542 = tpu.vector_load %arg14[%get3A_540, %get3A_541] {strides = array<i32>} : memref<128x128xf32, #tpu.memory_space<vmem>>, vector<16xf32>,
          %mul3A_543 = arith.mulf %get3A_542, %gather3A_209 : vector<16xf32>
          %add3A_544 = arith.constant 3 : i32
          %add3A_545 = arith.addi %add3A_194, %add3A_544 : i32
          %swap3A_546 = arith.index_cast %add3A_545 : i32 to index
          %swap3A_547 = arith.constant 96 : index
          %swap3A_548 = tpu.vector_load %arg14[%swap3A_546, %swap3A_547] {strides = array<i32>} : memref<128x128xf32, #tpu.memory_space<vmem>>, vector<16xf32>,
          tpu.vector_store %arg14[%swap3A_546, %swap3A_547], %mul3A_543 {strides = array<i32>} : memref<128x128xf32, #tpu.memory_space<vmem>>, vector<16xf32>,
          %add3A_549 = arith.constant 3 : i32
          %add3A_550 = arith.addi %add3A_194, %add3A_549 : i32
          %get3A_551 = arith.index_cast %add3A_550 : i32 to index
          %get3A_552 = arith.constant 112 : index
          %get3A_553 = tpu.vector_load %arg14[%get3A_551, %get3A_552] {strides = array<i32>} : memref<128x128xf32, #tpu.memory_space<vmem>>, vector<16xf32>,
          %mul3A_554 = arith.mulf %get3A_553, %gather3A_209 : vector<16xf32>
          %add3A_555 = arith.constant 3 : i32
          %add3A_556 = arith.addi %add3A_194, %add3A_555 : i32
          %swap3A_557 = arith.index_cast %add3A_556 : i32 to index
          %swap3A_558 = arith.constant 112 : index
          %swap3A_559 = tpu.vector_load %arg14[%swap3A_557, %swap3A_558] {strides = array<i32>} : memref<128x128xf32, #tpu.memory_space<vmem>>, vector<16xf32>,
          tpu.vector_store %arg14[%swap3A_557, %swap3A_558], %mul3A_554 {strides = array<i32>} : memref<128x128xf32, #tpu.memory_space<vmem>>, vector<16xf32>,
        }
        %scan3A_187 = arith.constant 32 : i32
        %dma_start3A = arith.constant 0 : i32
        %dma_start3A_188 = arith.constant 0 : i32
        %dma_start3A_189 = tpu.memref_slice %arg24[%dma_start3A, %dma_start3A_188] : memref<10000x128xf32, #tpu.memory_space<vmem_shared>> -> memref<10000x128xf32, #tpu.memory_space<vmem_shared>>
        tpu.enqueue_indirect_dma source(%arg14 : memref<128x128xf32, #tpu.memory_space<vmem>>) target(%dma_start3A_189 : memref<10000x128xf32, #tpu.memory_space<vmem_shared>>) offsets(%arg8 : memref<128xi32, #tpu.memory_space<vmem>>) semaphore(%arg22 : memref<!tpu.dma_semaphore, #tpu.memory_space<semaphore_mem>>) {add = true}
      } else {
      }
      %mul3A_146 = arith.constant 2 : i32
      %mul3A_147 = arith.muli %mul3A_146, %add3A_108 : i32
      %add3A_148 = arith.constant 1 : i32
      %add3A_149 = arith.addi %mul3A_147, %add3A_148 : i32
      %add3A_150 = arith.constant 1 : i32
      %add3A_151 = arith.addi %add3A_149, %add3A_150 : i32
      %mul3A_152 = arith.constant 32 : i32
      %mul3A_153 = arith.muli %add3A_151, %mul3A_152 : i32
      %add3A_154 = arith.addi %add3A, %mul3A_153 : i32
      %lt3A_155 = arith.constant 2500 : i32
      %lt3A_156 = arith.cmpi slt, %add3A_154, %lt3A_155 : i32
      %convert_element_type3A_157 = arith.extui %lt3A_156 : i1 to i32
      %cond3A_158 = arith.constant 0 : i32
      %cond3A_159 = arith.cmpi ne, %convert_element_type3A_157, %cond3A_158 : i32
      scf.if %cond3A_159 {
        %dma_wait3A_183 = arith.constant 0 : i32
        %dma_wait3A_184 = tpu.memref_slice %arg2[%add3A_154, %dma_wait3A_183] : memref<2500x512xi32, #tpu.memory_space<hbm>> -> memref<1x512xi32, #tpu.memory_space<hbm>>
        %dma_wait3A_185 = tpu.memref_squeeze %dma_wait3A_184 : memref<1x512xi32, #tpu.memory_space<hbm>> -> memref<512xi32, #tpu.memory_space<hbm>>
        %dma_wait3A_186 = arith.constant 0 : i32
        %dma_wait3A_187 = tpu.memref_slice %arg2[%add3A_154, %dma_wait3A_186] : memref<2500x512xi32, #tpu.memory_space<hbm>> -> memref<1x512xi32, #tpu.memory_space<hbm>>
        %dma_wait3A_188 = tpu.memref_squeeze %dma_wait3A_187 : memref<1x512xi32, #tpu.memory_space<hbm>> -> memref<512xi32, #tpu.memory_space<hbm>>
        tpu.wait_dma2 semaphore(%arg16 : memref<!tpu.dma_semaphore, #tpu.memory_space<semaphore_mem>>) src(%dma_wait3A_188 : memref<512xi32, #tpu.memory_space<hbm>>) dst(%arg6 : memref<512xi32, #tpu.memory_space<vmem>>)
        %ge3A = arith.constant 2 : i32
        %ge3A_189 = arith.cmpi sge, %add3A_151, %ge3A : i32
        %convert_element_type3A_190 = arith.extui %ge3A_189 : i1 to i32
        %cond3A_191 = arith.constant 0 : i32
        %cond3A_192 = arith.cmpi ne, %convert_element_type3A_190, %cond3A_191 : i32
        scf.if %cond3A_192 {
          %dma_wait3A_205 = arith.constant 0 : i32
          %dma_wait3A_206 = arith.constant 0 : i32
          %dma_wait3A_207 = tpu.memref_slice %arg24[%dma_wait3A_205, %dma_wait3A_206] : memref<10000x128xf32, #tpu.memory_space<vmem_shared>> -> memref<10000x128xf32, #tpu.memory_space<vmem_shared>>
          tpu.wait_indirect_dma semaphore(%arg22 : memref<!tpu.dma_semaphore, #tpu.memory_space<semaphore_mem>>) src(%arg14 : memref<128x128xf32, #tpu.memory_space<vmem>>) dst(%dma_wait3A_207 : memref<10000x128xf32, #tpu.memory_space<vmem_shared>>)
        } else {
        }
        %dma_start3A = arith.constant 128 : i32
        %dma_start3A_193 = tpu.memref_slice %arg6[%dma_start3A] : memref<512xi32, #tpu.memory_space<vmem>> -> memref<128xi32, #tpu.memory_space<vmem>>
        %dma_start3A_194 = arith.constant 0 : i32
        %dma_start3A_195 = tpu.memref_slice %arg4[%dma_start3A_194] : memref<140288xf32, #tpu.memory_space<hbm>> -> memref<140288xf32, #tpu.memory_space<hbm>>
        tpu.enqueue_indirect_dma source(%dma_start3A_195 : memref<140288xf32, #tpu.memory_space<hbm>>) target(%arg10 : memref<128xf32, #tpu.memory_space<vmem>>) offsets(%dma_start3A_193 : memref<128xi32, #tpu.memory_space<vmem>>) semaphore(%arg18 : memref<!tpu.dma_semaphore, #tpu.memory_space<semaphore_mem>>)
        %dma_start3A_196 = arith.constant 256 : i32
        %dma_start3A_197 = tpu.memref_slice %arg6[%dma_start3A_196] : memref<512xi32, #tpu.memory_space<vmem>> -> memref<128xi32, #tpu.memory_space<vmem>>
        %dma_start3A_198 = arith.constant 0 : i32
        %dma_start3A_199 = tpu.memref_slice %arg4[%dma_start3A_198] : memref<140288xf32, #tpu.memory_space<hbm>> -> memref<140288xf32, #tpu.memory_space<hbm>>
        tpu.enqueue_indirect_dma source(%dma_start3A_199 : memref<140288xf32, #tpu.memory_space<hbm>>) target(%arg12 : memref<128xf32, #tpu.memory_space<vmem>>) offsets(%dma_start3A_197 : memref<128xi32, #tpu.memory_space<vmem>>) semaphore(%arg18 : memref<!tpu.dma_semaphore, #tpu.memory_space<semaphore_mem>>)
        %dma_start3A_200 = arith.constant 0 : i32
        %dma_start3A_201 = tpu.memref_slice %arg6[%dma_start3A_200] : memref<512xi32, #tpu.memory_space<vmem>> -> memref<128xi32, #tpu.memory_space<vmem>>
        %dma_start3A_202 = arith.constant 0 : i32
        %dma_start3A_203 = arith.constant 0 : i32
        %dma_start3A_204 = tpu.memref_slice %arg3[%dma_start3A_202, %dma_start3A_203] : memref<70000x128xf32, #tpu.memory_space<hbm>> -> memref<70000x128xf32, #tpu.memory_space<hbm>>
        tpu.enqueue_indirect_dma source(%dma_start3A_204 : memref<70000x128xf32, #tpu.memory_space<hbm>>) target(%arg14 : memref<128x128xf32, #tpu.memory_space<vmem>>) offsets(%dma_start3A_201 : memref<128xi32, #tpu.memory_space<vmem>>) semaphore(%arg20 : memref<!tpu.dma_semaphore, #tpu.memory_space<semaphore_mem>>)
      } else {
      }
      %mul3A_160 = arith.constant 32 : i32
      %mul3A_161 = arith.muli %add3A_149, %mul3A_160 : i32
      %add3A_162 = arith.addi %add3A, %mul3A_161 : i32
      %lt3A_163 = arith.constant 2500 : i32
      %lt3A_164 = arith.cmpi slt, %add3A_162, %lt3A_163 : i32
      %convert_element_type3A_165 = arith.extui %lt3A_164 : i1 to i32
      %cond3A_166 = arith.constant 0 : i32
      %cond3A_167 = arith.cmpi ne, %convert_element_type3A_165, %cond3A_166 : i32
      scf.if %cond3A_167 {
        %dma_wait3A_183 = arith.constant 128 : i32
        %dma_wait3A_184 = tpu.memref_slice %arg7[%dma_wait3A_183] : memref<512xi32, #tpu.memory_space<vmem>> -> memref<128xi32, #tpu.memory_space<vmem>>
        %dma_wait3A_185 = arith.constant 0 : i32
        %dma_wait3A_186 = tpu.memref_slice %arg4[%dma_wait3A_185] : memref<140288xf32, #tpu.memory_space<hbm>> -> memref<140288xf32, #tpu.memory_space<hbm>>
        tpu.wait_indirect_dma semaphore(%arg19 : memref<!tpu.dma_semaphore, #tpu.memory_space<semaphore_mem>>) src(%dma_wait3A_186 : memref<140288xf32, #tpu.memory_space<hbm>>) dst(%arg11 : memref<128xf32, #tpu.memory_space<vmem>>)
        %dma_wait3A_187 = arith.constant 256 : i32
        %dma_wait3A_188 = tpu.memref_slice %arg7[%dma_wait3A_187] : memref<512xi32, #tpu.memory_space<vmem>> -> memref<128xi32, #tpu.memory_space<vmem>>
        %dma_wait3A_189 = arith.constant 0 : i32
        %dma_wait3A_190 = tpu.memref_slice %arg4[%dma_wait3A_189] : memref<140288xf32, #tpu.memory_space<hbm>> -> memref<140288xf32, #tpu.memory_space<hbm>>
        tpu.wait_indirect_dma semaphore(%arg19 : memref<!tpu.dma_semaphore, #tpu.memory_space<semaphore_mem>>) src(%dma_wait3A_190 : memref<140288xf32, #tpu.memory_space<hbm>>) dst(%arg13 : memref<128xf32, #tpu.memory_space<vmem>>)
        %dma_wait3A_191 = arith.constant 0 : i32
        %dma_wait3A_192 = tpu.memref_slice %arg7[%dma_wait3A_191] : memref<512xi32, #tpu.memory_space<vmem>> -> memref<128xi32, #tpu.memory_space<vmem>>
        %dma_wait3A_193 = arith.constant 0 : i32
        %dma_wait3A_194 = arith.constant 0 : i32
        %dma_wait3A_195 = tpu.memref_slice %arg3[%dma_wait3A_193, %dma_wait3A_194] : memref<70000x128xf32, #tpu.memory_space<hbm>> -> memref<70000x128xf32, #tpu.memory_space<hbm>>
        tpu.wait_indirect_dma semaphore(%arg21 : memref<!tpu.dma_semaphore, #tpu.memory_space<semaphore_mem>>) src(%dma_wait3A_195 : memref<70000x128xf32, #tpu.memory_space<hbm>>) dst(%arg15 : memref<128x128xf32, #tpu.memory_space<vmem>>)
        %scan3A_196 = arith.constant 0 : i32
        %scan3A_197 = arith.constant 8 : i32
        %scan3A_198 = arith.addi %scan3A_196, %scan3A_197 : i32
        %scan3A_199 = arith.constant 1 : i32
        scf.for %scan3A_206 = %scan3A_196 to %scan3A_198 step %scan3A_199  : i32 {
          %mul3A_207 = arith.constant 16 : i32
          %mul3A_208 = arith.muli %scan3A_206, %mul3A_207 : i32
          %add3A_209 = arith.constant 0 : i32
          %add3A_210 = arith.addi %add3A_209, %mul3A_208 : i32
          %get3A = arith.index_cast %add3A_210 : i32 to index
          %get3A_211 = tpu.vector_load %arg11[%get3A] {strides = array<i32>} : memref<128xf32, #tpu.memory_space<vmem>>, vector<16xf32>,
          %get3A_212 = arith.index_cast %add3A_210 : i32 to index
          %get3A_213 = tpu.vector_load %arg13[%get3A_212] {strides = array<i32>} : memref<128xf32, #tpu.memory_space<vmem>>, vector<16xf32>,
          %add3A_214 = arith.addf %get3A_211, %get3A_213 : vector<16xf32>
          %max3A = arith.constant 1.000000e+00 : f32
          %max3A_215 = vector.broadcast %max3A : f32 to vector<16xf32>
          %max3A_216 = arith.maximumf %add3A_214, %max3A_215 : vector<16xf32>
          %div3A = arith.constant 1.000000e+00 : f32
          %div3A_217 = vector.broadcast %div3A : f32 to vector<16xf32>
          %div3A_218 = arith.divf %div3A_217, %max3A_216 : vector<16xf32>
          %swap3A = arith.index_cast %add3A_210 : i32 to index
          %swap3A_219 = tpu.vector_load %arg11[%swap3A] {strides = array<i32>} : memref<128xf32, #tpu.memory_space<vmem>>, vector<16xf32>,
          tpu.vector_store %arg11[%swap3A], %div3A_218 {strides = array<i32>} : memref<128xf32, #tpu.memory_space<vmem>>, vector<16xf32>,
        }
        %scan3A_200 = arith.constant 8 : i32
        %scan3A_201 = arith.constant 0 : i32
        %scan3A_202 = arith.constant 8 : i32
        %scan3A_203 = arith.addi %scan3A_201, %scan3A_202 : i32
        %scan3A_204 = arith.constant 1 : i32
        scf.for %scan3A_206 = %scan3A_201 to %scan3A_203 step %scan3A_204  : i32 {
          %mul3A_207 = arith.constant 16 : i32
          %mul3A_208 = arith.muli %scan3A_206, %mul3A_207 : i32
          %add3A_209 = arith.constant 0 : i32
          %add3A_210 = arith.addi %add3A_209, %mul3A_208 : i32
          %add3A_211 = arith.constant 384 : i32
          %add3A_212 = arith.addi %add3A_211, %add3A_210 : i32
          %get3A = arith.index_cast %add3A_212 : i32 to index
          %get3A_213 = tpu.vector_load %arg7[%get3A] {strides = array<i32>} : memref<512xi32, #tpu.memory_space<vmem>>, vector<16xi32>,
          %swap3A = arith.index_cast %add3A_210 : i32 to index
          %swap3A_214 = tpu.vector_load %arg9[%swap3A] {strides = array<i32>} : memref<128xi32, #tpu.memory_space<vmem>>, vector<16xi32>,
          tpu.vector_store %arg9[%swap3A], %get3A_213 {strides = array<i32>} : memref<128xi32, #tpu.memory_space<vmem>>, vector<16xi32>,
        }
        %scan3A_205 = arith.constant 8 : i32
      } else {
      }
      %add3A_168 = arith.constant 2 : i32
      %add3A_169 = arith.addi %add3A_149, %add3A_168 : i32
      %mul3A_170 = arith.constant 32 : i32
      %mul3A_171 = arith.muli %add3A_169, %mul3A_170 : i32
      %add3A_172 = arith.addi %add3A, %mul3A_171 : i32
      %lt3A_173 = arith.constant 2500 : i32
      %lt3A_174 = arith.cmpi slt, %add3A_172, %lt3A_173 : i32
      %convert_element_type3A_175 = arith.extui %lt3A_174 : i1 to i32
      %cond3A_176 = arith.constant 0 : i32
      %cond3A_177 = arith.cmpi ne, %convert_element_type3A_175, %cond3A_176 : i32
      scf.if %cond3A_177 {
        %dma_start3A = arith.constant 0 : i32
        %dma_start3A_183 = tpu.memref_slice %arg2[%add3A_172, %dma_start3A] : memref<2500x512xi32, #tpu.memory_space<hbm>> -> memref<1x512xi32, #tpu.memory_space<hbm>>
        %dma_start3A_184 = tpu.memref_squeeze %dma_start3A_183 : memref<1x512xi32, #tpu.memory_space<hbm>> -> memref<512xi32, #tpu.memory_space<hbm>>
        %dma_start3A_185 = arith.constant 0 : i32
        %dma_start3A_186 = tpu.memref_slice %arg2[%add3A_172, %dma_start3A_185] : memref<2500x512xi32, #tpu.memory_space<hbm>> -> memref<1x512xi32, #tpu.memory_space<hbm>>
        %dma_start3A_187 = tpu.memref_squeeze %dma_start3A_186 : memref<1x512xi32, #tpu.memory_space<hbm>> -> memref<512xi32, #tpu.memory_space<hbm>>
        tpu.enqueue_dma source(%dma_start3A_187 : memref<512xi32, #tpu.memory_space<hbm>>) target(%arg7 : memref<512xi32, #tpu.memory_space<vmem>>) target_semaphore(%arg17 : memref<!tpu.dma_semaphore, #tpu.memory_space<semaphore_mem>>)
      } else {
      }
      %lt3A_178 = arith.constant 2500 : i32
      %lt3A_179 = arith.cmpi slt, %add3A_162, %lt3A_178 : i32
      %convert_element_type3A_180 = arith.extui %lt3A_179 : i1 to i32
      %cond3A_181 = arith.constant 0 : i32
      %cond3A_182 = arith.cmpi ne, %convert_element_type3A_180, %cond3A_181 : i32
      scf.if %cond3A_182 {
        %scan3A_183 = arith.constant 0 : i32
        %scan3A_184 = arith.constant 32 : i32
        %scan3A_185 = arith.addi %scan3A_183, %scan3A_184 : i32
        %scan3A_186 = arith.constant 1 : i32
        scf.for %scan3A_190 = %scan3A_183 to %scan3A_185 step %scan3A_186  : i32 {
          %mul3A_191 = arith.constant 4 : i32
          %mul3A_192 = arith.muli %scan3A_190, %mul3A_191 : i32
          %add3A_193 = arith.constant 0 : i32
          %add3A_194 = arith.addi %add3A_193, %mul3A_192 : i32
          %add3A_195 = arith.constant 0 : i32
          %add3A_196 = arith.addi %add3A_194, %add3A_195 : i32
          %broadcast_in_dim3A_197 = vector.broadcast %add3A_196 : i32 to vector<16xi32>
          %gather3A = tpu.vector_load_idx %arg11[%broadcast_in_dim3A_197] : memref<128xf32, #tpu.memory_space<vmem>>[vector<16xi32>], vector<16xf32>,
          %add3A_198 = arith.constant 1 : i32
          %add3A_199 = arith.addi %add3A_194, %add3A_198 : i32
          %broadcast_in_dim3A_200 = vector.broadcast %add3A_199 : i32 to vector<16xi32>
          %gather3A_201 = tpu.vector_load_idx %arg11[%broadcast_in_dim3A_200] : memref<128xf32, #tpu.memory_space<vmem>>[vector<16xi32>], vector<16xf32>,
          %add3A_202 = arith.constant 2 : i32
          %add3A_203 = arith.addi %add3A_194, %add3A_202 : i32
          %broadcast_in_dim3A_204 = vector.broadcast %add3A_203 : i32 to vector<16xi32>
          %gather3A_205 = tpu.vector_load_idx %arg11[%broadcast_in_dim3A_204] : memref<128xf32, #tpu.memory_space<vmem>>[vector<16xi32>], vector<16xf32>,
          %add3A_206 = arith.constant 3 : i32
          %add3A_207 = arith.addi %add3A_194, %add3A_206 : i32
          %broadcast_in_dim3A_208 = vector.broadcast %add3A_207 : i32 to vector<16xi32>
          %gather3A_209 = tpu.vector_load_idx %arg11[%broadcast_in_dim3A_208] : memref<128xf32, #tpu.memory_space<vmem>>[vector<16xi32>], vector<16xf32>,
          %add3A_210 = arith.constant 0 : i32
          %add3A_211 = arith.addi %add3A_194, %add3A_210 : i32
          %get3A = arith.index_cast %add3A_211 : i32 to index
          %get3A_212 = arith.constant 0 : index
          %get3A_213 = tpu.vector_load %arg15[%get3A, %get3A_212] {strides = array<i32>} : memref<128x128xf32, #tpu.memory_space<vmem>>, vector<16xf32>,
          %mul3A_214 = arith.mulf %get3A_213, %gather3A : vector<16xf32>
          %add3A_215 = arith.constant 0 : i32
          %add3A_216 = arith.addi %add3A_194, %add3A_215 : i32
          %swap3A = arith.index_cast %add3A_216 : i32 to index
          %swap3A_217 = arith.constant 0 : index
          %swap3A_218 = tpu.vector_load %arg15[%swap3A, %swap3A_217] {strides = array<i32>} : memref<128x128xf32, #tpu.memory_space<vmem>>, vector<16xf32>,
          tpu.vector_store %arg15[%swap3A, %swap3A_217], %mul3A_214 {strides = array<i32>} : memref<128x128xf32, #tpu.memory_space<vmem>>, vector<16xf32>,
          %add3A_219 = arith.constant 0 : i32
          %add3A_220 = arith.addi %add3A_194, %add3A_219 : i32
          %get3A_221 = arith.index_cast %add3A_220 : i32 to index
          %get3A_222 = arith.constant 16 : index
          %get3A_223 = tpu.vector_load %arg15[%get3A_221, %get3A_222] {strides = array<i32>} : memref<128x128xf32, #tpu.memory_space<vmem>>, vector<16xf32>,
          %mul3A_224 = arith.mulf %get3A_223, %gather3A : vector<16xf32>
          %add3A_225 = arith.constant 0 : i32
          %add3A_226 = arith.addi %add3A_194, %add3A_225 : i32
          %swap3A_227 = arith.index_cast %add3A_226 : i32 to index
          %swap3A_228 = arith.constant 16 : index
          %swap3A_229 = tpu.vector_load %arg15[%swap3A_227, %swap3A_228] {strides = array<i32>} : memref<128x128xf32, #tpu.memory_space<vmem>>, vector<16xf32>,
          tpu.vector_store %arg15[%swap3A_227, %swap3A_228], %mul3A_224 {strides = array<i32>} : memref<128x128xf32, #tpu.memory_space<vmem>>, vector<16xf32>,
          %add3A_230 = arith.constant 0 : i32
          %add3A_231 = arith.addi %add3A_194, %add3A_230 : i32
          %get3A_232 = arith.index_cast %add3A_231 : i32 to index
          %get3A_233 = arith.constant 32 : index
          %get3A_234 = tpu.vector_load %arg15[%get3A_232, %get3A_233] {strides = array<i32>} : memref<128x128xf32, #tpu.memory_space<vmem>>, vector<16xf32>,
          %mul3A_235 = arith.mulf %get3A_234, %gather3A : vector<16xf32>
          %add3A_236 = arith.constant 0 : i32
          %add3A_237 = arith.addi %add3A_194, %add3A_236 : i32
          %swap3A_238 = arith.index_cast %add3A_237 : i32 to index
          %swap3A_239 = arith.constant 32 : index
          %swap3A_240 = tpu.vector_load %arg15[%swap3A_238, %swap3A_239] {strides = array<i32>} : memref<128x128xf32, #tpu.memory_space<vmem>>, vector<16xf32>,
          tpu.vector_store %arg15[%swap3A_238, %swap3A_239], %mul3A_235 {strides = array<i32>} : memref<128x128xf32, #tpu.memory_space<vmem>>, vector<16xf32>,
          %add3A_241 = arith.constant 0 : i32
          %add3A_242 = arith.addi %add3A_194, %add3A_241 : i32
          %get3A_243 = arith.index_cast %add3A_242 : i32 to index
          %get3A_244 = arith.constant 48 : index
          %get3A_245 = tpu.vector_load %arg15[%get3A_243, %get3A_244] {strides = array<i32>} : memref<128x128xf32, #tpu.memory_space<vmem>>, vector<16xf32>,
          %mul3A_246 = arith.mulf %get3A_245, %gather3A : vector<16xf32>
          %add3A_247 = arith.constant 0 : i32
          %add3A_248 = arith.addi %add3A_194, %add3A_247 : i32
          %swap3A_249 = arith.index_cast %add3A_248 : i32 to index
          %swap3A_250 = arith.constant 48 : index
          %swap3A_251 = tpu.vector_load %arg15[%swap3A_249, %swap3A_250] {strides = array<i32>} : memref<128x128xf32, #tpu.memory_space<vmem>>, vector<16xf32>,
          tpu.vector_store %arg15[%swap3A_249, %swap3A_250], %mul3A_246 {strides = array<i32>} : memref<128x128xf32, #tpu.memory_space<vmem>>, vector<16xf32>,
          %add3A_252 = arith.constant 0 : i32
          %add3A_253 = arith.addi %add3A_194, %add3A_252 : i32
          %get3A_254 = arith.index_cast %add3A_253 : i32 to index
          %get3A_255 = arith.constant 64 : index
          %get3A_256 = tpu.vector_load %arg15[%get3A_254, %get3A_255] {strides = array<i32>} : memref<128x128xf32, #tpu.memory_space<vmem>>, vector<16xf32>,
          %mul3A_257 = arith.mulf %get3A_256, %gather3A : vector<16xf32>
          %add3A_258 = arith.constant 0 : i32
          %add3A_259 = arith.addi %add3A_194, %add3A_258 : i32
          %swap3A_260 = arith.index_cast %add3A_259 : i32 to index
          %swap3A_261 = arith.constant 64 : index
          %swap3A_262 = tpu.vector_load %arg15[%swap3A_260, %swap3A_261] {strides = array<i32>} : memref<128x128xf32, #tpu.memory_space<vmem>>, vector<16xf32>,
          tpu.vector_store %arg15[%swap3A_260, %swap3A_261], %mul3A_257 {strides = array<i32>} : memref<128x128xf32, #tpu.memory_space<vmem>>, vector<16xf32>,
          %add3A_263 = arith.constant 0 : i32
          %add3A_264 = arith.addi %add3A_194, %add3A_263 : i32
          %get3A_265 = arith.index_cast %add3A_264 : i32 to index
          %get3A_266 = arith.constant 80 : index
          %get3A_267 = tpu.vector_load %arg15[%get3A_265, %get3A_266] {strides = array<i32>} : memref<128x128xf32, #tpu.memory_space<vmem>>, vector<16xf32>,
          %mul3A_268 = arith.mulf %get3A_267, %gather3A : vector<16xf32>
          %add3A_269 = arith.constant 0 : i32
          %add3A_270 = arith.addi %add3A_194, %add3A_269 : i32
          %swap3A_271 = arith.index_cast %add3A_270 : i32 to index
          %swap3A_272 = arith.constant 80 : index
          %swap3A_273 = tpu.vector_load %arg15[%swap3A_271, %swap3A_272] {strides = array<i32>} : memref<128x128xf32, #tpu.memory_space<vmem>>, vector<16xf32>,
          tpu.vector_store %arg15[%swap3A_271, %swap3A_272], %mul3A_268 {strides = array<i32>} : memref<128x128xf32, #tpu.memory_space<vmem>>, vector<16xf32>,
          %add3A_274 = arith.constant 0 : i32
          %add3A_275 = arith.addi %add3A_194, %add3A_274 : i32
          %get3A_276 = arith.index_cast %add3A_275 : i32 to index
          %get3A_277 = arith.constant 96 : index
          %get3A_278 = tpu.vector_load %arg15[%get3A_276, %get3A_277] {strides = array<i32>} : memref<128x128xf32, #tpu.memory_space<vmem>>, vector<16xf32>,
          %mul3A_279 = arith.mulf %get3A_278, %gather3A : vector<16xf32>
          %add3A_280 = arith.constant 0 : i32
          %add3A_281 = arith.addi %add3A_194, %add3A_280 : i32
          %swap3A_282 = arith.index_cast %add3A_281 : i32 to index
          %swap3A_283 = arith.constant 96 : index
          %swap3A_284 = tpu.vector_load %arg15[%swap3A_282, %swap3A_283] {strides = array<i32>} : memref<128x128xf32, #tpu.memory_space<vmem>>, vector<16xf32>,
          tpu.vector_store %arg15[%swap3A_282, %swap3A_283], %mul3A_279 {strides = array<i32>} : memref<128x128xf32, #tpu.memory_space<vmem>>, vector<16xf32>,
          %add3A_285 = arith.constant 0 : i32
          %add3A_286 = arith.addi %add3A_194, %add3A_285 : i32
          %get3A_287 = arith.index_cast %add3A_286 : i32 to index
          %get3A_288 = arith.constant 112 : index
          %get3A_289 = tpu.vector_load %arg15[%get3A_287, %get3A_288] {strides = array<i32>} : memref<128x128xf32, #tpu.memory_space<vmem>>, vector<16xf32>,
          %mul3A_290 = arith.mulf %get3A_289, %gather3A : vector<16xf32>
          %add3A_291 = arith.constant 0 : i32
          %add3A_292 = arith.addi %add3A_194, %add3A_291 : i32
          %swap3A_293 = arith.index_cast %add3A_292 : i32 to index
          %swap3A_294 = arith.constant 112 : index
          %swap3A_295 = tpu.vector_load %arg15[%swap3A_293, %swap3A_294] {strides = array<i32>} : memref<128x128xf32, #tpu.memory_space<vmem>>, vector<16xf32>,
          tpu.vector_store %arg15[%swap3A_293, %swap3A_294], %mul3A_290 {strides = array<i32>} : memref<128x128xf32, #tpu.memory_space<vmem>>, vector<16xf32>,
          %add3A_296 = arith.constant 1 : i32
          %add3A_297 = arith.addi %add3A_194, %add3A_296 : i32
          %get3A_298 = arith.index_cast %add3A_297 : i32 to index
          %get3A_299 = arith.constant 0 : index
          %get3A_300 = tpu.vector_load %arg15[%get3A_298, %get3A_299] {strides = array<i32>} : memref<128x128xf32, #tpu.memory_space<vmem>>, vector<16xf32>,
          %mul3A_301 = arith.mulf %get3A_300, %gather3A_201 : vector<16xf32>
          %add3A_302 = arith.constant 1 : i32
          %add3A_303 = arith.addi %add3A_194, %add3A_302 : i32
          %swap3A_304 = arith.index_cast %add3A_303 : i32 to index
          %swap3A_305 = arith.constant 0 : index
          %swap3A_306 = tpu.vector_load %arg15[%swap3A_304, %swap3A_305] {strides = array<i32>} : memref<128x128xf32, #tpu.memory_space<vmem>>, vector<16xf32>,
          tpu.vector_store %arg15[%swap3A_304, %swap3A_305], %mul3A_301 {strides = array<i32>} : memref<128x128xf32, #tpu.memory_space<vmem>>, vector<16xf32>,
          %add3A_307 = arith.constant 1 : i32
          %add3A_308 = arith.addi %add3A_194, %add3A_307 : i32
          %get3A_309 = arith.index_cast %add3A_308 : i32 to index
          %get3A_310 = arith.constant 16 : index
          %get3A_311 = tpu.vector_load %arg15[%get3A_309, %get3A_310] {strides = array<i32>} : memref<128x128xf32, #tpu.memory_space<vmem>>, vector<16xf32>,
          %mul3A_312 = arith.mulf %get3A_311, %gather3A_201 : vector<16xf32>
          %add3A_313 = arith.constant 1 : i32
          %add3A_314 = arith.addi %add3A_194, %add3A_313 : i32
          %swap3A_315 = arith.index_cast %add3A_314 : i32 to index
          %swap3A_316 = arith.constant 16 : index
          %swap3A_317 = tpu.vector_load %arg15[%swap3A_315, %swap3A_316] {strides = array<i32>} : memref<128x128xf32, #tpu.memory_space<vmem>>, vector<16xf32>,
          tpu.vector_store %arg15[%swap3A_315, %swap3A_316], %mul3A_312 {strides = array<i32>} : memref<128x128xf32, #tpu.memory_space<vmem>>, vector<16xf32>,
          %add3A_318 = arith.constant 1 : i32
          %add3A_319 = arith.addi %add3A_194, %add3A_318 : i32
          %get3A_320 = arith.index_cast %add3A_319 : i32 to index
          %get3A_321 = arith.constant 32 : index
          %get3A_322 = tpu.vector_load %arg15[%get3A_320, %get3A_321] {strides = array<i32>} : memref<128x128xf32, #tpu.memory_space<vmem>>, vector<16xf32>,
          %mul3A_323 = arith.mulf %get3A_322, %gather3A_201 : vector<16xf32>
          %add3A_324 = arith.constant 1 : i32
          %add3A_325 = arith.addi %add3A_194, %add3A_324 : i32
          %swap3A_326 = arith.index_cast %add3A_325 : i32 to index
          %swap3A_327 = arith.constant 32 : index
          %swap3A_328 = tpu.vector_load %arg15[%swap3A_326, %swap3A_327] {strides = array<i32>} : memref<128x128xf32, #tpu.memory_space<vmem>>, vector<16xf32>,
          tpu.vector_store %arg15[%swap3A_326, %swap3A_327], %mul3A_323 {strides = array<i32>} : memref<128x128xf32, #tpu.memory_space<vmem>>, vector<16xf32>,
          %add3A_329 = arith.constant 1 : i32
          %add3A_330 = arith.addi %add3A_194, %add3A_329 : i32
          %get3A_331 = arith.index_cast %add3A_330 : i32 to index
          %get3A_332 = arith.constant 48 : index
          %get3A_333 = tpu.vector_load %arg15[%get3A_331, %get3A_332] {strides = array<i32>} : memref<128x128xf32, #tpu.memory_space<vmem>>, vector<16xf32>,
          %mul3A_334 = arith.mulf %get3A_333, %gather3A_201 : vector<16xf32>
          %add3A_335 = arith.constant 1 : i32
          %add3A_336 = arith.addi %add3A_194, %add3A_335 : i32
          %swap3A_337 = arith.index_cast %add3A_336 : i32 to index
          %swap3A_338 = arith.constant 48 : index
          %swap3A_339 = tpu.vector_load %arg15[%swap3A_337, %swap3A_338] {strides = array<i32>} : memref<128x128xf32, #tpu.memory_space<vmem>>, vector<16xf32>,
          tpu.vector_store %arg15[%swap3A_337, %swap3A_338], %mul3A_334 {strides = array<i32>} : memref<128x128xf32, #tpu.memory_space<vmem>>, vector<16xf32>,
          %add3A_340 = arith.constant 1 : i32
          %add3A_341 = arith.addi %add3A_194, %add3A_340 : i32
          %get3A_342 = arith.index_cast %add3A_341 : i32 to index
          %get3A_343 = arith.constant 64 : index
          %get3A_344 = tpu.vector_load %arg15[%get3A_342, %get3A_343] {strides = array<i32>} : memref<128x128xf32, #tpu.memory_space<vmem>>, vector<16xf32>,
          %mul3A_345 = arith.mulf %get3A_344, %gather3A_201 : vector<16xf32>
          %add3A_346 = arith.constant 1 : i32
          %add3A_347 = arith.addi %add3A_194, %add3A_346 : i32
          %swap3A_348 = arith.index_cast %add3A_347 : i32 to index
          %swap3A_349 = arith.constant 64 : index
          %swap3A_350 = tpu.vector_load %arg15[%swap3A_348, %swap3A_349] {strides = array<i32>} : memref<128x128xf32, #tpu.memory_space<vmem>>, vector<16xf32>,
          tpu.vector_store %arg15[%swap3A_348, %swap3A_349], %mul3A_345 {strides = array<i32>} : memref<128x128xf32, #tpu.memory_space<vmem>>, vector<16xf32>,
          %add3A_351 = arith.constant 1 : i32
          %add3A_352 = arith.addi %add3A_194, %add3A_351 : i32
          %get3A_353 = arith.index_cast %add3A_352 : i32 to index
          %get3A_354 = arith.constant 80 : index
          %get3A_355 = tpu.vector_load %arg15[%get3A_353, %get3A_354] {strides = array<i32>} : memref<128x128xf32, #tpu.memory_space<vmem>>, vector<16xf32>,
          %mul3A_356 = arith.mulf %get3A_355, %gather3A_201 : vector<16xf32>
          %add3A_357 = arith.constant 1 : i32
          %add3A_358 = arith.addi %add3A_194, %add3A_357 : i32
          %swap3A_359 = arith.index_cast %add3A_358 : i32 to index
          %swap3A_360 = arith.constant 80 : index
          %swap3A_361 = tpu.vector_load %arg15[%swap3A_359, %swap3A_360] {strides = array<i32>} : memref<128x128xf32, #tpu.memory_space<vmem>>, vector<16xf32>,
          tpu.vector_store %arg15[%swap3A_359, %swap3A_360], %mul3A_356 {strides = array<i32>} : memref<128x128xf32, #tpu.memory_space<vmem>>, vector<16xf32>,
          %add3A_362 = arith.constant 1 : i32
          %add3A_363 = arith.addi %add3A_194, %add3A_362 : i32
          %get3A_364 = arith.index_cast %add3A_363 : i32 to index
          %get3A_365 = arith.constant 96 : index
          %get3A_366 = tpu.vector_load %arg15[%get3A_364, %get3A_365] {strides = array<i32>} : memref<128x128xf32, #tpu.memory_space<vmem>>, vector<16xf32>,
          %mul3A_367 = arith.mulf %get3A_366, %gather3A_201 : vector<16xf32>
          %add3A_368 = arith.constant 1 : i32
          %add3A_369 = arith.addi %add3A_194, %add3A_368 : i32
          %swap3A_370 = arith.index_cast %add3A_369 : i32 to index
          %swap3A_371 = arith.constant 96 : index
          %swap3A_372 = tpu.vector_load %arg15[%swap3A_370, %swap3A_371] {strides = array<i32>} : memref<128x128xf32, #tpu.memory_space<vmem>>, vector<16xf32>,
          tpu.vector_store %arg15[%swap3A_370, %swap3A_371], %mul3A_367 {strides = array<i32>} : memref<128x128xf32, #tpu.memory_space<vmem>>, vector<16xf32>,
          %add3A_373 = arith.constant 1 : i32
          %add3A_374 = arith.addi %add3A_194, %add3A_373 : i32
          %get3A_375 = arith.index_cast %add3A_374 : i32 to index
          %get3A_376 = arith.constant 112 : index
          %get3A_377 = tpu.vector_load %arg15[%get3A_375, %get3A_376] {strides = array<i32>} : memref<128x128xf32, #tpu.memory_space<vmem>>, vector<16xf32>,
          %mul3A_378 = arith.mulf %get3A_377, %gather3A_201 : vector<16xf32>
          %add3A_379 = arith.constant 1 : i32
          %add3A_380 = arith.addi %add3A_194, %add3A_379 : i32
          %swap3A_381 = arith.index_cast %add3A_380 : i32 to index
          %swap3A_382 = arith.constant 112 : index
          %swap3A_383 = tpu.vector_load %arg15[%swap3A_381, %swap3A_382] {strides = array<i32>} : memref<128x128xf32, #tpu.memory_space<vmem>>, vector<16xf32>,
          tpu.vector_store %arg15[%swap3A_381, %swap3A_382], %mul3A_378 {strides = array<i32>} : memref<128x128xf32, #tpu.memory_space<vmem>>, vector<16xf32>,
          %add3A_384 = arith.constant 2 : i32
          %add3A_385 = arith.addi %add3A_194, %add3A_384 : i32
          %get3A_386 = arith.index_cast %add3A_385 : i32 to index
          %get3A_387 = arith.constant 0 : index
          %get3A_388 = tpu.vector_load %arg15[%get3A_386, %get3A_387] {strides = array<i32>} : memref<128x128xf32, #tpu.memory_space<vmem>>, vector<16xf32>,
          %mul3A_389 = arith.mulf %get3A_388, %gather3A_205 : vector<16xf32>
          %add3A_390 = arith.constant 2 : i32
          %add3A_391 = arith.addi %add3A_194, %add3A_390 : i32
          %swap3A_392 = arith.index_cast %add3A_391 : i32 to index
          %swap3A_393 = arith.constant 0 : index
          %swap3A_394 = tpu.vector_load %arg15[%swap3A_392, %swap3A_393] {strides = array<i32>} : memref<128x128xf32, #tpu.memory_space<vmem>>, vector<16xf32>,
          tpu.vector_store %arg15[%swap3A_392, %swap3A_393], %mul3A_389 {strides = array<i32>} : memref<128x128xf32, #tpu.memory_space<vmem>>, vector<16xf32>,
          %add3A_395 = arith.constant 2 : i32
          %add3A_396 = arith.addi %add3A_194, %add3A_395 : i32
          %get3A_397 = arith.index_cast %add3A_396 : i32 to index
          %get3A_398 = arith.constant 16 : index
          %get3A_399 = tpu.vector_load %arg15[%get3A_397, %get3A_398] {strides = array<i32>} : memref<128x128xf32, #tpu.memory_space<vmem>>, vector<16xf32>,
          %mul3A_400 = arith.mulf %get3A_399, %gather3A_205 : vector<16xf32>
          %add3A_401 = arith.constant 2 : i32
          %add3A_402 = arith.addi %add3A_194, %add3A_401 : i32
          %swap3A_403 = arith.index_cast %add3A_402 : i32 to index
          %swap3A_404 = arith.constant 16 : index
          %swap3A_405 = tpu.vector_load %arg15[%swap3A_403, %swap3A_404] {strides = array<i32>} : memref<128x128xf32, #tpu.memory_space<vmem>>, vector<16xf32>,
          tpu.vector_store %arg15[%swap3A_403, %swap3A_404], %mul3A_400 {strides = array<i32>} : memref<128x128xf32, #tpu.memory_space<vmem>>, vector<16xf32>,
          %add3A_406 = arith.constant 2 : i32
          %add3A_407 = arith.addi %add3A_194, %add3A_406 : i32
          %get3A_408 = arith.index_cast %add3A_407 : i32 to index
          %get3A_409 = arith.constant 32 : index
          %get3A_410 = tpu.vector_load %arg15[%get3A_408, %get3A_409] {strides = array<i32>} : memref<128x128xf32, #tpu.memory_space<vmem>>, vector<16xf32>,
          %mul3A_411 = arith.mulf %get3A_410, %gather3A_205 : vector<16xf32>
          %add3A_412 = arith.constant 2 : i32
          %add3A_413 = arith.addi %add3A_194, %add3A_412 : i32
          %swap3A_414 = arith.index_cast %add3A_413 : i32 to index
          %swap3A_415 = arith.constant 32 : index
          %swap3A_416 = tpu.vector_load %arg15[%swap3A_414, %swap3A_415] {strides = array<i32>} : memref<128x128xf32, #tpu.memory_space<vmem>>, vector<16xf32>,
          tpu.vector_store %arg15[%swap3A_414, %swap3A_415], %mul3A_411 {strides = array<i32>} : memref<128x128xf32, #tpu.memory_space<vmem>>, vector<16xf32>,
          %add3A_417 = arith.constant 2 : i32
          %add3A_418 = arith.addi %add3A_194, %add3A_417 : i32
          %get3A_419 = arith.index_cast %add3A_418 : i32 to index
          %get3A_420 = arith.constant 48 : index
          %get3A_421 = tpu.vector_load %arg15[%get3A_419, %get3A_420] {strides = array<i32>} : memref<128x128xf32, #tpu.memory_space<vmem>>, vector<16xf32>,
          %mul3A_422 = arith.mulf %get3A_421, %gather3A_205 : vector<16xf32>
          %add3A_423 = arith.constant 2 : i32
          %add3A_424 = arith.addi %add3A_194, %add3A_423 : i32
          %swap3A_425 = arith.index_cast %add3A_424 : i32 to index
          %swap3A_426 = arith.constant 48 : index
          %swap3A_427 = tpu.vector_load %arg15[%swap3A_425, %swap3A_426] {strides = array<i32>} : memref<128x128xf32, #tpu.memory_space<vmem>>, vector<16xf32>,
          tpu.vector_store %arg15[%swap3A_425, %swap3A_426], %mul3A_422 {strides = array<i32>} : memref<128x128xf32, #tpu.memory_space<vmem>>, vector<16xf32>,
          %add3A_428 = arith.constant 2 : i32
          %add3A_429 = arith.addi %add3A_194, %add3A_428 : i32
          %get3A_430 = arith.index_cast %add3A_429 : i32 to index
          %get3A_431 = arith.constant 64 : index
          %get3A_432 = tpu.vector_load %arg15[%get3A_430, %get3A_431] {strides = array<i32>} : memref<128x128xf32, #tpu.memory_space<vmem>>, vector<16xf32>,
          %mul3A_433 = arith.mulf %get3A_432, %gather3A_205 : vector<16xf32>
          %add3A_434 = arith.constant 2 : i32
          %add3A_435 = arith.addi %add3A_194, %add3A_434 : i32
          %swap3A_436 = arith.index_cast %add3A_435 : i32 to index
          %swap3A_437 = arith.constant 64 : index
          %swap3A_438 = tpu.vector_load %arg15[%swap3A_436, %swap3A_437] {strides = array<i32>} : memref<128x128xf32, #tpu.memory_space<vmem>>, vector<16xf32>,
          tpu.vector_store %arg15[%swap3A_436, %swap3A_437], %mul3A_433 {strides = array<i32>} : memref<128x128xf32, #tpu.memory_space<vmem>>, vector<16xf32>,
          %add3A_439 = arith.constant 2 : i32
          %add3A_440 = arith.addi %add3A_194, %add3A_439 : i32
          %get3A_441 = arith.index_cast %add3A_440 : i32 to index
          %get3A_442 = arith.constant 80 : index
          %get3A_443 = tpu.vector_load %arg15[%get3A_441, %get3A_442] {strides = array<i32>} : memref<128x128xf32, #tpu.memory_space<vmem>>, vector<16xf32>,
          %mul3A_444 = arith.mulf %get3A_443, %gather3A_205 : vector<16xf32>
          %add3A_445 = arith.constant 2 : i32
          %add3A_446 = arith.addi %add3A_194, %add3A_445 : i32
          %swap3A_447 = arith.index_cast %add3A_446 : i32 to index
          %swap3A_448 = arith.constant 80 : index
          %swap3A_449 = tpu.vector_load %arg15[%swap3A_447, %swap3A_448] {strides = array<i32>} : memref<128x128xf32, #tpu.memory_space<vmem>>, vector<16xf32>,
          tpu.vector_store %arg15[%swap3A_447, %swap3A_448], %mul3A_444 {strides = array<i32>} : memref<128x128xf32, #tpu.memory_space<vmem>>, vector<16xf32>,
          %add3A_450 = arith.constant 2 : i32
          %add3A_451 = arith.addi %add3A_194, %add3A_450 : i32
          %get3A_452 = arith.index_cast %add3A_451 : i32 to index
          %get3A_453 = arith.constant 96 : index
          %get3A_454 = tpu.vector_load %arg15[%get3A_452, %get3A_453] {strides = array<i32>} : memref<128x128xf32, #tpu.memory_space<vmem>>, vector<16xf32>,
          %mul3A_455 = arith.mulf %get3A_454, %gather3A_205 : vector<16xf32>
          %add3A_456 = arith.constant 2 : i32
          %add3A_457 = arith.addi %add3A_194, %add3A_456 : i32
          %swap3A_458 = arith.index_cast %add3A_457 : i32 to index
          %swap3A_459 = arith.constant 96 : index
          %swap3A_460 = tpu.vector_load %arg15[%swap3A_458, %swap3A_459] {strides = array<i32>} : memref<128x128xf32, #tpu.memory_space<vmem>>, vector<16xf32>,
          tpu.vector_store %arg15[%swap3A_458, %swap3A_459], %mul3A_455 {strides = array<i32>} : memref<128x128xf32, #tpu.memory_space<vmem>>, vector<16xf32>,
          %add3A_461 = arith.constant 2 : i32
          %add3A_462 = arith.addi %add3A_194, %add3A_461 : i32
          %get3A_463 = arith.index_cast %add3A_462 : i32 to index
          %get3A_464 = arith.constant 112 : index
          %get3A_465 = tpu.vector_load %arg15[%get3A_463, %get3A_464] {strides = array<i32>} : memref<128x128xf32, #tpu.memory_space<vmem>>, vector<16xf32>,
          %mul3A_466 = arith.mulf %get3A_465, %gather3A_205 : vector<16xf32>
          %add3A_467 = arith.constant 2 : i32
          %add3A_468 = arith.addi %add3A_194, %add3A_467 : i32
          %swap3A_469 = arith.index_cast %add3A_468 : i32 to index
          %swap3A_470 = arith.constant 112 : index
          %swap3A_471 = tpu.vector_load %arg15[%swap3A_469, %swap3A_470] {strides = array<i32>} : memref<128x128xf32, #tpu.memory_space<vmem>>, vector<16xf32>,
          tpu.vector_store %arg15[%swap3A_469, %swap3A_470], %mul3A_466 {strides = array<i32>} : memref<128x128xf32, #tpu.memory_space<vmem>>, vector<16xf32>,
          %add3A_472 = arith.constant 3 : i32
          %add3A_473 = arith.addi %add3A_194, %add3A_472 : i32
          %get3A_474 = arith.index_cast %add3A_473 : i32 to index
          %get3A_475 = arith.constant 0 : index
          %get3A_476 = tpu.vector_load %arg15[%get3A_474, %get3A_475] {strides = array<i32>} : memref<128x128xf32, #tpu.memory_space<vmem>>, vector<16xf32>,
          %mul3A_477 = arith.mulf %get3A_476, %gather3A_209 : vector<16xf32>
          %add3A_478 = arith.constant 3 : i32
          %add3A_479 = arith.addi %add3A_194, %add3A_478 : i32
          %swap3A_480 = arith.index_cast %add3A_479 : i32 to index
          %swap3A_481 = arith.constant 0 : index
          %swap3A_482 = tpu.vector_load %arg15[%swap3A_480, %swap3A_481] {strides = array<i32>} : memref<128x128xf32, #tpu.memory_space<vmem>>, vector<16xf32>,
          tpu.vector_store %arg15[%swap3A_480, %swap3A_481], %mul3A_477 {strides = array<i32>} : memref<128x128xf32, #tpu.memory_space<vmem>>, vector<16xf32>,
          %add3A_483 = arith.constant 3 : i32
          %add3A_484 = arith.addi %add3A_194, %add3A_483 : i32
          %get3A_485 = arith.index_cast %add3A_484 : i32 to index
          %get3A_486 = arith.constant 16 : index
          %get3A_487 = tpu.vector_load %arg15[%get3A_485, %get3A_486] {strides = array<i32>} : memref<128x128xf32, #tpu.memory_space<vmem>>, vector<16xf32>,
          %mul3A_488 = arith.mulf %get3A_487, %gather3A_209 : vector<16xf32>
          %add3A_489 = arith.constant 3 : i32
          %add3A_490 = arith.addi %add3A_194, %add3A_489 : i32
          %swap3A_491 = arith.index_cast %add3A_490 : i32 to index
          %swap3A_492 = arith.constant 16 : index
          %swap3A_493 = tpu.vector_load %arg15[%swap3A_491, %swap3A_492] {strides = array<i32>} : memref<128x128xf32, #tpu.memory_space<vmem>>, vector<16xf32>,
          tpu.vector_store %arg15[%swap3A_491, %swap3A_492], %mul3A_488 {strides = array<i32>} : memref<128x128xf32, #tpu.memory_space<vmem>>, vector<16xf32>,
          %add3A_494 = arith.constant 3 : i32
          %add3A_495 = arith.addi %add3A_194, %add3A_494 : i32
          %get3A_496 = arith.index_cast %add3A_495 : i32 to index
          %get3A_497 = arith.constant 32 : index
          %get3A_498 = tpu.vector_load %arg15[%get3A_496, %get3A_497] {strides = array<i32>} : memref<128x128xf32, #tpu.memory_space<vmem>>, vector<16xf32>,
          %mul3A_499 = arith.mulf %get3A_498, %gather3A_209 : vector<16xf32>
          %add3A_500 = arith.constant 3 : i32
          %add3A_501 = arith.addi %add3A_194, %add3A_500 : i32
          %swap3A_502 = arith.index_cast %add3A_501 : i32 to index
          %swap3A_503 = arith.constant 32 : index
          %swap3A_504 = tpu.vector_load %arg15[%swap3A_502, %swap3A_503] {strides = array<i32>} : memref<128x128xf32, #tpu.memory_space<vmem>>, vector<16xf32>,
          tpu.vector_store %arg15[%swap3A_502, %swap3A_503], %mul3A_499 {strides = array<i32>} : memref<128x128xf32, #tpu.memory_space<vmem>>, vector<16xf32>,
          %add3A_505 = arith.constant 3 : i32
          %add3A_506 = arith.addi %add3A_194, %add3A_505 : i32
          %get3A_507 = arith.index_cast %add3A_506 : i32 to index
          %get3A_508 = arith.constant 48 : index
          %get3A_509 = tpu.vector_load %arg15[%get3A_507, %get3A_508] {strides = array<i32>} : memref<128x128xf32, #tpu.memory_space<vmem>>, vector<16xf32>,
          %mul3A_510 = arith.mulf %get3A_509, %gather3A_209 : vector<16xf32>
          %add3A_511 = arith.constant 3 : i32
          %add3A_512 = arith.addi %add3A_194, %add3A_511 : i32
          %swap3A_513 = arith.index_cast %add3A_512 : i32 to index
          %swap3A_514 = arith.constant 48 : index
          %swap3A_515 = tpu.vector_load %arg15[%swap3A_513, %swap3A_514] {strides = array<i32>} : memref<128x128xf32, #tpu.memory_space<vmem>>, vector<16xf32>,
          tpu.vector_store %arg15[%swap3A_513, %swap3A_514], %mul3A_510 {strides = array<i32>} : memref<128x128xf32, #tpu.memory_space<vmem>>, vector<16xf32>,
          %add3A_516 = arith.constant 3 : i32
          %add3A_517 = arith.addi %add3A_194, %add3A_516 : i32
          %get3A_518 = arith.index_cast %add3A_517 : i32 to index
          %get3A_519 = arith.constant 64 : index
          %get3A_520 = tpu.vector_load %arg15[%get3A_518, %get3A_519] {strides = array<i32>} : memref<128x128xf32, #tpu.memory_space<vmem>>, vector<16xf32>,
          %mul3A_521 = arith.mulf %get3A_520, %gather3A_209 : vector<16xf32>
          %add3A_522 = arith.constant 3 : i32
          %add3A_523 = arith.addi %add3A_194, %add3A_522 : i32
          %swap3A_524 = arith.index_cast %add3A_523 : i32 to index
          %swap3A_525 = arith.constant 64 : index
          %swap3A_526 = tpu.vector_load %arg15[%swap3A_524, %swap3A_525] {strides = array<i32>} : memref<128x128xf32, #tpu.memory_space<vmem>>, vector<16xf32>,
          tpu.vector_store %arg15[%swap3A_524, %swap3A_525], %mul3A_521 {strides = array<i32>} : memref<128x128xf32, #tpu.memory_space<vmem>>, vector<16xf32>,
          %add3A_527 = arith.constant 3 : i32
          %add3A_528 = arith.addi %add3A_194, %add3A_527 : i32
          %get3A_529 = arith.index_cast %add3A_528 : i32 to index
          %get3A_530 = arith.constant 80 : index
          %get3A_531 = tpu.vector_load %arg15[%get3A_529, %get3A_530] {strides = array<i32>} : memref<128x128xf32, #tpu.memory_space<vmem>>, vector<16xf32>,
          %mul3A_532 = arith.mulf %get3A_531, %gather3A_209 : vector<16xf32>
          %add3A_533 = arith.constant 3 : i32
          %add3A_534 = arith.addi %add3A_194, %add3A_533 : i32
          %swap3A_535 = arith.index_cast %add3A_534 : i32 to index
          %swap3A_536 = arith.constant 80 : index
          %swap3A_537 = tpu.vector_load %arg15[%swap3A_535, %swap3A_536] {strides = array<i32>} : memref<128x128xf32, #tpu.memory_space<vmem>>, vector<16xf32>,
          tpu.vector_store %arg15[%swap3A_535, %swap3A_536], %mul3A_532 {strides = array<i32>} : memref<128x128xf32, #tpu.memory_space<vmem>>, vector<16xf32>,
          %add3A_538 = arith.constant 3 : i32
          %add3A_539 = arith.addi %add3A_194, %add3A_538 : i32
          %get3A_540 = arith.index_cast %add3A_539 : i32 to index
          %get3A_541 = arith.constant 96 : index
          %get3A_542 = tpu.vector_load %arg15[%get3A_540, %get3A_541] {strides = array<i32>} : memref<128x128xf32, #tpu.memory_space<vmem>>, vector<16xf32>,
          %mul3A_543 = arith.mulf %get3A_542, %gather3A_209 : vector<16xf32>
          %add3A_544 = arith.constant 3 : i32
          %add3A_545 = arith.addi %add3A_194, %add3A_544 : i32
          %swap3A_546 = arith.index_cast %add3A_545 : i32 to index
          %swap3A_547 = arith.constant 96 : index
          %swap3A_548 = tpu.vector_load %arg15[%swap3A_546, %swap3A_547] {strides = array<i32>} : memref<128x128xf32, #tpu.memory_space<vmem>>, vector<16xf32>,
          tpu.vector_store %arg15[%swap3A_546, %swap3A_547], %mul3A_543 {strides = array<i32>} : memref<128x128xf32, #tpu.memory_space<vmem>>, vector<16xf32>,
          %add3A_549 = arith.constant 3 : i32
          %add3A_550 = arith.addi %add3A_194, %add3A_549 : i32
          %get3A_551 = arith.index_cast %add3A_550 : i32 to index
          %get3A_552 = arith.constant 112 : index
          %get3A_553 = tpu.vector_load %arg15[%get3A_551, %get3A_552] {strides = array<i32>} : memref<128x128xf32, #tpu.memory_space<vmem>>, vector<16xf32>,
          %mul3A_554 = arith.mulf %get3A_553, %gather3A_209 : vector<16xf32>
          %add3A_555 = arith.constant 3 : i32
          %add3A_556 = arith.addi %add3A_194, %add3A_555 : i32
          %swap3A_557 = arith.index_cast %add3A_556 : i32 to index
          %swap3A_558 = arith.constant 112 : index
          %swap3A_559 = tpu.vector_load %arg15[%swap3A_557, %swap3A_558] {strides = array<i32>} : memref<128x128xf32, #tpu.memory_space<vmem>>, vector<16xf32>,
          tpu.vector_store %arg15[%swap3A_557, %swap3A_558], %mul3A_554 {strides = array<i32>} : memref<128x128xf32, #tpu.memory_space<vmem>>, vector<16xf32>,
        }
        %scan3A_187 = arith.constant 32 : i32
        %dma_start3A = arith.constant 0 : i32
        %dma_start3A_188 = arith.constant 0 : i32
        %dma_start3A_189 = tpu.memref_slice %arg24[%dma_start3A, %dma_start3A_188] : memref<10000x128xf32, #tpu.memory_space<vmem_shared>> -> memref<10000x128xf32, #tpu.memory_space<vmem_shared>>
        tpu.enqueue_indirect_dma source(%arg15 : memref<128x128xf32, #tpu.memory_space<vmem>>) target(%dma_start3A_189 : memref<10000x128xf32, #tpu.memory_space<vmem_shared>>) offsets(%arg9 : memref<128xi32, #tpu.memory_space<vmem>>) semaphore(%arg23 : memref<!tpu.dma_semaphore, #tpu.memory_space<semaphore_mem>>) {add = true}
      } else {
      }
    }
    %scan3A_52 = arith.constant 40 : i32
    %dma_wait3A = arith.constant 0 : i32
    %dma_wait3A_53 = arith.constant 0 : i32
    %dma_wait3A_54 = tpu.memref_slice %arg24[%dma_wait3A, %dma_wait3A_53] : memref<10000x128xf32, #tpu.memory_space<vmem_shared>> -> memref<10000x128xf32, #tpu.memory_space<vmem_shared>>
    tpu.wait_indirect_dma semaphore(%arg22 : memref<!tpu.dma_semaphore, #tpu.memory_space<semaphore_mem>>) src(%arg14 : memref<128x128xf32, #tpu.memory_space<vmem>>) dst(%dma_wait3A_54 : memref<10000x128xf32, #tpu.memory_space<vmem_shared>>)
    %dma_wait3A_55 = arith.constant 0 : i32
    %dma_wait3A_56 = arith.constant 0 : i32
    %dma_wait3A_57 = tpu.memref_slice %arg24[%dma_wait3A_55, %dma_wait3A_56] : memref<10000x128xf32, #tpu.memory_space<vmem_shared>> -> memref<10000x128xf32, #tpu.memory_space<vmem_shared>>
    tpu.wait_indirect_dma semaphore(%arg23 : memref<!tpu.dma_semaphore, #tpu.memory_space<semaphore_mem>>) src(%arg15 : memref<128x128xf32, #tpu.memory_space<vmem>>) dst(%dma_wait3A_57 : memref<10000x128xf32, #tpu.memory_space<vmem_shared>>)
    %barrier3A_58 = arith.constant 0 : index
    tpu.barrier barrier_id(%barrier3A_58)
    %mul3A_59 = arith.constant 624 : i32
    %mul3A_60 = arith.muli %arg1, %mul3A_59 : i32
    %add3A_61 = arith.constant 0 : i32
    %add3A_62 = arith.addi %mul3A_60, %add3A_61 : i32
    "tpu.region"() ({
      %run_scoped3A = tpu.sem_alloc : memref<!tpu.dma_semaphore, #tpu.memory_space<semaphore_mem>>
      %dma_start3A = arith.constant 0 : i32
      %dma_start3A_104 = tpu.memref_slice %arg24[%add3A_62, %dma_start3A] : memref<10000x128xf32, #tpu.memory_space<vmem_shared>> -> memref<128x128xf32, #tpu.memory_space<vmem_shared>>
      %dma_start3A_105 = arith.constant 0 : i32
      %dma_start3A_106 = tpu.memref_slice %arg24[%add3A_62, %dma_start3A_105] : memref<10000x128xf32, #tpu.memory_space<vmem_shared>> -> memref<128x128xf32, #tpu.memory_space<vmem_shared>>
      tpu.enqueue_dma source(%dma_start3A_106 : memref<128x128xf32, #tpu.memory_space<vmem_shared>>) target(%arg14 : memref<128x128xf32, #tpu.memory_space<vmem>>) target_semaphore(%run_scoped3A : memref<!tpu.dma_semaphore, #tpu.memory_space<semaphore_mem>>)
      %dma_wait3A_107 = arith.constant 0 : i32
      %dma_wait3A_108 = tpu.memref_slice %arg24[%add3A_62, %dma_wait3A_107] : memref<10000x128xf32, #tpu.memory_space<vmem_shared>> -> memref<128x128xf32, #tpu.memory_space<vmem_shared>>
      %dma_wait3A_109 = arith.constant 0 : i32
      %dma_wait3A_110 = tpu.memref_slice %arg24[%add3A_62, %dma_wait3A_109] : memref<10000x128xf32, #tpu.memory_space<vmem_shared>> -> memref<128x128xf32, #tpu.memory_space<vmem_shared>>
      tpu.wait_dma2 semaphore(%run_scoped3A : memref<!tpu.dma_semaphore, #tpu.memory_space<semaphore_mem>>) src(%dma_wait3A_110 : memref<128x128xf32, #tpu.memory_space<vmem_shared>>) dst(%arg14 : memref<128x128xf32, #tpu.memory_space<vmem>>)
      tpu.yield
    }) : () -> ()
    %mul3A_63 = arith.constant 624 : i32
    %mul3A_64 = arith.muli %arg1, %mul3A_63 : i32
    %add3A_65 = arith.constant 0 : i32
    %add3A_66 = arith.addi %mul3A_64, %add3A_65 : i32
    "tpu.region"() ({
      %run_scoped3A = tpu.sem_alloc : memref<!tpu.dma_semaphore, #tpu.memory_space<semaphore_mem>>
      %dma_start3A = arith.constant 0 : i32
      %dma_start3A_104 = tpu.memref_slice %arg5[%arg0, %add3A_66, %dma_start3A] : memref<2x10000x128xf32, #tpu.memory_space<hbm>> -> memref<1x128x128xf32, #tpu.memory_space<hbm>>
      %dma_start3A_105 = tpu.memref_squeeze %dma_start3A_104 : memref<1x128x128xf32, #tpu.memory_space<hbm>> -> memref<128x128xf32, #tpu.memory_space<hbm>>
      %dma_start3A_106 = arith.constant 0 : i32
      %dma_start3A_107 = tpu.memref_slice %arg5[%arg0, %add3A_66, %dma_start3A_106] : memref<2x10000x128xf32, #tpu.memory_space<hbm>> -> memref<1x128x128xf32, #tpu.memory_space<hbm>>
      %dma_start3A_108 = tpu.memref_squeeze %dma_start3A_107 : memref<1x128x128xf32, #tpu.memory_space<hbm>> -> memref<128x128xf32, #tpu.memory_space<hbm>>
      tpu.enqueue_dma source(%arg14 : memref<128x128xf32, #tpu.memory_space<vmem>>) target(%dma_start3A_108 : memref<128x128xf32, #tpu.memory_space<hbm>>) target_semaphore(%run_scoped3A : memref<!tpu.dma_semaphore, #tpu.memory_space<semaphore_mem>>)
      %dma_wait3A_109 = arith.constant 0 : i32
      %dma_wait3A_110 = tpu.memref_slice %arg5[%arg0, %add3A_66, %dma_wait3A_109] : memref<2x10000x128xf32, #tpu.memory_space<hbm>> -> memref<1x128x128xf32, #tpu.memory_space<hbm>>
      %dma_wait3A_111 = tpu.memref_squeeze %dma_wait3A_110 : memref<1x128x128xf32, #tpu.memory_space<hbm>> -> memref<128x128xf32, #tpu.memory_space<hbm>>
      %dma_wait3A_112 = arith.constant 0 : i32
      %dma_wait3A_113 = tpu.memref_slice %arg5[%arg0, %add3A_66, %dma_wait3A_112] : memref<2x10000x128xf32, #tpu.memory_space<hbm>> -> memref<1x128x128xf32, #tpu.memory_space<hbm>>
      %dma_wait3A_114 = tpu.memref_squeeze %dma_wait3A_113 : memref<1x128x128xf32, #tpu.memory_space<hbm>> -> memref<128x128xf32, #tpu.memory_space<hbm>>
      tpu.wait_dma2 semaphore(%run_scoped3A : memref<!tpu.dma_semaphore, #tpu.memory_space<semaphore_mem>>) src(%arg14 : memref<128x128xf32, #tpu.memory_space<vmem>>) dst(%dma_wait3A_114 : memref<128x128xf32, #tpu.memory_space<hbm>>)
      tpu.yield
    }) : () -> ()
    %mul3A_67 = arith.constant 624 : i32
    %mul3A_68 = arith.muli %arg1, %mul3A_67 : i32
    %add3A_69 = arith.constant 128 : i32
    %add3A_70 = arith.addi %mul3A_68, %add3A_69 : i32
    "tpu.region"() ({
      %run_scoped3A = tpu.sem_alloc : memref<!tpu.dma_semaphore, #tpu.memory_space<semaphore_mem>>
      %dma_start3A = arith.constant 0 : i32
      %dma_start3A_104 = tpu.memref_slice %arg24[%add3A_70, %dma_start3A] : memref<10000x128xf32, #tpu.memory_space<vmem_shared>> -> memref<128x128xf32, #tpu.memory_space<vmem_shared>>
      %dma_start3A_105 = arith.constant 0 : i32
      %dma_start3A_106 = tpu.memref_slice %arg24[%add3A_70, %dma_start3A_105] : memref<10000x128xf32, #tpu.memory_space<vmem_shared>> -> memref<128x128xf32, #tpu.memory_space<vmem_shared>>
      tpu.enqueue_dma source(%dma_start3A_106 : memref<128x128xf32, #tpu.memory_space<vmem_shared>>) target(%arg14 : memref<128x128xf32, #tpu.memory_space<vmem>>) target_semaphore(%run_scoped3A : memref<!tpu.dma_semaphore, #tpu.memory_space<semaphore_mem>>)
      %dma_wait3A_107 = arith.constant 0 : i32
      %dma_wait3A_108 = tpu.memref_slice %arg24[%add3A_70, %dma_wait3A_107] : memref<10000x128xf32, #tpu.memory_space<vmem_shared>> -> memref<128x128xf32, #tpu.memory_space<vmem_shared>>
      %dma_wait3A_109 = arith.constant 0 : i32
      %dma_wait3A_110 = tpu.memref_slice %arg24[%add3A_70, %dma_wait3A_109] : memref<10000x128xf32, #tpu.memory_space<vmem_shared>> -> memref<128x128xf32, #tpu.memory_space<vmem_shared>>
      tpu.wait_dma2 semaphore(%run_scoped3A : memref<!tpu.dma_semaphore, #tpu.memory_space<semaphore_mem>>) src(%dma_wait3A_110 : memref<128x128xf32, #tpu.memory_space<vmem_shared>>) dst(%arg14 : memref<128x128xf32, #tpu.memory_space<vmem>>)
      tpu.yield
    }) : () -> ()
    %mul3A_71 = arith.constant 624 : i32
    %mul3A_72 = arith.muli %arg1, %mul3A_71 : i32
    %add3A_73 = arith.constant 128 : i32
    %add3A_74 = arith.addi %mul3A_72, %add3A_73 : i32
    "tpu.region"() ({
      %run_scoped3A = tpu.sem_alloc : memref<!tpu.dma_semaphore, #tpu.memory_space<semaphore_mem>>
      %dma_start3A = arith.constant 0 : i32
      %dma_start3A_104 = tpu.memref_slice %arg5[%arg0, %add3A_74, %dma_start3A] : memref<2x10000x128xf32, #tpu.memory_space<hbm>> -> memref<1x128x128xf32, #tpu.memory_space<hbm>>
      %dma_start3A_105 = tpu.memref_squeeze %dma_start3A_104 : memref<1x128x128xf32, #tpu.memory_space<hbm>> -> memref<128x128xf32, #tpu.memory_space<hbm>>
      %dma_start3A_106 = arith.constant 0 : i32
      %dma_start3A_107 = tpu.memref_slice %arg5[%arg0, %add3A_74, %dma_start3A_106] : memref<2x10000x128xf32, #tpu.memory_space<hbm>> -> memref<1x128x128xf32, #tpu.memory_space<hbm>>
      %dma_start3A_108 = tpu.memref_squeeze %dma_start3A_107 : memref<1x128x128xf32, #tpu.memory_space<hbm>> -> memref<128x128xf32, #tpu.memory_space<hbm>>
      tpu.enqueue_dma source(%arg14 : memref<128x128xf32, #tpu.memory_space<vmem>>) target(%dma_start3A_108 : memref<128x128xf32, #tpu.memory_space<hbm>>) target_semaphore(%run_scoped3A : memref<!tpu.dma_semaphore, #tpu.memory_space<semaphore_mem>>)
      %dma_wait3A_109 = arith.constant 0 : i32
      %dma_wait3A_110 = tpu.memref_slice %arg5[%arg0, %add3A_74, %dma_wait3A_109] : memref<2x10000x128xf32, #tpu.memory_space<hbm>> -> memref<1x128x128xf32, #tpu.memory_space<hbm>>
      %dma_wait3A_111 = tpu.memref_squeeze %dma_wait3A_110 : memref<1x128x128xf32, #tpu.memory_space<hbm>> -> memref<128x128xf32, #tpu.memory_space<hbm>>
      %dma_wait3A_112 = arith.constant 0 : i32
      %dma_wait3A_113 = tpu.memref_slice %arg5[%arg0, %add3A_74, %dma_wait3A_112] : memref<2x10000x128xf32, #tpu.memory_space<hbm>> -> memref<1x128x128xf32, #tpu.memory_space<hbm>>
      %dma_wait3A_114 = tpu.memref_squeeze %dma_wait3A_113 : memref<1x128x128xf32, #tpu.memory_space<hbm>> -> memref<128x128xf32, #tpu.memory_space<hbm>>
      tpu.wait_dma2 semaphore(%run_scoped3A : memref<!tpu.dma_semaphore, #tpu.memory_space<semaphore_mem>>) src(%arg14 : memref<128x128xf32, #tpu.memory_space<vmem>>) dst(%dma_wait3A_114 : memref<128x128xf32, #tpu.memory_space<hbm>>)
      tpu.yield
    }) : () -> ()
    %mul3A_75 = arith.constant 624 : i32
    %mul3A_76 = arith.muli %arg1, %mul3A_75 : i32
    %add3A_77 = arith.constant 256 : i32
    %add3A_78 = arith.addi %mul3A_76, %add3A_77 : i32
    "tpu.region"() ({
      %run_scoped3A = tpu.sem_alloc : memref<!tpu.dma_semaphore, #tpu.memory_space<semaphore_mem>>
      %dma_start3A = arith.constant 0 : i32
      %dma_start3A_104 = tpu.memref_slice %arg24[%add3A_78, %dma_start3A] : memref<10000x128xf32, #tpu.memory_space<vmem_shared>> -> memref<128x128xf32, #tpu.memory_space<vmem_shared>>
      %dma_start3A_105 = arith.constant 0 : i32
      %dma_start3A_106 = tpu.memref_slice %arg24[%add3A_78, %dma_start3A_105] : memref<10000x128xf32, #tpu.memory_space<vmem_shared>> -> memref<128x128xf32, #tpu.memory_space<vmem_shared>>
      tpu.enqueue_dma source(%dma_start3A_106 : memref<128x128xf32, #tpu.memory_space<vmem_shared>>) target(%arg14 : memref<128x128xf32, #tpu.memory_space<vmem>>) target_semaphore(%run_scoped3A : memref<!tpu.dma_semaphore, #tpu.memory_space<semaphore_mem>>)
      %dma_wait3A_107 = arith.constant 0 : i32
      %dma_wait3A_108 = tpu.memref_slice %arg24[%add3A_78, %dma_wait3A_107] : memref<10000x128xf32, #tpu.memory_space<vmem_shared>> -> memref<128x128xf32, #tpu.memory_space<vmem_shared>>
      %dma_wait3A_109 = arith.constant 0 : i32
      %dma_wait3A_110 = tpu.memref_slice %arg24[%add3A_78, %dma_wait3A_109] : memref<10000x128xf32, #tpu.memory_space<vmem_shared>> -> memref<128x128xf32, #tpu.memory_space<vmem_shared>>
      tpu.wait_dma2 semaphore(%run_scoped3A : memref<!tpu.dma_semaphore, #tpu.memory_space<semaphore_mem>>) src(%dma_wait3A_110 : memref<128x128xf32, #tpu.memory_space<vmem_shared>>) dst(%arg14 : memref<128x128xf32, #tpu.memory_space<vmem>>)
      tpu.yield
    }) : () -> ()
    %mul3A_79 = arith.constant 624 : i32
    %mul3A_80 = arith.muli %arg1, %mul3A_79 : i32
    %add3A_81 = arith.constant 256 : i32
    %add3A_82 = arith.addi %mul3A_80, %add3A_81 : i32
    "tpu.region"() ({
      %run_scoped3A = tpu.sem_alloc : memref<!tpu.dma_semaphore, #tpu.memory_space<semaphore_mem>>
      %dma_start3A = arith.constant 0 : i32
      %dma_start3A_104 = tpu.memref_slice %arg5[%arg0, %add3A_82, %dma_start3A] : memref<2x10000x128xf32, #tpu.memory_space<hbm>> -> memref<1x128x128xf32, #tpu.memory_space<hbm>>
      %dma_start3A_105 = tpu.memref_squeeze %dma_start3A_104 : memref<1x128x128xf32, #tpu.memory_space<hbm>> -> memref<128x128xf32, #tpu.memory_space<hbm>>
      %dma_start3A_106 = arith.constant 0 : i32
      %dma_start3A_107 = tpu.memref_slice %arg5[%arg0, %add3A_82, %dma_start3A_106] : memref<2x10000x128xf32, #tpu.memory_space<hbm>> -> memref<1x128x128xf32, #tpu.memory_space<hbm>>
      %dma_start3A_108 = tpu.memref_squeeze %dma_start3A_107 : memref<1x128x128xf32, #tpu.memory_space<hbm>> -> memref<128x128xf32, #tpu.memory_space<hbm>>
      tpu.enqueue_dma source(%arg14 : memref<128x128xf32, #tpu.memory_space<vmem>>) target(%dma_start3A_108 : memref<128x128xf32, #tpu.memory_space<hbm>>) target_semaphore(%run_scoped3A : memref<!tpu.dma_semaphore, #tpu.memory_space<semaphore_mem>>)
      %dma_wait3A_109 = arith.constant 0 : i32
      %dma_wait3A_110 = tpu.memref_slice %arg5[%arg0, %add3A_82, %dma_wait3A_109] : memref<2x10000x128xf32, #tpu.memory_space<hbm>> -> memref<1x128x128xf32, #tpu.memory_space<hbm>>
      %dma_wait3A_111 = tpu.memref_squeeze %dma_wait3A_110 : memref<1x128x128xf32, #tpu.memory_space<hbm>> -> memref<128x128xf32, #tpu.memory_space<hbm>>
      %dma_wait3A_112 = arith.constant 0 : i32
      %dma_wait3A_113 = tpu.memref_slice %arg5[%arg0, %add3A_82, %dma_wait3A_112] : memref<2x10000x128xf32, #tpu.memory_space<hbm>> -> memref<1x128x128xf32, #tpu.memory_space<hbm>>
      %dma_wait3A_114 = tpu.memref_squeeze %dma_wait3A_113 : memref<1x128x128xf32, #tpu.memory_space<hbm>> -> memref<128x128xf32, #tpu.memory_space<hbm>>
      tpu.wait_dma2 semaphore(%run_scoped3A : memref<!tpu.dma_semaphore, #tpu.memory_space<semaphore_mem>>) src(%arg14 : memref<128x128xf32, #tpu.memory_space<vmem>>) dst(%dma_wait3A_114 : memref<128x128xf32, #tpu.memory_space<hbm>>)
      tpu.yield
    }) : () -> ()
    %mul3A_83 = arith.constant 624 : i32
    %mul3A_84 = arith.muli %arg1, %mul3A_83 : i32
    %add3A_85 = arith.constant 384 : i32
    %add3A_86 = arith.addi %mul3A_84, %add3A_85 : i32
    "tpu.region"() ({
      %run_scoped3A = tpu.sem_alloc : memref<!tpu.dma_semaphore, #tpu.memory_space<semaphore_mem>>
      %dma_start3A = arith.constant 0 : i32
      %dma_start3A_104 = tpu.memref_slice %arg24[%add3A_86, %dma_start3A] : memref<10000x128xf32, #tpu.memory_space<vmem_shared>> -> memref<128x128xf32, #tpu.memory_space<vmem_shared>>
      %dma_start3A_105 = arith.constant 0 : i32
      %dma_start3A_106 = tpu.memref_slice %arg24[%add3A_86, %dma_start3A_105] : memref<10000x128xf32, #tpu.memory_space<vmem_shared>> -> memref<128x128xf32, #tpu.memory_space<vmem_shared>>
      tpu.enqueue_dma source(%dma_start3A_106 : memref<128x128xf32, #tpu.memory_space<vmem_shared>>) target(%arg14 : memref<128x128xf32, #tpu.memory_space<vmem>>) target_semaphore(%run_scoped3A : memref<!tpu.dma_semaphore, #tpu.memory_space<semaphore_mem>>)
      %dma_wait3A_107 = arith.constant 0 : i32
      %dma_wait3A_108 = tpu.memref_slice %arg24[%add3A_86, %dma_wait3A_107] : memref<10000x128xf32, #tpu.memory_space<vmem_shared>> -> memref<128x128xf32, #tpu.memory_space<vmem_shared>>
      %dma_wait3A_109 = arith.constant 0 : i32
      %dma_wait3A_110 = tpu.memref_slice %arg24[%add3A_86, %dma_wait3A_109] : memref<10000x128xf32, #tpu.memory_space<vmem_shared>> -> memref<128x128xf32, #tpu.memory_space<vmem_shared>>
      tpu.wait_dma2 semaphore(%run_scoped3A : memref<!tpu.dma_semaphore, #tpu.memory_space<semaphore_mem>>) src(%dma_wait3A_110 : memref<128x128xf32, #tpu.memory_space<vmem_shared>>) dst(%arg14 : memref<128x128xf32, #tpu.memory_space<vmem>>)
      tpu.yield
    }) : () -> ()
    %mul3A_87 = arith.constant 624 : i32
    %mul3A_88 = arith.muli %arg1, %mul3A_87 : i32
    %add3A_89 = arith.constant 384 : i32
    %add3A_90 = arith.addi %mul3A_88, %add3A_89 : i32
    "tpu.region"() ({
      %run_scoped3A = tpu.sem_alloc : memref<!tpu.dma_semaphore, #tpu.memory_space<semaphore_mem>>
      %dma_start3A = arith.constant 0 : i32
      %dma_start3A_104 = tpu.memref_slice %arg5[%arg0, %add3A_90, %dma_start3A] : memref<2x10000x128xf32, #tpu.memory_space<hbm>> -> memref<1x128x128xf32, #tpu.memory_space<hbm>>
      %dma_start3A_105 = tpu.memref_squeeze %dma_start3A_104 : memref<1x128x128xf32, #tpu.memory_space<hbm>> -> memref<128x128xf32, #tpu.memory_space<hbm>>
      %dma_start3A_106 = arith.constant 0 : i32
      %dma_start3A_107 = tpu.memref_slice %arg5[%arg0, %add3A_90, %dma_start3A_106] : memref<2x10000x128xf32, #tpu.memory_space<hbm>> -> memref<1x128x128xf32, #tpu.memory_space<hbm>>
      %dma_start3A_108 = tpu.memref_squeeze %dma_start3A_107 : memref<1x128x128xf32, #tpu.memory_space<hbm>> -> memref<128x128xf32, #tpu.memory_space<hbm>>
      tpu.enqueue_dma source(%arg14 : memref<128x128xf32, #tpu.memory_space<vmem>>) target(%dma_start3A_108 : memref<128x128xf32, #tpu.memory_space<hbm>>) target_semaphore(%run_scoped3A : memref<!tpu.dma_semaphore, #tpu.memory_space<semaphore_mem>>)
      %dma_wait3A_109 = arith.constant 0 : i32
      %dma_wait3A_110 = tpu.memref_slice %arg5[%arg0, %add3A_90, %dma_wait3A_109] : memref<2x10000x128xf32, #tpu.memory_space<hbm>> -> memref<1x128x128xf32, #tpu.memory_space<hbm>>
      %dma_wait3A_111 = tpu.memref_squeeze %dma_wait3A_110 : memref<1x128x128xf32, #tpu.memory_space<hbm>> -> memref<128x128xf32, #tpu.memory_space<hbm>>
      %dma_wait3A_112 = arith.constant 0 : i32
      %dma_wait3A_113 = tpu.memref_slice %arg5[%arg0, %add3A_90, %dma_wait3A_112] : memref<2x10000x128xf32, #tpu.memory_space<hbm>> -> memref<1x128x128xf32, #tpu.memory_space<hbm>>
      %dma_wait3A_114 = tpu.memref_squeeze %dma_wait3A_113 : memref<1x128x128xf32, #tpu.memory_space<hbm>> -> memref<128x128xf32, #tpu.memory_space<hbm>>
      tpu.wait_dma2 semaphore(%run_scoped3A : memref<!tpu.dma_semaphore, #tpu.memory_space<semaphore_mem>>) src(%arg14 : memref<128x128xf32, #tpu.memory_space<vmem>>) dst(%dma_wait3A_114 : memref<128x128xf32, #tpu.memory_space<hbm>>)
      tpu.yield
    }) : () -> ()
    %mul3A_91 = arith.constant 624 : i32
    %mul3A_92 = arith.muli %arg1, %mul3A_91 : i32
    %add3A_93 = arith.constant 512 : i32
    %add3A_94 = arith.addi %mul3A_92, %add3A_93 : i32
    "tpu.region"() ({
      %run_scoped3A = tpu.sem_alloc : memref<!tpu.dma_semaphore, #tpu.memory_space<semaphore_mem>>
      %dma_start3A = arith.constant 0 : i32
      %dma_start3A_104 = arith.constant 0 : i32
      %dma_start3A_105 = tpu.memref_slice %arg14[%dma_start3A, %dma_start3A_104] : memref<128x128xf32, #tpu.memory_space<vmem>> -> memref<112x128xf32, #tpu.memory_space<vmem>>
      %dma_start3A_106 = arith.constant 0 : i32
      %dma_start3A_107 = tpu.memref_slice %arg24[%add3A_94, %dma_start3A_106] : memref<10000x128xf32, #tpu.memory_space<vmem_shared>> -> memref<112x128xf32, #tpu.memory_space<vmem_shared>>
      %dma_start3A_108 = arith.constant 0 : i32
      %dma_start3A_109 = arith.constant 0 : i32
      %dma_start3A_110 = tpu.memref_slice %arg14[%dma_start3A_108, %dma_start3A_109] : memref<128x128xf32, #tpu.memory_space<vmem>> -> memref<112x128xf32, #tpu.memory_space<vmem>>
      %dma_start3A_111 = arith.constant 0 : i32
      %dma_start3A_112 = tpu.memref_slice %arg24[%add3A_94, %dma_start3A_111] : memref<10000x128xf32, #tpu.memory_space<vmem_shared>> -> memref<112x128xf32, #tpu.memory_space<vmem_shared>>
      tpu.enqueue_dma source(%dma_start3A_112 : memref<112x128xf32, #tpu.memory_space<vmem_shared>>) target(%dma_start3A_110 : memref<112x128xf32, #tpu.memory_space<vmem>>) target_semaphore(%run_scoped3A : memref<!tpu.dma_semaphore, #tpu.memory_space<semaphore_mem>>)
      %dma_wait3A_113 = arith.constant 0 : i32
      %dma_wait3A_114 = arith.constant 0 : i32
      %dma_wait3A_115 = tpu.memref_slice %arg14[%dma_wait3A_113, %dma_wait3A_114] : memref<128x128xf32, #tpu.memory_space<vmem>> -> memref<112x128xf32, #tpu.memory_space<vmem>>
      %dma_wait3A_116 = arith.constant 0 : i32
      %dma_wait3A_117 = tpu.memref_slice %arg24[%add3A_94, %dma_wait3A_116] : memref<10000x128xf32, #tpu.memory_space<vmem_shared>> -> memref<112x128xf32, #tpu.memory_space<vmem_shared>>
      %dma_wait3A_118 = arith.constant 0 : i32
      %dma_wait3A_119 = arith.constant 0 : i32
      %dma_wait3A_120 = tpu.memref_slice %arg14[%dma_wait3A_118, %dma_wait3A_119] : memref<128x128xf32, #tpu.memory_space<vmem>> -> memref<112x128xf32, #tpu.memory_space<vmem>>
      %dma_wait3A_121 = arith.constant 0 : i32
      %dma_wait3A_122 = tpu.memref_slice %arg24[%add3A_94, %dma_wait3A_121] : memref<10000x128xf32, #tpu.memory_space<vmem_shared>> -> memref<112x128xf32, #tpu.memory_space<vmem_shared>>
      tpu.wait_dma2 semaphore(%run_scoped3A : memref<!tpu.dma_semaphore, #tpu.memory_space<semaphore_mem>>) src(%dma_wait3A_122 : memref<112x128xf32, #tpu.memory_space<vmem_shared>>) dst(%dma_wait3A_120 : memref<112x128xf32, #tpu.memory_space<vmem>>)
      tpu.yield
    }) : () -> ()
    %mul3A_95 = arith.constant 624 : i32
    %mul3A_96 = arith.muli %arg1, %mul3A_95 : i32
    %add3A_97 = arith.constant 512 : i32
    %add3A_98 = arith.addi %mul3A_96, %add3A_97 : i32
    "tpu.region"() ({
      %run_scoped3A = tpu.sem_alloc : memref<!tpu.dma_semaphore, #tpu.memory_space<semaphore_mem>>
      %dma_start3A = arith.constant 0 : i32
      %dma_start3A_104 = arith.constant 0 : i32
      %dma_start3A_105 = tpu.memref_slice %arg14[%dma_start3A, %dma_start3A_104] : memref<128x128xf32, #tpu.memory_space<vmem>> -> memref<112x128xf32, #tpu.memory_space<vmem>>
      %dma_start3A_106 = arith.constant 0 : i32
      %dma_start3A_107 = tpu.memref_slice %arg5[%arg0, %add3A_98, %dma_start3A_106] : memref<2x10000x128xf32, #tpu.memory_space<hbm>> -> memref<1x112x128xf32, #tpu.memory_space<hbm>>
      %dma_start3A_108 = tpu.memref_squeeze %dma_start3A_107 : memref<1x112x128xf32, #tpu.memory_space<hbm>> -> memref<112x128xf32, #tpu.memory_space<hbm>>
      %dma_start3A_109 = arith.constant 0 : i32
      %dma_start3A_110 = tpu.memref_slice %arg5[%arg0, %add3A_98, %dma_start3A_109] : memref<2x10000x128xf32, #tpu.memory_space<hbm>> -> memref<1x112x128xf32, #tpu.memory_space<hbm>>
      %dma_start3A_111 = tpu.memref_squeeze %dma_start3A_110 : memref<1x112x128xf32, #tpu.memory_space<hbm>> -> memref<112x128xf32, #tpu.memory_space<hbm>>
      %dma_start3A_112 = arith.constant 0 : i32
      %dma_start3A_113 = arith.constant 0 : i32
      %dma_start3A_114 = tpu.memref_slice %arg14[%dma_start3A_112, %dma_start3A_113] : memref<128x128xf32, #tpu.memory_space<vmem>> -> memref<112x128xf32, #tpu.memory_space<vmem>>
      tpu.enqueue_dma source(%dma_start3A_114 : memref<112x128xf32, #tpu.memory_space<vmem>>) target(%dma_start3A_111 : memref<112x128xf32, #tpu.memory_space<hbm>>) target_semaphore(%run_scoped3A : memref<!tpu.dma_semaphore, #tpu.memory_space<semaphore_mem>>)
      %dma_wait3A_115 = arith.constant 0 : i32
      %dma_wait3A_116 = arith.constant 0 : i32
      %dma_wait3A_117 = tpu.memref_slice %arg14[%dma_wait3A_115, %dma_wait3A_116] : memref<128x128xf32, #tpu.memory_space<vmem>> -> memref<112x128xf32, #tpu.memory_space<vmem>>
      %dma_wait3A_118 = arith.constant 0 : i32
      %dma_wait3A_119 = tpu.memref_slice %arg5[%arg0, %add3A_98, %dma_wait3A_118] : memref<2x10000x128xf32, #tpu.memory_space<hbm>> -> memref<1x112x128xf32, #tpu.memory_space<hbm>>
      %dma_wait3A_120 = tpu.memref_squeeze %dma_wait3A_119 : memref<1x112x128xf32, #tpu.memory_space<hbm>> -> memref<112x128xf32, #tpu.memory_space<hbm>>
      %dma_wait3A_121 = arith.constant 0 : i32
      %dma_wait3A_122 = tpu.memref_slice %arg5[%arg0, %add3A_98, %dma_wait3A_121] : memref<2x10000x128xf32, #tpu.memory_space<hbm>> -> memref<1x112x128xf32, #tpu.memory_space<hbm>>
      %dma_wait3A_123 = tpu.memref_squeeze %dma_wait3A_122 : memref<1x112x128xf32, #tpu.memory_space<hbm>> -> memref<112x128xf32, #tpu.memory_space<hbm>>
      %dma_wait3A_124 = arith.constant 0 : i32
      %dma_wait3A_125 = arith.constant 0 : i32
      %dma_wait3A_126 = tpu.memref_slice %arg14[%dma_wait3A_124, %dma_wait3A_125] : memref<128x128xf32, #tpu.memory_space<vmem>> -> memref<112x128xf32, #tpu.memory_space<vmem>>
      tpu.wait_dma2 semaphore(%run_scoped3A : memref<!tpu.dma_semaphore, #tpu.memory_space<semaphore_mem>>) src(%dma_wait3A_126 : memref<112x128xf32, #tpu.memory_space<vmem>>) dst(%dma_wait3A_123 : memref<112x128xf32, #tpu.memory_space<hbm>>)
      tpu.yield
    }) : () -> ()
    %eq3A_99 = arith.constant 15 : i32
    %eq3A_100 = arith.cmpi eq, %arg1, %eq3A_99 : i32
    %convert_element_type3A_101 = arith.extui %eq3A_100 : i1 to i32
    %cond3A_102 = arith.constant 0 : i32
    %cond3A_103 = arith.cmpi ne, %convert_element_type3A_101, %cond3A_102 : i32
    scf.if %cond3A_103 {
      "tpu.region"() ({
        %run_scoped3A = tpu.sem_alloc : memref<!tpu.dma_semaphore, #tpu.memory_space<semaphore_mem>>
        %dma_start3A = arith.constant 0 : i32
        %dma_start3A_104 = arith.constant 0 : i32
        %dma_start3A_105 = tpu.memref_slice %arg14[%dma_start3A, %dma_start3A_104] : memref<128x128xf32, #tpu.memory_space<vmem>> -> memref<16x128xf32, #tpu.memory_space<vmem>>
        %dma_start3A_106 = arith.constant 9984 : i32
        %dma_start3A_107 = arith.constant 0 : i32
        %dma_start3A_108 = tpu.memref_slice %arg24[%dma_start3A_106, %dma_start3A_107] : memref<10000x128xf32, #tpu.memory_space<vmem_shared>> -> memref<16x128xf32, #tpu.memory_space<vmem_shared>>
        %dma_start3A_109 = arith.constant 0 : i32
        %dma_start3A_110 = arith.constant 0 : i32
        %dma_start3A_111 = tpu.memref_slice %arg14[%dma_start3A_109, %dma_start3A_110] : memref<128x128xf32, #tpu.memory_space<vmem>> -> memref<16x128xf32, #tpu.memory_space<vmem>>
        %dma_start3A_112 = arith.constant 9984 : i32
        %dma_start3A_113 = arith.constant 0 : i32
        %dma_start3A_114 = tpu.memref_slice %arg24[%dma_start3A_112, %dma_start3A_113] : memref<10000x128xf32, #tpu.memory_space<vmem_shared>> -> memref<16x128xf32, #tpu.memory_space<vmem_shared>>
        tpu.enqueue_dma source(%dma_start3A_114 : memref<16x128xf32, #tpu.memory_space<vmem_shared>>) target(%dma_start3A_111 : memref<16x128xf32, #tpu.memory_space<vmem>>) target_semaphore(%run_scoped3A : memref<!tpu.dma_semaphore, #tpu.memory_space<semaphore_mem>>)
        %dma_wait3A_115 = arith.constant 0 : i32
        %dma_wait3A_116 = arith.constant 0 : i32
        %dma_wait3A_117 = tpu.memref_slice %arg14[%dma_wait3A_115, %dma_wait3A_116] : memref<128x128xf32, #tpu.memory_space<vmem>> -> memref<16x128xf32, #tpu.memory_space<vmem>>
        %dma_wait3A_118 = arith.constant 9984 : i32
        %dma_wait3A_119 = arith.constant 0 : i32
        %dma_wait3A_120 = tpu.memref_slice %arg24[%dma_wait3A_118, %dma_wait3A_119] : memref<10000x128xf32, #tpu.memory_space<vmem_shared>> -> memref<16x128xf32, #tpu.memory_space<vmem_shared>>
        %dma_wait3A_121 = arith.constant 0 : i32
        %dma_wait3A_122 = arith.constant 0 : i32
        %dma_wait3A_123 = tpu.memref_slice %arg14[%dma_wait3A_121, %dma_wait3A_122] : memref<128x128xf32, #tpu.memory_space<vmem>> -> memref<16x128xf32, #tpu.memory_space<vmem>>
        %dma_wait3A_124 = arith.constant 9984 : i32
        %dma_wait3A_125 = arith.constant 0 : i32
        %dma_wait3A_126 = tpu.memref_slice %arg24[%dma_wait3A_124, %dma_wait3A_125] : memref<10000x128xf32, #tpu.memory_space<vmem_shared>> -> memref<16x128xf32, #tpu.memory_space<vmem_shared>>
        tpu.wait_dma2 semaphore(%run_scoped3A : memref<!tpu.dma_semaphore, #tpu.memory_space<semaphore_mem>>) src(%dma_wait3A_126 : memref<16x128xf32, #tpu.memory_space<vmem_shared>>) dst(%dma_wait3A_123 : memref<16x128xf32, #tpu.memory_space<vmem>>)
        tpu.yield
      }) : () -> ()
      "tpu.region"() ({
        %run_scoped3A = tpu.sem_alloc : memref<!tpu.dma_semaphore, #tpu.memory_space<semaphore_mem>>
        %dma_start3A = arith.constant 0 : i32
        %dma_start3A_104 = arith.constant 0 : i32
        %dma_start3A_105 = tpu.memref_slice %arg14[%dma_start3A, %dma_start3A_104] : memref<128x128xf32, #tpu.memory_space<vmem>> -> memref<16x128xf32, #tpu.memory_space<vmem>>
        %dma_start3A_106 = arith.constant 9984 : i32
        %dma_start3A_107 = arith.constant 0 : i32
        %dma_start3A_108 = tpu.memref_slice %arg5[%arg0, %dma_start3A_106, %dma_start3A_107] : memref<2x10000x128xf32, #tpu.memory_space<hbm>> -> memref<1x16x128xf32, #tpu.memory_space<hbm>>
        %dma_start3A_109 = tpu.memref_squeeze %dma_start3A_108 : memref<1x16x128xf32, #tpu.memory_space<hbm>> -> memref<16x128xf32, #tpu.memory_space<hbm>>
        %dma_start3A_110 = arith.constant 9984 : i32
        %dma_start3A_111 = arith.constant 0 : i32
        %dma_start3A_112 = tpu.memref_slice %arg5[%arg0, %dma_start3A_110, %dma_start3A_111] : memref<2x10000x128xf32, #tpu.memory_space<hbm>> -> memref<1x16x128xf32, #tpu.memory_space<hbm>>
        %dma_start3A_113 = tpu.memref_squeeze %dma_start3A_112 : memref<1x16x128xf32, #tpu.memory_space<hbm>> -> memref<16x128xf32, #tpu.memory_space<hbm>>
        %dma_start3A_114 = arith.constant 0 : i32
        %dma_start3A_115 = arith.constant 0 : i32
        %dma_start3A_116 = tpu.memref_slice %arg14[%dma_start3A_114, %dma_start3A_115] : memref<128x128xf32, #tpu.memory_space<vmem>> -> memref<16x128xf32, #tpu.memory_space<vmem>>
        tpu.enqueue_dma source(%dma_start3A_116 : memref<16x128xf32, #tpu.memory_space<vmem>>) target(%dma_start3A_113 : memref<16x128xf32, #tpu.memory_space<hbm>>) target_semaphore(%run_scoped3A : memref<!tpu.dma_semaphore, #tpu.memory_space<semaphore_mem>>)
        %dma_wait3A_117 = arith.constant 0 : i32
        %dma_wait3A_118 = arith.constant 0 : i32
        %dma_wait3A_119 = tpu.memref_slice %arg14[%dma_wait3A_117, %dma_wait3A_118] : memref<128x128xf32, #tpu.memory_space<vmem>> -> memref<16x128xf32, #tpu.memory_space<vmem>>
        %dma_wait3A_120 = arith.constant 9984 : i32
        %dma_wait3A_121 = arith.constant 0 : i32
        %dma_wait3A_122 = tpu.memref_slice %arg5[%arg0, %dma_wait3A_120, %dma_wait3A_121] : memref<2x10000x128xf32, #tpu.memory_space<hbm>> -> memref<1x16x128xf32, #tpu.memory_space<hbm>>
        %dma_wait3A_123 = tpu.memref_squeeze %dma_wait3A_122 : memref<1x16x128xf32, #tpu.memory_space<hbm>> -> memref<16x128xf32, #tpu.memory_space<hbm>>
        %dma_wait3A_124 = arith.constant 9984 : i32
        %dma_wait3A_125 = arith.constant 0 : i32
        %dma_wait3A_126 = tpu.memref_slice %arg5[%arg0, %dma_wait3A_124, %dma_wait3A_125] : memref<2x10000x128xf32, #tpu.memory_space<hbm>> -> memref<1x16x128xf32, #tpu.memory_space<hbm>>
        %dma_wait3A_127 = tpu.memref_squeeze %dma_wait3A_126 : memref<1x16x128xf32, #tpu.memory_space<hbm>> -> memref<16x128xf32, #tpu.memory_space<hbm>>
        %dma_wait3A_128 = arith.constant 0 : i32
        %dma_wait3A_129 = arith.constant 0 : i32
        %dma_wait3A_130 = tpu.memref_slice %arg14[%dma_wait3A_128, %dma_wait3A_129] : memref<128x128xf32, #tpu.memory_space<vmem>> -> memref<16x128xf32, #tpu.memory_space<vmem>>
        tpu.wait_dma2 semaphore(%run_scoped3A : memref<!tpu.dma_semaphore, #tpu.memory_space<semaphore_mem>>) src(%dma_wait3A_130 : memref<16x128xf32, #tpu.memory_space<vmem>>) dst(%dma_wait3A_127 : memref<16x128xf32, #tpu.memory_space<hbm>>)
        tpu.yield
      }) : () -> ()
    } else {
    }
    return
  }
}

module attributes {stable_mosaic.version = 14 : i64} {
  func.func @_tc_pre_body(%arg0: i32, %arg1: memref<2000x128xf32, #tpu.memory_space<vmem>>, %arg2: memref<2000x128xf32, #tpu.memory_space<vmem>>, %arg3: memref<7x128x128xf32, #tpu.memory_space<vmem>>, %arg4: memref<4x128x128xf32, #tpu.memory_space<vmem>>, %arg5: memref<4x128xf32, #tpu.memory_space<vmem>>, %arg6: memref<2000x1xi32, #tpu.memory_space<vmem>>, %arg7: memref<7x2000x128xf32, #tpu.memory_space<vmem>>, %arg8: memref<2000x128xf32, #tpu.memory_space<vmem>>) attributes {dimension_semantics = [#tpu.dimension_semantics<parallel>], iteration_bounds = array<i64: 5>, scalar_prefetch = 0 : i64, scratch_operands = 0 : i64, tpu.core_type = #tpu.core_type<tc>, window_params = [{transform_indices = @transform_0, window_bounds = array<i64: 2000, 128>}, {transform_indices = @transform_1, window_bounds = array<i64: 2000, 128>}, {pipeline_mode = #tpu.pipeline_mode<synchronous>, transform_indices = @transform_2, window_bounds = array<i64: 7, 128, 128>}, {pipeline_mode = #tpu.pipeline_mode<synchronous>, transform_indices = @transform_3, window_bounds = array<i64: 4, 128, 128>}, {pipeline_mode = #tpu.pipeline_mode<synchronous>, transform_indices = @transform_4, window_bounds = array<i64: 4, 128>}, {transform_indices = @transform_5, window_bounds = array<i64: 2000, 1>}, {transform_indices = @transform_6, window_bounds = array<i64: 7, 2000, 128>}, {transform_indices = @transform_7, window_bounds = array<i64: 2000, 128>}]} {
    %get3A = arith.constant 0 : index
    %get3A_0 = arith.constant 0 : index
    %get3A_1 = vector.load %arg1[%get3A, %get3A_0] : memref<2000x128xf32, #tpu.memory_space<vmem>>, vector<2000x128xf32>
    %get3A_2 = arith.constant 0 : index
    %get3A_3 = arith.constant 0 : index
    %get3A_4 = arith.constant 0 : index
    %get3A_5 = vector.load %arg3[%get3A_2, %get3A_3, %get3A_4] : memref<7x128x128xf32, #tpu.memory_space<vmem>>, vector<1x128x128xf32>
    %get3A_6 = vector.shape_cast %get3A_5 : vector<1x128x128xf32> to vector<128x128xf32>
    %dot_general3A = arith.constant dense<0.000000e+00> : vector<2000x128xf32>
    %dot_general3A_7 = tpu.matmul %get3A_1, %get3A_6, %dot_general3A {dimension_numbers = #tpu.dot_dimension_numbers<[1], [1], [0], [0], [0, 0, 1, 0], [], []>, transpose_lhs_hint = false} : vector<2000x128xf32>, vector<128x128xf32>, vector<2000x128xf32> -> vector<2000x128xf32>
    %swap3A = arith.constant 0 : index
    %swap3A_8 = arith.constant 0 : index
    %swap3A_9 = arith.constant 0 : index
    %swap3A_10 = vector.load %arg7[%swap3A, %swap3A_8, %swap3A_9] : memref<7x2000x128xf32, #tpu.memory_space<vmem>>, vector<1x2000x128xf32>
    %swap3A_11 = vector.shape_cast %swap3A_10 : vector<1x2000x128xf32> to vector<2000x128xf32>
    %swap3A_12 = vector.shape_cast %dot_general3A_7 : vector<2000x128xf32> to vector<1x2000x128xf32>
    tpu.vector_store %arg7[%swap3A, %swap3A_8, %swap3A_9], %swap3A_12 {strides = array<i32>} : memref<7x2000x128xf32, #tpu.memory_space<vmem>>, vector<1x2000x128xf32>,
    %get3A_13 = arith.constant 1 : index
    %get3A_14 = arith.constant 0 : index
    %get3A_15 = arith.constant 0 : index
    %get3A_16 = vector.load %arg3[%get3A_13, %get3A_14, %get3A_15] : memref<7x128x128xf32, #tpu.memory_space<vmem>>, vector<1x128x128xf32>
    %get3A_17 = vector.shape_cast %get3A_16 : vector<1x128x128xf32> to vector<128x128xf32>
    %dot_general3A_18 = arith.constant dense<0.000000e+00> : vector<2000x128xf32>
    %dot_general3A_19 = tpu.matmul %get3A_1, %get3A_17, %dot_general3A_18 {dimension_numbers = #tpu.dot_dimension_numbers<[1], [1], [0], [0], [0, 0, 1, 0], [], []>, transpose_lhs_hint = false} : vector<2000x128xf32>, vector<128x128xf32>, vector<2000x128xf32> -> vector<2000x128xf32>
    %swap3A_20 = arith.constant 1 : index
    %swap3A_21 = arith.constant 0 : index
    %swap3A_22 = arith.constant 0 : index
    %swap3A_23 = vector.load %arg7[%swap3A_20, %swap3A_21, %swap3A_22] : memref<7x2000x128xf32, #tpu.memory_space<vmem>>, vector<1x2000x128xf32>
    %swap3A_24 = vector.shape_cast %swap3A_23 : vector<1x2000x128xf32> to vector<2000x128xf32>
    %swap3A_25 = vector.shape_cast %dot_general3A_19 : vector<2000x128xf32> to vector<1x2000x128xf32>
    tpu.vector_store %arg7[%swap3A_20, %swap3A_21, %swap3A_22], %swap3A_25 {strides = array<i32>} : memref<7x2000x128xf32, #tpu.memory_space<vmem>>, vector<1x2000x128xf32>,
    %get3A_26 = arith.constant 2 : index
    %get3A_27 = arith.constant 0 : index
    %get3A_28 = arith.constant 0 : index
    %get3A_29 = vector.load %arg3[%get3A_26, %get3A_27, %get3A_28] : memref<7x128x128xf32, #tpu.memory_space<vmem>>, vector<1x128x128xf32>
    %get3A_30 = vector.shape_cast %get3A_29 : vector<1x128x128xf32> to vector<128x128xf32>
    %dot_general3A_31 = arith.constant dense<0.000000e+00> : vector<2000x128xf32>
    %dot_general3A_32 = tpu.matmul %get3A_1, %get3A_30, %dot_general3A_31 {dimension_numbers = #tpu.dot_dimension_numbers<[1], [1], [0], [0], [0, 0, 1, 0], [], []>, transpose_lhs_hint = false} : vector<2000x128xf32>, vector<128x128xf32>, vector<2000x128xf32> -> vector<2000x128xf32>
    %swap3A_33 = arith.constant 2 : index
    %swap3A_34 = arith.constant 0 : index
    %swap3A_35 = arith.constant 0 : index
    %swap3A_36 = vector.load %arg7[%swap3A_33, %swap3A_34, %swap3A_35] : memref<7x2000x128xf32, #tpu.memory_space<vmem>>, vector<1x2000x128xf32>
    %swap3A_37 = vector.shape_cast %swap3A_36 : vector<1x2000x128xf32> to vector<2000x128xf32>
    %swap3A_38 = vector.shape_cast %dot_general3A_32 : vector<2000x128xf32> to vector<1x2000x128xf32>
    tpu.vector_store %arg7[%swap3A_33, %swap3A_34, %swap3A_35], %swap3A_38 {strides = array<i32>} : memref<7x2000x128xf32, #tpu.memory_space<vmem>>, vector<1x2000x128xf32>,
    %get3A_39 = arith.constant 3 : index
    %get3A_40 = arith.constant 0 : index
    %get3A_41 = arith.constant 0 : index
    %get3A_42 = vector.load %arg3[%get3A_39, %get3A_40, %get3A_41] : memref<7x128x128xf32, #tpu.memory_space<vmem>>, vector<1x128x128xf32>
    %get3A_43 = vector.shape_cast %get3A_42 : vector<1x128x128xf32> to vector<128x128xf32>
    %dot_general3A_44 = arith.constant dense<0.000000e+00> : vector<2000x128xf32>
    %dot_general3A_45 = tpu.matmul %get3A_1, %get3A_43, %dot_general3A_44 {dimension_numbers = #tpu.dot_dimension_numbers<[1], [1], [0], [0], [0, 0, 1, 0], [], []>, transpose_lhs_hint = false} : vector<2000x128xf32>, vector<128x128xf32>, vector<2000x128xf32> -> vector<2000x128xf32>
    %swap3A_46 = arith.constant 3 : index
    %swap3A_47 = arith.constant 0 : index
    %swap3A_48 = arith.constant 0 : index
    %swap3A_49 = vector.load %arg7[%swap3A_46, %swap3A_47, %swap3A_48] : memref<7x2000x128xf32, #tpu.memory_space<vmem>>, vector<1x2000x128xf32>
    %swap3A_50 = vector.shape_cast %swap3A_49 : vector<1x2000x128xf32> to vector<2000x128xf32>
    %swap3A_51 = vector.shape_cast %dot_general3A_45 : vector<2000x128xf32> to vector<1x2000x128xf32>
    tpu.vector_store %arg7[%swap3A_46, %swap3A_47, %swap3A_48], %swap3A_51 {strides = array<i32>} : memref<7x2000x128xf32, #tpu.memory_space<vmem>>, vector<1x2000x128xf32>,
    %get3A_52 = arith.constant 4 : index
    %get3A_53 = arith.constant 0 : index
    %get3A_54 = arith.constant 0 : index
    %get3A_55 = vector.load %arg3[%get3A_52, %get3A_53, %get3A_54] : memref<7x128x128xf32, #tpu.memory_space<vmem>>, vector<1x128x128xf32>
    %get3A_56 = vector.shape_cast %get3A_55 : vector<1x128x128xf32> to vector<128x128xf32>
    %dot_general3A_57 = arith.constant dense<0.000000e+00> : vector<2000x128xf32>
    %dot_general3A_58 = tpu.matmul %get3A_1, %get3A_56, %dot_general3A_57 {dimension_numbers = #tpu.dot_dimension_numbers<[1], [1], [0], [0], [0, 0, 1, 0], [], []>, transpose_lhs_hint = false} : vector<2000x128xf32>, vector<128x128xf32>, vector<2000x128xf32> -> vector<2000x128xf32>
    %swap3A_59 = arith.constant 4 : index
    %swap3A_60 = arith.constant 0 : index
    %swap3A_61 = arith.constant 0 : index
    %swap3A_62 = vector.load %arg7[%swap3A_59, %swap3A_60, %swap3A_61] : memref<7x2000x128xf32, #tpu.memory_space<vmem>>, vector<1x2000x128xf32>
    %swap3A_63 = vector.shape_cast %swap3A_62 : vector<1x2000x128xf32> to vector<2000x128xf32>
    %swap3A_64 = vector.shape_cast %dot_general3A_58 : vector<2000x128xf32> to vector<1x2000x128xf32>
    tpu.vector_store %arg7[%swap3A_59, %swap3A_60, %swap3A_61], %swap3A_64 {strides = array<i32>} : memref<7x2000x128xf32, #tpu.memory_space<vmem>>, vector<1x2000x128xf32>,
    %get3A_65 = arith.constant 5 : index
    %get3A_66 = arith.constant 0 : index
    %get3A_67 = arith.constant 0 : index
    %get3A_68 = vector.load %arg3[%get3A_65, %get3A_66, %get3A_67] : memref<7x128x128xf32, #tpu.memory_space<vmem>>, vector<1x128x128xf32>
    %get3A_69 = vector.shape_cast %get3A_68 : vector<1x128x128xf32> to vector<128x128xf32>
    %dot_general3A_70 = arith.constant dense<0.000000e+00> : vector<2000x128xf32>
    %dot_general3A_71 = tpu.matmul %get3A_1, %get3A_69, %dot_general3A_70 {dimension_numbers = #tpu.dot_dimension_numbers<[1], [1], [0], [0], [0, 0, 1, 0], [], []>, transpose_lhs_hint = false} : vector<2000x128xf32>, vector<128x128xf32>, vector<2000x128xf32> -> vector<2000x128xf32>
    %swap3A_72 = arith.constant 5 : index
    %swap3A_73 = arith.constant 0 : index
    %swap3A_74 = arith.constant 0 : index
    %swap3A_75 = vector.load %arg7[%swap3A_72, %swap3A_73, %swap3A_74] : memref<7x2000x128xf32, #tpu.memory_space<vmem>>, vector<1x2000x128xf32>
    %swap3A_76 = vector.shape_cast %swap3A_75 : vector<1x2000x128xf32> to vector<2000x128xf32>
    %swap3A_77 = vector.shape_cast %dot_general3A_71 : vector<2000x128xf32> to vector<1x2000x128xf32>
    tpu.vector_store %arg7[%swap3A_72, %swap3A_73, %swap3A_74], %swap3A_77 {strides = array<i32>} : memref<7x2000x128xf32, #tpu.memory_space<vmem>>, vector<1x2000x128xf32>,
    %get3A_78 = arith.constant 6 : index
    %get3A_79 = arith.constant 0 : index
    %get3A_80 = arith.constant 0 : index
    %get3A_81 = vector.load %arg3[%get3A_78, %get3A_79, %get3A_80] : memref<7x128x128xf32, #tpu.memory_space<vmem>>, vector<1x128x128xf32>
    %get3A_82 = vector.shape_cast %get3A_81 : vector<1x128x128xf32> to vector<128x128xf32>
    %dot_general3A_83 = arith.constant dense<0.000000e+00> : vector<2000x128xf32>
    %dot_general3A_84 = tpu.matmul %get3A_1, %get3A_82, %dot_general3A_83 {dimension_numbers = #tpu.dot_dimension_numbers<[1], [1], [0], [0], [0, 0, 1, 0], [], []>, transpose_lhs_hint = false} : vector<2000x128xf32>, vector<128x128xf32>, vector<2000x128xf32> -> vector<2000x128xf32>
    %swap3A_85 = arith.constant 6 : index
    %swap3A_86 = arith.constant 0 : index
    %swap3A_87 = arith.constant 0 : index
    %swap3A_88 = vector.load %arg7[%swap3A_85, %swap3A_86, %swap3A_87] : memref<7x2000x128xf32, #tpu.memory_space<vmem>>, vector<1x2000x128xf32>
    %swap3A_89 = vector.shape_cast %swap3A_88 : vector<1x2000x128xf32> to vector<2000x128xf32>
    %swap3A_90 = vector.shape_cast %dot_general3A_84 : vector<2000x128xf32> to vector<1x2000x128xf32>
    tpu.vector_store %arg7[%swap3A_85, %swap3A_86, %swap3A_87], %swap3A_90 {strides = array<i32>} : memref<7x2000x128xf32, #tpu.memory_space<vmem>>, vector<1x2000x128xf32>,
    %get3A_91 = arith.constant 0 : index
    %get3A_92 = arith.constant 0 : index
    %get3A_93 = vector.load %arg2[%get3A_91, %get3A_92] : memref<2000x128xf32, #tpu.memory_space<vmem>>, vector<2000x128xf32>
    %get3A_94 = arith.constant 0 : index
    %get3A_95 = arith.constant 0 : index
    %get3A_96 = vector.load %arg6[%get3A_94, %get3A_95] : memref<2000x1xi32, #tpu.memory_space<vmem>>, vector<2000x1xi32>
    %broadcast_in_dim3A = arith.constant 0.000000e+00 : f32
    %broadcast_in_dim3A_97 = vector.broadcast %broadcast_in_dim3A : f32 to vector<2000x128xf32>
    %get3A_98 = arith.constant 0 : index
    %get3A_99 = arith.constant 0 : index
    %get3A_100 = arith.constant 0 : index
    %get3A_101 = vector.load %arg4[%get3A_98, %get3A_99, %get3A_100] : memref<4x128x128xf32, #tpu.memory_space<vmem>>, vector<1x128x128xf32>
    %get3A_102 = vector.shape_cast %get3A_101 : vector<1x128x128xf32> to vector<128x128xf32>
    %dot_general3A_103 = arith.constant dense<0.000000e+00> : vector<2000x128xf32>
    %dot_general3A_104 = tpu.matmul %get3A_93, %get3A_102, %dot_general3A_103 {dimension_numbers = #tpu.dot_dimension_numbers<[1], [1], [0], [0], [0, 0, 1, 0], [], []>, transpose_lhs_hint = false} : vector<2000x128xf32>, vector<128x128xf32>, vector<2000x128xf32> -> vector<2000x128xf32>
    %get3A_105 = arith.constant 0 : index
    %get3A_106 = arith.constant 0 : index
    %get3A_107 = vector.load %arg5[%get3A_105, %get3A_106] : memref<4x128xf32, #tpu.memory_space<vmem>>, vector<1x128xf32>
    %get3A_108 = vector.shape_cast %get3A_107 : vector<1x128xf32> to vector<128xf32>
    %broadcast_in_dim3A_109 = vector.shape_cast %get3A_108 : vector<128xf32> to vector<1x128xf32>
    %add3A = vector.broadcast %broadcast_in_dim3A_109 : vector<1x128xf32> to vector<2000x128xf32>
    %add3A_110 = arith.addf %dot_general3A_104, %add3A : vector<2000x128xf32>
    %eq3A = arith.constant 0 : i32
    %eq3A_111 = vector.broadcast %eq3A : i32 to vector<2000x1xi32>
    %eq3A_112 = arith.cmpi eq, %get3A_96, %eq3A_111 : vector<2000x1xi32>
    %jit3A = arith.constant 1.000000e+00 : f32
    %jit3A_113 = arith.constant 0.000000e+00 : f32
    %broadcast_in_dim3A_114 = vector.broadcast %jit3A : f32 to vector<2000x1xf32>
    %broadcast_in_dim3A_115 = vector.broadcast %jit3A_113 : f32 to vector<2000x1xf32>
    %select_n3A = arith.select %eq3A_112, %broadcast_in_dim3A_114, %broadcast_in_dim3A_115 : vector<2000x1xi1>, vector<2000x1xf32>
    %mul3A = vector.broadcast %select_n3A : vector<2000x1xf32> to vector<2000x128xf32>
    %mul3A_116 = arith.mulf %mul3A, %add3A_110 : vector<2000x128xf32>
    %add3A_117 = arith.addf %broadcast_in_dim3A_97, %mul3A_116 : vector<2000x128xf32>
    %get3A_118 = arith.constant 1 : index
    %get3A_119 = arith.constant 0 : index
    %get3A_120 = arith.constant 0 : index
    %get3A_121 = vector.load %arg4[%get3A_118, %get3A_119, %get3A_120] : memref<4x128x128xf32, #tpu.memory_space<vmem>>, vector<1x128x128xf32>
    %get3A_122 = vector.shape_cast %get3A_121 : vector<1x128x128xf32> to vector<128x128xf32>
    %dot_general3A_123 = arith.constant dense<0.000000e+00> : vector<2000x128xf32>
    %dot_general3A_124 = tpu.matmul %get3A_93, %get3A_122, %dot_general3A_123 {dimension_numbers = #tpu.dot_dimension_numbers<[1], [1], [0], [0], [0, 0, 1, 0], [], []>, transpose_lhs_hint = false} : vector<2000x128xf32>, vector<128x128xf32>, vector<2000x128xf32> -> vector<2000x128xf32>
    %get3A_125 = arith.constant 1 : index
    %get3A_126 = arith.constant 0 : index
    %get3A_127 = vector.load %arg5[%get3A_125, %get3A_126] : memref<4x128xf32, #tpu.memory_space<vmem>>, vector<1x128xf32>
    %get3A_128 = vector.shape_cast %get3A_127 : vector<1x128xf32> to vector<128xf32>
    %broadcast_in_dim3A_129 = vector.shape_cast %get3A_128 : vector<128xf32> to vector<1x128xf32>
    %add3A_130 = vector.broadcast %broadcast_in_dim3A_129 : vector<1x128xf32> to vector<2000x128xf32>
    %add3A_131 = arith.addf %dot_general3A_124, %add3A_130 : vector<2000x128xf32>
    %eq3A_132 = arith.constant 1 : i32
    %eq3A_133 = vector.broadcast %eq3A_132 : i32 to vector<2000x1xi32>
    %eq3A_134 = arith.cmpi eq, %get3A_96, %eq3A_133 : vector<2000x1xi32>
    %jit3A_135 = arith.constant 1.000000e+00 : f32
    %jit3A_136 = arith.constant 0.000000e+00 : f32
    %broadcast_in_dim3A_137 = vector.broadcast %jit3A_135 : f32 to vector<2000x1xf32>
    %broadcast_in_dim3A_138 = vector.broadcast %jit3A_136 : f32 to vector<2000x1xf32>
    %select_n3A_139 = arith.select %eq3A_134, %broadcast_in_dim3A_137, %broadcast_in_dim3A_138 : vector<2000x1xi1>, vector<2000x1xf32>
    %mul3A_140 = vector.broadcast %select_n3A_139 : vector<2000x1xf32> to vector<2000x128xf32>
    %mul3A_141 = arith.mulf %mul3A_140, %add3A_131 : vector<2000x128xf32>
    %add3A_142 = arith.addf %add3A_117, %mul3A_141 : vector<2000x128xf32>
    %get3A_143 = arith.constant 2 : index
    %get3A_144 = arith.constant 0 : index
    %get3A_145 = arith.constant 0 : index
    %get3A_146 = vector.load %arg4[%get3A_143, %get3A_144, %get3A_145] : memref<4x128x128xf32, #tpu.memory_space<vmem>>, vector<1x128x128xf32>
    %get3A_147 = vector.shape_cast %get3A_146 : vector<1x128x128xf32> to vector<128x128xf32>
    %dot_general3A_148 = arith.constant dense<0.000000e+00> : vector<2000x128xf32>
    %dot_general3A_149 = tpu.matmul %get3A_93, %get3A_147, %dot_general3A_148 {dimension_numbers = #tpu.dot_dimension_numbers<[1], [1], [0], [0], [0, 0, 1, 0], [], []>, transpose_lhs_hint = false} : vector<2000x128xf32>, vector<128x128xf32>, vector<2000x128xf32> -> vector<2000x128xf32>
    %get3A_150 = arith.constant 2 : index
    %get3A_151 = arith.constant 0 : index
    %get3A_152 = vector.load %arg5[%get3A_150, %get3A_151] : memref<4x128xf32, #tpu.memory_space<vmem>>, vector<1x128xf32>
    %get3A_153 = vector.shape_cast %get3A_152 : vector<1x128xf32> to vector<128xf32>
    %broadcast_in_dim3A_154 = vector.shape_cast %get3A_153 : vector<128xf32> to vector<1x128xf32>
    %add3A_155 = vector.broadcast %broadcast_in_dim3A_154 : vector<1x128xf32> to vector<2000x128xf32>
    %add3A_156 = arith.addf %dot_general3A_149, %add3A_155 : vector<2000x128xf32>
    %eq3A_157 = arith.constant 2 : i32
    %eq3A_158 = vector.broadcast %eq3A_157 : i32 to vector<2000x1xi32>
    %eq3A_159 = arith.cmpi eq, %get3A_96, %eq3A_158 : vector<2000x1xi32>
    %jit3A_160 = arith.constant 1.000000e+00 : f32
    %jit3A_161 = arith.constant 0.000000e+00 : f32
    %broadcast_in_dim3A_162 = vector.broadcast %jit3A_160 : f32 to vector<2000x1xf32>
    %broadcast_in_dim3A_163 = vector.broadcast %jit3A_161 : f32 to vector<2000x1xf32>
    %select_n3A_164 = arith.select %eq3A_159, %broadcast_in_dim3A_162, %broadcast_in_dim3A_163 : vector<2000x1xi1>, vector<2000x1xf32>
    %mul3A_165 = vector.broadcast %select_n3A_164 : vector<2000x1xf32> to vector<2000x128xf32>
    %mul3A_166 = arith.mulf %mul3A_165, %add3A_156 : vector<2000x128xf32>
    %add3A_167 = arith.addf %add3A_142, %mul3A_166 : vector<2000x128xf32>
    %get3A_168 = arith.constant 3 : index
    %get3A_169 = arith.constant 0 : index
    %get3A_170 = arith.constant 0 : index
    %get3A_171 = vector.load %arg4[%get3A_168, %get3A_169, %get3A_170] : memref<4x128x128xf32, #tpu.memory_space<vmem>>, vector<1x128x128xf32>
    %get3A_172 = vector.shape_cast %get3A_171 : vector<1x128x128xf32> to vector<128x128xf32>
    %dot_general3A_173 = arith.constant dense<0.000000e+00> : vector<2000x128xf32>
    %dot_general3A_174 = tpu.matmul %get3A_93, %get3A_172, %dot_general3A_173 {dimension_numbers = #tpu.dot_dimension_numbers<[1], [1], [0], [0], [0, 0, 1, 0], [], []>, transpose_lhs_hint = false} : vector<2000x128xf32>, vector<128x128xf32>, vector<2000x128xf32> -> vector<2000x128xf32>
    %get3A_175 = arith.constant 3 : index
    %get3A_176 = arith.constant 0 : index
    %get3A_177 = vector.load %arg5[%get3A_175, %get3A_176] : memref<4x128xf32, #tpu.memory_space<vmem>>, vector<1x128xf32>
    %get3A_178 = vector.shape_cast %get3A_177 : vector<1x128xf32> to vector<128xf32>
    %broadcast_in_dim3A_179 = vector.shape_cast %get3A_178 : vector<128xf32> to vector<1x128xf32>
    %add3A_180 = vector.broadcast %broadcast_in_dim3A_179 : vector<1x128xf32> to vector<2000x128xf32>
    %add3A_181 = arith.addf %dot_general3A_174, %add3A_180 : vector<2000x128xf32>
    %eq3A_182 = arith.constant 3 : i32
    %eq3A_183 = vector.broadcast %eq3A_182 : i32 to vector<2000x1xi32>
    %eq3A_184 = arith.cmpi eq, %get3A_96, %eq3A_183 : vector<2000x1xi32>
    %jit3A_185 = arith.constant 1.000000e+00 : f32
    %jit3A_186 = arith.constant 0.000000e+00 : f32
    %broadcast_in_dim3A_187 = vector.broadcast %jit3A_185 : f32 to vector<2000x1xf32>
    %broadcast_in_dim3A_188 = vector.broadcast %jit3A_186 : f32 to vector<2000x1xf32>
    %select_n3A_189 = arith.select %eq3A_184, %broadcast_in_dim3A_187, %broadcast_in_dim3A_188 : vector<2000x1xi1>, vector<2000x1xf32>
    %mul3A_190 = vector.broadcast %select_n3A_189 : vector<2000x1xf32> to vector<2000x128xf32>
    %mul3A_191 = arith.mulf %mul3A_190, %add3A_181 : vector<2000x128xf32>
    %add3A_192 = arith.addf %add3A_167, %mul3A_191 : vector<2000x128xf32>
    %swap3A_193 = arith.constant 0 : index
    %swap3A_194 = arith.constant 0 : index
    %swap3A_195 = vector.load %arg8[%swap3A_193, %swap3A_194] : memref<2000x128xf32, #tpu.memory_space<vmem>>, vector<2000x128xf32>
    tpu.vector_store %arg8[%swap3A_193, %swap3A_194], %add3A_192 {strides = array<i32>} : memref<2000x128xf32, #tpu.memory_space<vmem>>, vector<2000x128xf32>,
    return
  }
  func.func @transform_0(%arg0: i32) -> (i32, i32) {
    %c0_i32 = arith.constant 0 : i32
    %c0_i32_0 = arith.constant 0 : i32
    return %arg0, %c0_i32 : i32, i32
  }
  func.func @transform_1(%arg0: i32) -> (i32, i32) {
    %c0_i32 = arith.constant 0 : i32
    %c0_i32_0 = arith.constant 0 : i32
    return %arg0, %c0_i32 : i32, i32
  }
  func.func @transform_2(%arg0: i32) -> (i32, i32, i32) {
    %c0_i32 = arith.constant 0 : i32
    %c0_i32_0 = arith.constant 0 : i32
    %c0_i32_1 = arith.constant 0 : i32
    %c0_i32_2 = arith.constant 0 : i32
    return %c0_i32, %c0_i32_0, %c0_i32_1 : i32, i32, i32
  }
  func.func @transform_3(%arg0: i32) -> (i32, i32, i32) {
    %c0_i32 = arith.constant 0 : i32
    %c0_i32_0 = arith.constant 0 : i32
    %c0_i32_1 = arith.constant 0 : i32
    %c0_i32_2 = arith.constant 0 : i32
    return %c0_i32, %c0_i32_0, %c0_i32_1 : i32, i32, i32
  }
  func.func @transform_4(%arg0: i32) -> (i32, i32) {
    %c0_i32 = arith.constant 0 : i32
    %c0_i32_0 = arith.constant 0 : i32
    %c0_i32_1 = arith.constant 0 : i32
    return %c0_i32, %c0_i32_0 : i32, i32
  }
  func.func @transform_5(%arg0: i32) -> (i32, i32) {
    %c0_i32 = arith.constant 0 : i32
    %c0_i32_0 = arith.constant 0 : i32
    return %arg0, %c0_i32 : i32, i32
  }
  func.func @transform_6(%arg0: i32) -> (i32, i32, i32) {
    %c0_i32 = arith.constant 0 : i32
    %c0_i32_0 = arith.constant 0 : i32
    %c0_i32_1 = arith.constant 0 : i32
    return %c0_i32, %arg0, %c0_i32_0 : i32, i32, i32
  }
  func.func @transform_7(%arg0: i32) -> (i32, i32) {
    %c0_i32 = arith.constant 0 : i32
    %c0_i32_0 = arith.constant 0 : i32
    return %arg0, %c0_i32 : i32, i32
  }
}

module attributes {stable_mosaic.version = 14 : i64} {
  func.func @_tc_keys_body(%arg0: memref<2x320000xi32, #tpu.memory_space<vmem>>, %arg1: memref<320000xi32, #tpu.memory_space<vmem>>, %arg2: memref<2500x512xi32, #tpu.memory_space<vmem>>) attributes {dimension_semantics = [], scalar_prefetch = 0 : i64, scratch_operands = 0 : i64, tpu.core_type = #tpu.core_type<tc>} {
    %get3A = arith.constant 0 : index
    %get3A_0 = vector.load %arg1[%get3A] : memref<320000xi32, #tpu.memory_space<vmem>>, vector<320000xi32>
    %mul3A = arith.constant 10000 : i32
    %mul3A_1 = vector.broadcast %mul3A : i32 to vector<320000xi32>
    %mul3A_2 = arith.muli %get3A_0, %mul3A_1 : vector<320000xi32>
    %get3A_3 = arith.constant 0 : index
    %get3A_4 = arith.constant 0 : index
    %get3A_5 = vector.load %arg0[%get3A_3, %get3A_4] : memref<2x320000xi32, #tpu.memory_space<vmem>>, vector<1x320000xi32>
    %get3A_6 = vector.shape_cast %get3A_5 : vector<1x320000xi32> to vector<320000xi32>
    %add3A = arith.addi %mul3A_2, %get3A_6 : vector<320000xi32>
    %mul3A_7 = arith.constant 10000 : i32
    %mul3A_8 = vector.broadcast %mul3A_7 : i32 to vector<320000xi32>
    %mul3A_9 = arith.muli %get3A_0, %mul3A_8 : vector<320000xi32>
    %get3A_10 = arith.constant 1 : index
    %get3A_11 = arith.constant 0 : index
    %get3A_12 = vector.load %arg0[%get3A_10, %get3A_11] : memref<2x320000xi32, #tpu.memory_space<vmem>>, vector<1x320000xi32>
    %get3A_13 = vector.shape_cast %get3A_12 : vector<1x320000xi32> to vector<320000xi32>
    %add3A_14 = arith.addi %mul3A_9, %get3A_13 : vector<320000xi32>
    %reshape3A = vector.shape_cast %add3A : vector<320000xi32> to vector<2500x128xi32>
    %reshape3A_15 = vector.shape_cast %add3A_14 : vector<320000xi32> to vector<2500x128xi32>
    %add3A_16 = arith.constant 70144 : i32
    %add3A_17 = vector.broadcast %add3A_16 : i32 to vector<320000xi32>
    %add3A_18 = arith.addi %add3A_14, %add3A_17 : vector<320000xi32>
    %reshape3A_19 = vector.shape_cast %add3A_18 : vector<320000xi32> to vector<2500x128xi32>
    %get3A_20 = arith.constant 1 : index
    %get3A_21 = arith.constant 0 : index
    %get3A_22 = vector.load %arg0[%get3A_20, %get3A_21] : memref<2x320000xi32, #tpu.memory_space<vmem>>, vector<1x320000xi32>
    %get3A_23 = vector.shape_cast %get3A_22 : vector<1x320000xi32> to vector<320000xi32>
    %reshape3A_24 = vector.shape_cast %get3A_23 : vector<320000xi32> to vector<2500x128xi32>
    %concatenate3A = tpu.concatenate %reshape3A, %reshape3A_15, %reshape3A_19, %reshape3A_24 in 1 : vector<2500x128xi32>, vector<2500x128xi32>, vector<2500x128xi32>, vector<2500x128xi32> -> vector<2500x512xi32>
    %swap3A = arith.constant 0 : index
    %swap3A_25 = arith.constant 0 : index
    %swap3A_26 = vector.load %arg2[%swap3A, %swap3A_25] : memref<2500x512xi32, #tpu.memory_space<vmem>>, vector<2500x512xi32>
    tpu.vector_store %arg2[%swap3A, %swap3A_25], %concatenate3A {strides = array<i32>} : memref<2500x512xi32, #tpu.memory_space<vmem>>, vector<2500x512xi32>,
    return
  }
}

module attributes {stable_mosaic.version = 14 : i64} {
  func.func @_tc_final_body(%arg0: i32, %arg1: memref<2x1000x128xf32, #tpu.memory_space<vmem>>, %arg2: memref<1000x128xf32, #tpu.memory_space<vmem>>, %arg3: memref<1000x128xf32, #tpu.memory_space<vmem>>) attributes {dimension_semantics = [#tpu.dimension_semantics<arbitrary>], iteration_bounds = array<i64: 10>, scalar_prefetch = 0 : i64, scratch_operands = 0 : i64, tpu.core_type = #tpu.core_type<tc>, window_params = [{transform_indices = @transform_0, window_bounds = array<i64: 2, 1000, 128>}, {transform_indices = @transform_1, window_bounds = array<i64: 1000, 128>}, {transform_indices = @transform_2, window_bounds = array<i64: 1000, 128>}]} {
    %get3A = arith.constant 0 : index
    %get3A_0 = arith.constant 0 : index
    %get3A_1 = arith.constant 0 : index
    %get3A_2 = vector.load %arg1[%get3A, %get3A_0, %get3A_1] : memref<2x1000x128xf32, #tpu.memory_space<vmem>>, vector<2x1000x128xf32>
    %slice3A = vector.extract_strided_slice %get3A_2 {offsets = [0, 0, 0], sizes = [1, 1000, 128], strides = [1, 1, 1]} : vector<2x1000x128xf32> to vector<1x1000x128xf32>
    %squeeze3A = vector.shape_cast %slice3A : vector<1x1000x128xf32> to vector<1000x128xf32>
    %slice3A_3 = vector.extract_strided_slice %get3A_2 {offsets = [1, 0, 0], sizes = [1, 1000, 128], strides = [1, 1, 1]} : vector<2x1000x128xf32> to vector<1x1000x128xf32>
    %squeeze3A_4 = vector.shape_cast %slice3A_3 : vector<1x1000x128xf32> to vector<1000x128xf32>
    %add3A = arith.addf %squeeze3A, %squeeze3A_4 : vector<1000x128xf32>
    %get3A_5 = arith.constant 0 : index
    %get3A_6 = arith.constant 0 : index
    %get3A_7 = vector.load %arg2[%get3A_5, %get3A_6] : memref<1000x128xf32, #tpu.memory_space<vmem>>, vector<1000x128xf32>
    %add3A_8 = arith.addf %add3A, %get3A_7 : vector<1000x128xf32>
    %swap3A = arith.constant 0 : index
    %swap3A_9 = arith.constant 0 : index
    %swap3A_10 = vector.load %arg3[%swap3A, %swap3A_9] : memref<1000x128xf32, #tpu.memory_space<vmem>>, vector<1000x128xf32>
    tpu.vector_store %arg3[%swap3A, %swap3A_9], %add3A_8 {strides = array<i32>} : memref<1000x128xf32, #tpu.memory_space<vmem>>, vector<1000x128xf32>,
    return
  }
  func.func @transform_0(%arg0: i32) -> (i32, i32, i32) {
    %c0_i32 = arith.constant 0 : i32
    %c0_i32_0 = arith.constant 0 : i32
    %c0_i32_1 = arith.constant 0 : i32
    return %c0_i32, %arg0, %c0_i32_0 : i32, i32, i32
  }
  func.func @transform_1(%arg0: i32) -> (i32, i32) {
    %c0_i32 = arith.constant 0 : i32
    %c0_i32_0 = arith.constant 0 : i32
    return %arg0, %c0_i32 : i32, i32
  }
  func.func @transform_2(%arg0: i32) -> (i32, i32) {
    %c0_i32 = arith.constant 0 : i32
    %c0_i32_0 = arith.constant 0 : i32
    return %arg0, %c0_i32 : i32, i32
  }
}

</mosaic_0001>

<sc_bundles>
// kernel: kernel.10.cloned.1.call-start
scs
__scs_entry_jumppad:
0x0: {  	(pc) =	sbr.rel $0x88, $3  }
0x1: {  	(tag) =	ssettag $0x0;
	lr =	simm.s32 $0x1  }
0x2: {  	[smem:$0x3F99] =	sst lr;
	_ =	strace $0xD0000000  }
0x3: {  	_ = 	snop  }
0x4: {  	_ = 	snop  }
0x5: {  	_ = 	snop  }
0x6: {  	_ = 	snop  }
0x7: {  	_ = 	snop  }
__scs_overlays_trampoline_lowered:
0x8: {  	[smem:$0x3FA8] =	sst s0  }
0x9: {  	[smem:$0x3FA9] =	sst s1  }
0xa: {  	[smem:$0x3FAA] =	sst s2  }
0xb: {  	[smem:$0x3FAB] =	sst s3  }
0xc: {  	[smem:$0x3FAC] =	sst s4  }
0xd: {  	[smem:$0x3FAD] =	sst s5  }
0xe: {  	[smem:$0x3FAE] =	sst s6  }
0xf: {  	[smem:$0x3FAF] =	sst s7  }
0x10: {  	[smem:$0x3FB0] =	sst s8  }
0x11: {  	[smem:$0x3FB1] =	sst s9;
	s0 =	simm.s32 @!p0 $0x0  }
0x12: {  	s1 =	sld [smem:$0x3F97];
	s0 =	simm.s32 @p0 $0x1  }
0x13: {  	[smem:$0x3FB2] =	sst s0;
	s0 =	simm.s32 @!p1 $0x0  }
0x14: {  	s2 =	sld [smem:$0x3F96];
	s0 =	simm.s32 @p1 $0x1  }
0x15: {  	[smem:$0x3FB3] =	sst s0;
	s0 =	simm.s32 @!p2 $0x0  }
0x16: {  	s3 =	sld [smem:$0x3FDB];
	s0 =	simm.s32 @p2 $0x1  }
0x17: {  	s4 =	simm.s32 $0x1BF5;
	[smem:$0x3FB5] =	sst s0  }
0x18: {  	s0 =	sld [smem:$0x3F98];
	_ =	swait.ge [sflag:s4], $0x0  }
0x19: {  	s7 =	sld [smem:$0x3F99]  }
0x1a: {  	s8 =	sadd.s32 $0xFFFFE003, lr  }
0x1b: {  	s9 =	sadd.s32 $0xFFFFFEF7, lr;
	s5 =	simm.s32 $0xFFFFFFFF;
	p2 =	slt.u32 s8, $0xFFFFF086  }
0x1c: {  	p1 =	slt.u32 s9, $0xF7A;
	s5 =	simm.s32 @!p2 $0x0  }
0x1d: {  	s5 =	simm.s32 @p1 $0x1;
	p0 =	seq.s32 s7, s2  }
0x1e: {  	s7 =	smul.u32 @!p0 $0xF7A, s2;
	p2 =	seq.s32 @!p0 s5, $0x0  }
0x1f: {  	s9 =	smul.u32 $0xF7A, s1;
	s8 =	simm.s32 @!p0 $0x1BF5;
	p2 =	por !p2, p0  }
0x20: {  	[sflag:s8] =	ssyncset.s32 @!p0 $0xFFFFF086;
	s6 =	sadd.s32 @!p0 s3, s7;
	s7 =	simm.s32 @!p0 $0x108  }
0x21: {  	s3 =	sadd.s32 s3, s9;
	s6 =	sadd.s32 @!p0 $0x88, s6;
	s7 =	simm.s32 @p2 $0x1082  }
0x22: {  	[simem:s7], [sflag:s8] =	dma.local @!p0 [hbm:s6], $0xF7A  }
0x23: {  	s9 =	sor.u32 $0xD0000000, s2;
	s6 =	simm.s32 $0x108;
	_ =	swait.ge @!p0 [sflag:s8], $0x0  }
0x24: {  	s3 =	sadd.s32 $0x88, s3;
	s6 =	simm.s32 @!p1 $0x1082;
	[sflag:s4] =	ssyncset.s32 $0xFFFFF086  }
0x25: {  	[simem:s6], [sflag:s4] =	dma.local [hbm:s3], $0xF7A  }
0x26: {  	[smem:$0x3F99] =	sst s1;
	(tag) =	ssettag s2;
	_ =	strace s9  }
0x27: {  	s1 =	sld [smem:$0x3FA9]  }
0x28: {  	s2 =	sld [smem:$0x3FAA]  }
0x29: {  	s4 =	sld [smem:$0x3FAC]  }
0x2a: {  	p0 =	seq.s32 s5, $0x0;
	s5 =	sld [smem:$0x3FAD]  }
0x2b: {  	s6 =	sld [smem:$0x3FAE]  }
0x2c: {  	s7 =	sld [smem:$0x3FAF]  }
0x2d: {  	s3 =	simm.s32 $0x108;
	s8 =	sld [smem:$0x3FB0]  }
0x2e: {  	s3 =	simm.s32 @!p0 $0x1082;
	s9 =	sld [smem:$0x3FB1]  }
0x2f: {  	lr =	sadd.s32 s0, s3;
	s0 =	sld [smem:$0x3FA8]  }
0x30: {  	s3 =	sld [smem:$0x3FAB]  }
0x31: {  	[smem:$0x3FB4] =	sst s10  }
0x32: {  	s10 =	sld [smem:$0x3FB2];
	_ =	sdelay $0x3  }
0x33: {  	p0 =	seq.s32 s10, $0x1;
	s10 =	sld [smem:$0x3FB4];
	_ =	sdelay $0x3  }
0x34: {  	[smem:$0x3FB4] =	sst s10  }
0x35: {  	s10 =	sld [smem:$0x3FB3];
	_ =	sdelay $0x3  }
0x36: {  	p1 =	seq.s32 s10, $0x1;
	s10 =	sld [smem:$0x3FB4];
	_ =	sdelay $0x3  }
0x37: {  	[smem:$0x3FB4] =	sst s10  }
0x38: {  	s10 =	sld [smem:$0x3FB5]  }
0x39: {  	_ = 	snop;
	(pc) =	sbr.ind lr, $3  }
0x3a: {  	_ = 	snop  }
0x3b: {  	_ = 	snop  }
0x3c: {  	p2 =	seq.s32 s10, $0x1;
	s10 =	sld [smem:$0x3FB4]  }
0x3d: {  	_ =	shalt  }
0x3e: {  	_ =	shalt  }
0x3f: {  	_ =	shalt  }
0x40: {  	_ =	shalt  }
0x41: {  	_ =	shalt  }
0x42: {  	_ =	shalt  }
0x43: {  	_ =	shalt  }
0x44: {  	_ =	shalt  }
0x45: {  	_ =	shalt  }
0x46: {  	_ =	shalt  }
0x47: {  	_ =	shalt  }
0x48: {  	_ =	shalt  }
0x49: {  	_ =	shalt  }
0x4a: {  	_ =	shalt  }
0x4b: {  	_ =	shalt  }
0x4c: {  	_ =	shalt  }
0x4d: {  	_ =	shalt  }
0x4e: {  	_ =	shalt  }
0x4f: {  	_ =	shalt  }
0x50: {  	_ =	shalt  }
0x51: {  	_ =	shalt  }
0x52: {  	_ =	shalt  }
0x53: {  	_ =	shalt  }
0x54: {  	_ =	shalt  }
0x55: {  	_ =	shalt  }
0x56: {  	_ =	shalt  }
0x57: {  	_ =	shalt  }
0x58: {  	_ =	shalt  }
0x59: {  	_ =	shalt  }
0x5a: {  	_ =	shalt  }
0x5b: {  	_ =	shalt  }
0x5c: {  	_ =	shalt  }
0x5d: {  	_ =	shalt  }
0x5e: {  	_ =	shalt  }
0x5f: {  	_ =	shalt  }
0x60: {  	_ =	shalt  }
0x61: {  	_ =	shalt  }
0x62: {  	_ =	shalt  }
0x63: {  	_ =	shalt  }
0x64: {  	_ =	shalt  }
0x65: {  	_ =	shalt  }
0x66: {  	_ =	shalt  }
0x67: {  	_ =	shalt  }
0x68: {  	_ =	shalt  }
0x69: {  	_ =	shalt  }
0x6a: {  	_ =	shalt  }
0x6b: {  	_ =	shalt  }
0x6c: {  	_ =	shalt  }
0x6d: {  	_ =	shalt  }
0x6e: {  	_ =	shalt  }
0x6f: {  	_ =	shalt  }
0x70: {  	_ =	shalt  }
0x71: {  	_ =	shalt  }
0x72: {  	_ =	shalt  }
0x73: {  	_ =	shalt  }
0x74: {  	_ =	shalt  }
0x75: {  	_ =	shalt  }
0x76: {  	_ =	shalt  }
0x77: {  	_ =	shalt  }
0x78: {  	_ =	shalt  }
0x79: {  	_ =	shalt  }
0x7a: {  	_ =	shalt  }
0x7b: {  	_ =	shalt  }
0x7c: {  	_ =	shalt  }
0x7d: {  	_ =	shalt  }
0x7e: {  	_ =	shalt  }
0x7f: {  	_ =	shalt  }
0x80: {  	_ =	shalt  }
0x81: {  	_ =	shalt  }
0x82: {  	_ =	shalt  }
0x83: {  	_ =	shalt  }
0x84: {  	_ =	shalt  }
0x85: {  	_ =	shalt  }
0x86: {  	_ =	shalt  }
0x87: {  	_ =	shalt  }
.Lfunc_end0:
.L_simem_size_0:
called_computation.1_lowered:
.L_overlay_start_0:
0x88: {  	s2 =	sld [smem:$0x3FD9]  }
0x89: {  	s3 =	sld [smem:$0x3FFE];
	_ =	sdelay $0x1  }
0x8a: {  	s1 =	srdreg.scid  }
0x8b: {  	s0 =	sand.u32 $0x1, s1  }
0x8c: {  	s17 =	sshll.u32 s0, $0xA;
	s2 =	sadd.s32 s3, s2  }
0x8d: {  	s2 =	sadd.s32 s2, s17  }
0x8e: {  	[smem:$0x3FC0] =	sst s2  }
0x8f: {  	_ = 	snop  }
0x90: {  	s2 =	sld [smem:$0x3FD0];
	(tm) =	ssettm $0x1  }
0x91: {  	s18 =	sld [smem:$0x3FFB];
	_ =	sdelay $0x3  }
0x92: {  	_ =	strace s18  }
0x93: {  	s3 =	sld [smem:$0x3FFC];
	_ =	sdelay $0x3  }
0x94: {  	_ =	strace s3  }
0x95: {  	s3 =	sld [smem:$0x3FFD];
	_ =	sdelay $0x3  }
0x96: {  	_ =	strace s3  }
0x97: {  	_ =	strace $0x8FFFFFFF  }
0x98: {  	s19 =	sld [smem:$0x3FDB];
	_ =	sdelay $0x1  }
0x99: {  	s4 =	simm.s32 $_scs_section_size  }
0x9a: {  	s5 =	simm.s32 $_size__tile_overlayer_lowered;
	s6 =	simm.s32 $_tile_overlayer_lowered  }
0x9b: {  	s22 =	simm.s32 $0x1BFF;
	s21 =	sshll.u32 s6, $0x1;
	s3 =	sadd.s32 s4, s19  }
0x9c: {  	s7 =	simm.s32 $0x0;
	s20 =	sshll.u32 s5, $0x1;
	s5 =	sadd.s32 s21, s3  }
0x9d: {  	[timem:s7], [sflag:s22] =	dma.local [hbm:s5], s20  }
0x9e: {  	_ =	swait.ge [sflag:s22], s20  }
0x9f: {  	s4 =	ssub.s32 $0x0, s20;
	[sflag:s22] =	ssyncset.done $0x0  }
0xa0: {  	[sflag:s22] =	ssyncadd.s32 s4;
	_ =	sdelay $0x1  }
0xa1: {  	s23 =	simm.s32 $0x1B8B  }
0xa2: {  	_ =	swait.ge [sflag:s23], $0x1  }
0xa3: {  	[sflag:s23] =	ssyncset.done $0x0  }
0xa4: {  	s25 =	simm.s32 $0x1B8E;
	s24 =	sld [smem:$0x3FFE];
	[sflag:s23] =	ssyncadd.s32 $0xFFFFFFFF  }
0xa5: {  	s26 =	simm.s32 $execute0_lowered;
	[smem:$0x3FD2] =	sst s25  }
0xa6: {  	s5 =	sshll.u32 s26, $0x1;
	_ =	strace $0x80000049;
	[dreg:$0x1] =	wrdreg $0xFFFFFFFF  }
0xa7: {  	s28 =	simm.s32 $_size_execute0_lowered;
	s3 =	sadd.s32 s3, s5;
	[dreg:$0x0] =	wrdreg $0x0  }
0xa8: {  	s5 =	sshll.u32 s28, $0x1;
	[dreg:$0x2] =	wrdreg s3  }
0xa9: {  	[dreg:$0x3] =	wrdreg s5  }
0xaa: {  	[dreg:$0x4] =	wrdreg $0xC0  }
0xab: {  	_ =	task [dreg:s7], $0x5FFFF  }
0xac: {  	[dreg:$0x1] =	wrdreg $0xFFFFFFFF  }
0xad: {  	[dreg:$0x0] =	wrdreg $0x60  }
0xae: {  	[dreg:$0x2] =	wrdreg s24  }
0xaf: {  	[dreg:$0x3] =	wrdreg s2  }
0xb0: {  	[dreg:$0x4] =	wrdreg $0x87000  }
0xb1: {  	[dreg:$0x5] =	wrdreg $0x9  }
0xb2: {  	_ =	task.clear_ibuf [dreg:s7], $0x6FFFF;
	_ =	strace $0x90000049  }
0xb3: {  	s29 =	simm.s32 $0x9;
	_ =	strace $0x8000004B  }
0xb4: {  	_ =	swait.ge [sflag:s29], $0x1  }
0xb5: {  	[sflag:s29] =	ssyncadd.s32 $0xFFFFFFFF  }
0xb6: {  	_ =	strace $0x9000004B  }
0xb7: {  	_ =	sfence  }
0xb8: {  	s30 =	sld [smem:$0x0];
	_ =	sdelay $0x2  }
0xb9: {  	s31 =	sshll.u32 s1, $0xD;
	s1 =	sshrl.u32 s1, $0x2  }
0xba: {  	s3 =	sand.u32 $0x4000, s31;
	s1 =	sadd.s32 s1, s30  }
0xbb: {  	s0 =	sor.u32 s3, s0;
	s1 =	sshll.u32 s1, $0x11  }
0xbc: {  	s0 =	sor.u32 s1, s0  }
0xbd: {  	s0 =	sadd.s32 $0x8F2B, s0  }
0xbe: {  	[sflag:s0] =	ssyncadd.remote.s32 $0x1  }
0xbf: {  	_ =	sfence.sel $0xFFFF  }
0xc0: {  	[dreg:$0x0] =	wrdreg $0xFFFFFFFF;
	(pc) =	sbr.abs _section_cstart, $3  }
0xc1: {  	[dreg:$0x1] =	wrdreg $0xFFFFFFFF  }
0xc2: {  	_ =	task.clear_ibuf [dreg:s7], $0x2FFFF;
	_ =	strace $0x9FFFFFFF  }
0xc3: {  	(tm) =	ssettm $0x7FFFFFFF  }
tec
execute0_lowered:
.L_overlay_start_1:
0x0: {  	(tag) =	ssettag $0x1  }
0x1: {  	s0 =	rddreg [dreg:$0x0]  }
0x2: {  	s1 =	rddreg [dreg:$0x1]  }
0x3: {  	s2 =	rddreg [dreg:$0x2];
	s3 =	simm.s32 $0x0  }
0x4: {  	s19 =	srdreg.scid;
	s4 =	stileid.u32;
	s28 =	simm.s32 $0x9  }
0x5: {  	s29 =	simm.s32 $0x80;
	s30 =	simm.s32 $0x400;
	s31 =	simm.s32 $0x3  }
0x6: {  	[smem:$0x7FF] =	sst s3;
	s3 =	sand.u32 $0x1, s19;
	s6 =	sadd.s32 $0x2400, s0  }
0x7: {  	s8 =	smul.u32 $0x4E000, s4;
	s5 =	sadd.s32 $0x29600, s0;
	s0 =	sadd.s32 $0x13AE00, s0  }
0x8: {  	s10 =	sshll.u32 s4, $0x1;
	s12 =	smul.u32 $0x13800, s4;
	s23 =	sshll.u32 s4, $0x7  }
0x9: {  	s25 =	sadd.s32 $0x138000, s2;
	p0 =	sne.s32 s4, $0xF;
	_ =	strace $0x8000004A  }
0xa: {  	s7 =	ssub.s32 $0x2, s3;
	s24 =	sand.u32 $0x600, s23;
	[dreg:$0x9] =	wrdreg s25  }
0xb: {  	s9 =	sshrl.u32 s7, $0x1;
	s8 =	sshrl.u32 s8, $0x2;
	s20 =	sadd.s32 $0x4000, s12  }
0xc: {  	s13 =	sadd.s32 $0x8000, s12;
	s17 =	sadd.s32 $0xC000, s12;
	s8 =	sadd.s32 s8, s2  }
0xd: {  	s18 =	sadd.s32 $0x10000, s12;
	s11 =	sadd.s32 s20, s2;
	[dreg:$0x4] =	wrdreg s8  }
0xe: {  	s7 =	ssub.s32 s7, s9;
	s21 =	sadd.s32 s13, s2;
	[dreg:$0x5] =	wrdreg s11  }
0xf: {  	s9 =	sor.u32 s3, s10;
	s22 =	sadd.s32 s17, s2;
	[dreg:$0x6] =	wrdreg s21  }
0x10: {  	s15 =	sadd.s32 s18, s2;
	s3 =	smul.u32 $0x138800, s3;
	[dreg:$0x7] =	wrdreg s22  }
0x11: {  	s16 =	sadd.s32 s6, s24;
	s14 =	sshll.u32 s9, $0x4;
	[dreg:$0x8] =	wrdreg s15  }
0x12: {  	s14 =	sand.u32 $0x70, s14;
	s19 =	sadd.s32 s12, s3;
	s8 =	sadd.s32 s3, s20  }
0x13: {  	s20 =	sadd.s32 s3, s13;
	s23 =	sadd.s32 s3, s17;
	s12 =	simm.s32 $0x5  }
0x14: {  	s13 =	simm.s32 $0x4;
	s17 =	simm.s32 $0x6;
	s15 =	sor.u32 s14, s24  }
0x15: {  	s26 =	sadd.s32 s14, s16;
	s14 =	sadd.s32 s6, s14;
	s8 =	sshrl.u32 s8, $0x3  }
0x16: {  	s22 =	sshrl.u32 s20, $0x3;
	s24 =	sadd.s32 s3, s18;
	s3 =	sshrl.u32 s3, $0x3  }
0x17: {  	s18 =	simm.s32 $0x580;
	s20 =	simm.s32 $0x4700;
	[dreg:$0xa] =	wrdreg s26  }
0x18: {  	s15 =	sadd.s32 s15, s6;
	s6 =	sshrl.u32 s19, $0x3;
	s21 =	sadd.s32 s0, s8  }
0x19: {  	s8 =	sshrl.u32 s24, $0x3;
	s26 =	smax.u32 s7, $0x1;
	[dreg:$0xd] =	wrdreg s21  }
0x1a: {  	s19 =	simm.s32 $0x480;
	s16 =	sadd.s32 $0x800, s15;
	[dreg:$0x12] =	wrdreg s26  }
0x1b: {  	s15 =	ssub.s32 $0x9A4, s10;
	s6 =	sadd.s32 s0, s6;
	[dreg:$0xb] =	wrdreg s16  }
0x1c: {  	s25 =	sadd.s32 s0, s8;
	s26 =	simm.s32 $0x700;
	[dreg:$0xc] =	wrdreg s6  }
.Ltmp0:
0x1d: {  	s6 =	sadd.s32 s0, s22;
	[dreg:$0x10] =	wrdreg s25;
	(pc) =	sbr.rel .LBB2_1-.Ltmp0, $4  }
0x1e: {  	s16 =	ssub.s32 $0x9C4, s10;
	[dreg:$0xe] =	wrdreg s6;
	s6 =	sshrl.u32 s23, $0x3  }
0x1f: {  	s22 =	sor.u32 $0x40, s9;
	s6 =	sadd.s32 s0, s6;
	s0 =	sadd.s32 s0, s3  }
0x20: {  	s23 =	sor.u32 $0x60, s9;
	[dreg:$0xf] =	wrdreg s6;
	s0 =	sadd.s32 $0x27000, s0  }
0x21: {  	v0 =	vimm.f32 $0.0e+00;
	s3 =	simm.s32 $0x500;
	s6 =	simm.s32 $0x0;
	[dreg:$0x11] =	wrdreg s0  }
.LBB2_17:
0x22: {  	s0 =	simm.s32 $0x7  }
0x23: {  	_ =	swait.ge [sflag:s0], $0x4000  }
0x24: {  	[sflag:s0] =	ssyncset.done $0x0  }
0x25: {  	s11 =	simm.s32 $0x8;
	[sflag:s0] =	ssyncadd.s32 $0xFFFFC000  }
0x26: {  	_ =	swait.ge [sflag:s11], $0x4000  }
0x27: {  	[sflag:s11] =	ssyncset.done $0x0  }
0x28: {  	[sflag:s11] =	ssyncadd.s32 $0xFFFFC000  }
0x29: {  	[bflag:$0x0] =	sbarrier.arrive $0xFFFF  }
0x2a: {  	s21 =	rddreg [dreg:$0x4]  }
0x2b: {  	[tilespmem:s26], [sflag:$0x9] =	stream.linear.gather [spmem:s21], $0x4000, $0x38;
	[tilespmem:$0x1BF80] =	vst v63  }
0x2c: {  	_ =	swait.ge [sflag:s28], $0x4000  }
0x2d: {  	[sflag:s28] =	ssyncset.done $0x0  }
0x2e: {  	s24 =	simm.s32 $0x0;
	s4 =	rddreg [dreg:$0xc];
	[sflag:s28] =	ssyncadd.s32 $0xFFFFC000  }
0x2f: {  	[hbm4b:s4+s24] =	stream.linear.scatter [tilespmem:s26], [sflag:$0x9], $0x4000, $0x38;
	[tilespmem:$0x1BF80] =	vst v63  }
0x30: {  	_ =	swait.ge [sflag:s28], $0x4000  }
0x31: {  	[sflag:s28] =	ssyncset.done $0x0  }
0x32: {  	s25 =	rddreg [dreg:$0x5];
	[sflag:s28] =	ssyncadd.s32 $0xFFFFC000  }
0x33: {  	[tilespmem:s26], [sflag:$0x9] =	stream.linear.gather [spmem:s25], $0x4000, $0x38;
	[tilespmem:$0x1BF80] =	vst v63  }
0x34: {  	_ =	swait.ge [sflag:s28], $0x4000  }
0x35: {  	[sflag:s28] =	ssyncset.done $0x0  }
0x36: {  	s6 =	rddreg [dreg:$0xd];
	[sflag:s28] =	ssyncadd.s32 $0xFFFFC000  }
0x37: {  	[hbm4b:s6+s24] =	stream.linear.scatter [tilespmem:s26], [sflag:$0x9], $0x4000, $0x38;
	[tilespmem:$0x1BF80] =	vst v63  }
0x38: {  	_ =	swait.ge [sflag:s28], $0x4000  }
0x39: {  	[sflag:s28] =	ssyncset.done $0x0  }
0x3a: {  	s7 =	rddreg [dreg:$0x6];
	[sflag:s28] =	ssyncadd.s32 $0xFFFFC000  }
0x3b: {  	[tilespmem:s26], [sflag:$0x9] =	stream.linear.gather [spmem:s7], $0x4000, $0x38;
	[tilespmem:$0x1BF80] =	vst v63  }
0x3c: {  	_ =	swait.ge [sflag:s28], $0x4000  }
0x3d: {  	[sflag:s28] =	ssyncset.done $0x0  }
0x3e: {  	s8 =	rddreg [dreg:$0xe];
	[sflag:s28] =	ssyncadd.s32 $0xFFFFC000  }
0x3f: {  	[hbm4b:s8+s24] =	stream.linear.scatter [tilespmem:s26], [sflag:$0x9], $0x4000, $0x38;
	[tilespmem:$0x1BF80] =	vst v63  }
0x40: {  	_ =	swait.ge [sflag:s28], $0x4000  }
0x41: {  	[sflag:s28] =	ssyncset.done $0x0  }
0x42: {  	s9 =	rddreg [dreg:$0x7];
	[sflag:s28] =	ssyncadd.s32 $0xFFFFC000  }
0x43: {  	[tilespmem:s26], [sflag:$0x9] =	stream.linear.gather [spmem:s9], $0x4000, $0x38;
	[tilespmem:$0x1BF80] =	vst v63  }
0x44: {  	_ =	swait.ge [sflag:s28], $0x4000  }
0x45: {  	[sflag:s28] =	ssyncset.done $0x0  }
0x46: {  	s10 =	rddreg [dreg:$0xf];
	[sflag:s28] =	ssyncadd.s32 $0xFFFFC000  }
0x47: {  	[hbm4b:s10+s24] =	stream.linear.scatter [tilespmem:s26], [sflag:$0x9], $0x4000, $0x38;
	[tilespmem:$0x1BF80] =	vst v63  }
0x48: {  	_ =	swait.ge [sflag:s28], $0x4000  }
0x49: {  	[sflag:s28] =	ssyncset.done $0x0  }
0x4a: {  	s11 =	rddreg [dreg:$0x8];
	[sflag:s28] =	ssyncadd.s32 $0xFFFFC000  }
0x4b: {  	[tilespmem:s26], [sflag:$0x9] =	stream.linear.gather [spmem:s11], $0x3800, $0x38;
	[tilespmem:$0x1BF80] =	vst v63  }
0x4c: {  	_ =	swait.ge [sflag:s28], $0x3800  }
0x4d: {  	[sflag:s28] =	ssyncset.done $0x0  }
0x4e: {  	s21 =	rddreg [dreg:$0x10];
	[sflag:s28] =	ssyncadd.s32 $0xFFFFC800  }
0x4f: {  	[hbm4b:s21+s24] =	stream.linear.scatter [tilespmem:s26], [sflag:$0x9], $0x3800, $0x38;
	[tilespmem:$0x1BF80] =	vst v63  }
0x50: {  	_ =	swait.ge [sflag:s28], $0x3800  }
0x51: {  	[sflag:s28] =	ssyncset.done $0x0  }
0x52: {  	s0 =	simm.s32 @!p0 $0x700;
	s4 =	rddreg [dreg:$0x9];
	[sflag:s28] =	ssyncadd.s32 $0xFFFFC800  }
0x53: {  	[tilespmem:s0], [sflag:$0x9] =	stream.linear.gather @!p0 [spmem:s4], $0x800, $0x38;
	[tilespmem:$0x1BF80] =	vst v63  }
0x54: {  	s4 =	simm.s32 @!p0 $0x9  }
0x55: {  	_ =	swait.ge @!p0 [sflag:s4], $0x800  }
0x56: {  	[sflag:s4] =	ssyncset.done @!p0 $0x0  }
0x57: {  	s6 =	simm.s32 @!p0 $0x0;
	s7 =	rddreg [dreg:$0x11];
	[sflag:s4] =	ssyncadd.s32 @!p0 $0xFFFFF800  }
0x58: {  	[hbm4b:s7+s6] =	stream.linear.scatter @!p0 [tilespmem:s0], [sflag:$0x9], $0x800, $0x38;
	[tilespmem:$0x1BF80] =	vst v63  }
0x59: {  	_ =	swait.ge @!p0 [sflag:s4], $0x800  }
0x5a: {  	s24 =	rddreg [dreg:$0x13]  }
0x5b: {  	s25 =	rddreg [dreg:$0x12];
	s6 =	sadd.s32 $0x1, s24  }
0x5c: {  	p1 =	sne.s32 s6, s25  }
.Ltmp1:
0x5d: {  	_ = 	snop;
	(pc) =	sbr.rel @!p1 .LBB2_18-.Ltmp1, $3  }
0x5e: {  	_ =	sdelay $0x1  }
0x5f: {  	[sflag:s4] =	ssyncset.done @!p0 $0x0  }
0x60: {  	[sflag:s4] =	ssyncadd.s32 @!p0 $0xFFFFF800  }
.LBB2_1:
0x61: {  	[dreg:$0x13] =	wrdreg s6;
	s0 =	simm.s32 $0x0;
	s6 =	simm.s32 $0x200  }
.LBB2_2:
0x62: {  	p1 =	sne.s32 s6, $0xFE00;
	[tilespmem:s0+$0x770] =	vst v0  }
0x63: {  	[tilespmem:s0+$0x700] =	vst v0  }
0x64: {  	[tilespmem:s0+$0x710] =	vst v0  }
.Ltmp2:
0x65: {  	[tilespmem:s0+$0x720] =	vst v0;
	(pc) =	sbr.rel @p1 .LBB2_2-.Ltmp2, $4  }
0x66: {  	[tilespmem:s0+$0x730] =	vst v0  }
0x67: {  	[tilespmem:s0+$0x740] =	vst v0  }
0x68: {  	[tilespmem:s0+$0x750] =	vst v0  }
0x69: {  	[tilespmem:s0+$0x760] =	vst v0;
	s0 =	sshra.s32 s6, $0x2;
	s6 =	sadd.s32 $0x200, s6  }
0x6a: {  	[tilespmem:s0+$0x770] =	vst v0  }
0x6b: {  	[tilespmem:s0+$0x700] =	vst v0  }
0x6c: {  	[tilespmem:s0+$0x710] =	vst v0  }
0x6d: {  	[tilespmem:s0+$0x720] =	vst v0  }
0x6e: {  	[tilespmem:s0+$0x730] =	vst v0  }
0x6f: {  	[tilespmem:s0+$0x740] =	vst v0  }
0x70: {  	[tilespmem:s0+$0x750] =	vst v0  }
0x71: {  	[tilespmem:s0+$0x760] =	vst v0;
	s4 =	rddreg [dreg:$0x4]  }
0x72: {  	[spmem:s4] =	stream.linear.scatter [tilespmem:s26], [sflag:$0x9], $0x4000, $0x38;
	[tilespmem:$0x1BF80] =	vst v63  }
0x73: {  	_ =	swait.ge [sflag:s28], $0x4000  }
0x74: {  	[sflag:s28] =	ssyncset.done $0x0  }
0x75: {  	s6 =	rddreg [dreg:$0x5];
	[sflag:s28] =	ssyncadd.s32 $0xFFFFC000  }
0x76: {  	[spmem:s6] =	stream.linear.scatter [tilespmem:s26], [sflag:$0x9], $0x4000, $0x38;
	[tilespmem:$0x1BF80] =	vst v63  }
0x77: {  	_ =	swait.ge [sflag:s28], $0x4000  }
0x78: {  	[sflag:s28] =	ssyncset.done $0x0  }
0x79: {  	s7 =	rddreg [dreg:$0x6];
	[sflag:s28] =	ssyncadd.s32 $0xFFFFC000  }
0x7a: {  	[spmem:s7] =	stream.linear.scatter [tilespmem:s26], [sflag:$0x9], $0x4000, $0x38;
	[tilespmem:$0x1BF80] =	vst v63  }
0x7b: {  	_ =	swait.ge [sflag:s28], $0x4000  }
0x7c: {  	[sflag:s28] =	ssyncset.done $0x0  }
0x7d: {  	s8 =	rddreg [dreg:$0x7];
	[sflag:s28] =	ssyncadd.s32 $0xFFFFC000  }
0x7e: {  	[spmem:s8] =	stream.linear.scatter [tilespmem:s26], [sflag:$0x9], $0x4000, $0x38;
	[tilespmem:$0x1BF80] =	vst v63  }
0x7f: {  	_ =	swait.ge [sflag:s28], $0x4000  }
0x80: {  	[sflag:s28] =	ssyncset.done $0x0  }
0x81: {  	s9 =	rddreg [dreg:$0x8];
	[sflag:s28] =	ssyncadd.s32 $0xFFFFC000  }
0x82: {  	[spmem:s9] =	stream.linear.scatter [tilespmem:s26], [sflag:$0x9], $0x3800, $0x38;
	[tilespmem:$0x1BF80] =	vst v63  }
0x83: {  	_ =	swait.ge [sflag:s28], $0x3800  }
0x84: {  	[sflag:s28] =	ssyncset.done $0x0  }
0x85: {  	s0 =	simm.s32 @!p0 $0x700;
	s4 =	rddreg [dreg:$0x9];
	[sflag:s28] =	ssyncadd.s32 $0xFFFFC800  }
0x86: {  	[spmem:s4] =	stream.linear.scatter @!p0 [tilespmem:s0], [sflag:$0x9], $0x800, $0x38;
	[tilespmem:$0x1BF80] =	vst v63  }
0x87: {  	s0 =	simm.s32 @!p0 $0x9  }
0x88: {  	_ =	swait.ge @!p0 [sflag:s0], $0x800  }
0x89: {  	[sflag:s0] =	ssyncset.done @!p0 $0x0  }
0x8a: {  	[sflag:s0] =	ssyncadd.s32 @!p0 $0xFFFFF800  }
0x8b: {  	[bflag:$0x0] =	sbarrier.arrive $0xFFFF  }
0x8c: {  	s0 =	simm.s32 $0x0;
	s10 =	rddreg [dreg:$0xa]  }
0x8d: {  	[tilespmem:s0], [sflag:$0x1] =	stream.strided.gather [hbm4b:s10+s29], $0x200, s30, s29, $0x38;
	[tilespmem:$0x1BF80] =	vst v63  }
0x8e: {  	s21 =	simm.s32 $0x1;
	s6 =	simm.s32 $0x200;
	s11 =	rddreg [dreg:$0xb]  }
0x8f: {  	[tilespmem:s6], [sflag:$0x2] =	stream.strided.gather [hbm4b:s11+s29], $0x200, s30, s29, $0x38;
	[tilespmem:$0x1BF80] =	vst v63  }
0x90: {  	_ =	swait.ge [sflag:s21], $0x200  }
0x91: {  	[sflag:s21] =	ssyncset.done $0x0  }
0x92: {  	[sflag:s21] =	ssyncadd.s32 $0xFFFFFE00  }
0x93: {  	[tilespmem:s3], [sflag:$0x3] =	stream.indirect.gather [hbm4b:s1+s29], $0x1, s29, s29, $0xb8;
	[tilespmem:$0x1BF80] =	vst v63  }
.Ltmp3:
0x94: {  	_ = 	snop;
	(pc) =	sbr.rel .LBB2_4-.Ltmp3, $4  }
0x95: {  	s24 =	simm.s32 $0x100;
	s25 =	simm.s32 $0x600  }
0x96: {  	[tilespmem:s25], [sflag:$0x3] =	stream.indirect.gather [hbm4b:s1+s29], $0x1, s24, s29, $0xb8;
	[tilespmem:$0x1BF80] =	vst v63  }
0x97: {  	_ = 	snop  }
0x98: {  	[tilespmem:s26], [sflag:$0x5] =	stream.indirect.gather [hbm4b:s5+s29], $0x80, s0, s29, $0xb8;
	[tilespmem:$0x1BF80] =	vst v63  }
.LBB2_16:
0x99: {  	s0 =	sadd.s32 $0x1, s0  }
0x9a: {  	p1 =	sne.s32 s0, $0x28  }
.Ltmp4:
0x9b: {  	_ = 	snop;
	(pc) =	sbr.rel @!p1 .LBB2_17-.Ltmp4, $1  }
0x9c: {  	_ =	sdelay $0x3  }
.LBB2_4:
0x9d: {  	s21 =	sshll.u32 s0, $0x6  }
0x9e: {  	p1 =	sge.u32 s21, s15  }
0x9f: {  	s6 =	simm.s32 @!p1 $0x2  }
0xa0: {  	p2 =	seq.s32 @!p1 s0, $0x0;
	_ =	swait.ge @!p1 [sflag:s6], $0x200  }
0xa1: {  	p2 =	por p2, p1;
	[sflag:s6] =	ssyncset.done @!p1 $0x0  }
0xa2: {  	[sflag:s6] =	ssyncadd.s32 @!p1 $0xFFFFFE00;
	s6 =	simm.s32 @!p2 $0x8  }
0xa3: {  	_ =	swait.ge @!p2 [sflag:s6], $0x4000  }
0xa4: {  	p3 =	sge.u32 s21, s16;
	s7 =	simm.s32 @!p1 $0x280;
	[sflag:s6] =	ssyncset.done @!p2 $0x0  }
0xa5: {  	s8 =	simm.s32 @!p1 $0x580;
	[sflag:s6] =	ssyncadd.s32 @!p2 $0xFFFFC000;
	s6 =	simm.s32 @!p1 $0x80  }
0xa6: {  	[tilespmem:s8], [sflag:$0x4] =	stream.indirect.gather @!p1 [hbm4b:s1+s6], $0x1, s7, s6, $0xb8;
	[tilespmem:$0x1BF80] =	vst v63  }
.Ltmp5:
0xa7: {  	_ = 	snop;
	(pc) =	sbr.rel @p3 .LBB2_6-.Ltmp5, $4  }
0xa8: {  	s7 =	simm.s32 @!p1 $0x300;
	s8 =	simm.s32 @!p1 $0x680  }
0xa9: {  	[tilespmem:s8], [sflag:$0x4] =	stream.indirect.gather @!p1 [hbm4b:s1+s6], $0x1, s7, s6, $0xb8;
	[tilespmem:$0x1BF80] =	vst v63  }
0xaa: {  	s7 =	simm.s32 @!p1 $0x200;
	s8 =	simm.s32 @!p1 $0x4700  }
0xab: {  	[tilespmem:s8], [sflag:$0x6] =	stream.indirect.gather @!p1 [hbm4b:s5+s6], $0x80, s7, s6, $0xb8;
	[tilespmem:$0x1BF80] =	vst v63  }
0xac: {  	_ =	swait.ge [sflag:s31], $0x80  }
0xad: {  	[sflag:s31] =	ssyncset.done $0x0  }
0xae: {  	[sflag:s31] =	ssyncadd.s32 $0xFFFFFF80  }
0xaf: {  	_ =	swait.ge [sflag:s31], $0x80  }
0xb0: {  	[sflag:s31] =	ssyncset.done $0x0  }
0xb1: {  	[sflag:s31] =	ssyncadd.s32 $0xFFFFFF80  }
0xb2: {  	_ =	swait.ge [sflag:s12], $0x4000  }
0xb3: {  	[sflag:s12] =	ssyncset.done $0x0  }
0xb4: {  	[sflag:s12] =	ssyncadd.s32 $0xFFFFC000  }
0xb5: {  	v1 =	vld [tilespmem:$0x500]  }
0xb6: {  	v2 =	vld [tilespmem:$0x600]  }
0xb7: {  	v3 =	vld [tilespmem:$0x510]  }
0xb8: {  	v4 =	vld [tilespmem:$0x610]  }
0xb9: {  	v5 =	vld [tilespmem:$0x520]  }
0xba: {  	v6 =	vld [tilespmem:$0x620]  }
0xbb: {  	v7 =	vld [tilespmem:$0x530]  }
0xbc: {  	v8 =	vld [tilespmem:$0x630]  }
0xbd: {  	v9 =	vld [tilespmem:$0x540]  }
0xbe: {  	v10 =	vld [tilespmem:$0x640]  }
0xbf: {  	v11 =	vld [tilespmem:$0x550]  }
0xc0: {  	v12 =	vld [tilespmem:$0x650]  }
0xc1: {  	v13 =	vld [tilespmem:$0x560]  }
0xc2: {  	v57 =	vld [tilespmem:$0x570];
	v1 =	vadd.f32 v2, v1  }
0xc3: {  	v2 =	vld [tilespmem:$0x660];
	v3 =	vadd.f32 v4, v3  }
0xc4: {  	v58 =	vld [tilespmem:$0x670];
	v5 =	vadd.f32 v6, v5;
	v1 =	vmax.f32 v1, $1.000000000e+00  }
0xc5: {  	v3 =	vmax.f32 v3, $1.000000000e+00;
	(erf) = vrcp.f32 v1;
	v1 =	vadd.f32 v8, v7  }
0xc6: {  	v5 =	vmax.f32 v5, $1.000000000e+00;
	(erf) = vrcp.f32 v3;
	v3 =	vadd.f32 v10, v9  }
0xc7: {  	v59 =	vadd.f32 v12, v11;
	(erf) = vrcp.f32 v5;
	v1 =	vmax.f32 v1, $1.000000000e+00  }
0xc8: {  	(erf) = vrcp.f32 v1;
	v1 =	vadd.f32 v2, v13;
	v2 =	vmax.f32 v3, $1.000000000e+00  }
0xc9: {  	v3 =	vadd.f32 v58, v57;
	(erf) = vrcp.f32 v2;
	v2 =	vmax.f32 v59, $1.000000000e+00  }
0xca: {  	(erf) = vrcp.f32 v2;
	v1 =	vmax.f32 v1, $1.000000000e+00  }
0xcb: {  	(erf) = vrcp.f32 v1;
	v1 =	vmax.f32 v3, $1.000000000e+00;
	_ =	sdelay $0x2  }
0xcc: {  	(erf) = vrcp.f32 v1;
	v1 =	vpop (erf)  }
0xcd: {  	v2 =	vpop (erf);
	[tilespmem:$0x500] =	vst v1  }
0xce: {  	v62 =	vld [tilespmem:$0x1B0];
	v1 =	vpop (erf);
	[tilespmem:$0x510] =	vst v2  }
0xcf: {  	v63 =	vld [tilespmem:$0x1C0];
	v2 =	vpop (erf);
	[tilespmem:$0x520] =	vst v1  }
0xd0: {  	v1 =	vpop (erf);
	[tilespmem:$0x530] =	vst v2;
	v2 =	vld [tilespmem:$0x180]  }
0xd1: {  	v3 =	vpop (erf);
	[tilespmem:$0x540] =	vst v1;
	v1 =	vld [tilespmem:$0x190]  }
0xd2: {  	[tilespmem:$0x550] =	vst v3;
	v3 =	vld [tilespmem:$0x1A0]  }
0xd3: {  	[tilespmem:$0x430] =	vst v62  }
0xd4: {  	[tilespmem:$0x440] =	vst v63  }
0xd5: {  	[tilespmem:$0x400] =	vst v2;
	v2 =	vld [tilespmem:$0x1D0]  }
0xd6: {  	[tilespmem:$0x410] =	vst v1;
	v1 =	vld [tilespmem:$0x1E0]  }
0xd7: {  	v60 =	vpop (erf);
	[tilespmem:$0x420] =	vst v3;
	v3 =	vld [tilespmem:$0x1F0]  }
0xd8: {  	[tilespmem:$0x560] =	vst v60;
	v61 =	vpop (erf)  }
0xd9: {  	[tilespmem:$0x570] =	vst v61  }
0xda: {  	[tilespmem:$0x450] =	vst v2  }
0xdb: {  	[tilespmem:$0x460] =	vst v1  }
0xdc: {  	[tilespmem:$0x470] =	vst v3  }
.LBB2_6:
0xdd: {  	s6 =	sadd.s32 s22, s21  }
.Ltmp6:
0xde: {  	p2 =	sgt.u32 s6, $0x9C3;
	(pc) =	sbr.rel @p3 .LBB2_10-.Ltmp6, $4  }
0xdf: {  	s6 =	sshll.u32 @!p2 s6, $0x6  }
0xe0: {  	s24 =	simm.s32 @!p2 $0x80;
	s6 =	sand.u32 @!p2 $0x3F600, s6  }
0xe1: {  	s8 =	simm.s32 @!p2 $0x400;
	s7 =	sadd.s32 @!p2 s6, s14;
	s6 =	simm.s32 @!p2 $0x0  }
0xe2: {  	[tilespmem:s6], [sflag:$0x1] =	stream.strided.gather @!p2 [hbm4b:s7+s24], $0x200, s8, s24, $0x38;
	[tilespmem:$0x1BF80] =	vst v63  }
0xe3: {  	s7 =	simm.s32 $0x800  }
0xe4: {  	v3 =	vld [tilespmem:s7+$0xD0]  }
0xe5: {  	v4 =	vld [tilespmem:s7+$0xF0]  }
0xe6: {  	v5 =	vld [tilespmem:s7+$0xFFFFFFF0]  }
0xe7: {  	v6 =	vld [tilespmem:s7+$0x0]  }
0xe8: {  	v7 =	vld [tilespmem:s7+$0x10]  }
0xe9: {  	v8 =	vld [tilespmem:s7+$0x20]  }
0xea: {  	v9 =	vld [tilespmem:s7+$0x30]  }
0xeb: {  	v10 =	vld [tilespmem:s7+$0x50]  }
0xec: {  	s9 =	simm.s32 $0x3;
	v12 =	vld [tilespmem:s7+$0x80]  }
0xed: {  	v11 =	vmov s9;
	v14 =	vld [tilespmem:s7+$0x90]  }
0xee: {  	s8 =	simm.s32 $0x0;
	s11 =	simm.s32 $0x1;
	v17 =	vld [tilespmem:s7+$0xB0]  }
0xef: {  	s25 =	simm.s32 $0x2;
	v1 =	vmov s8;
	v2 =	vmov s11;
	v18 =	vld [tilespmem:s7+$0xC0]  }
0xf0: {  	v13 =	vmov s25;
	v19 =	vld [tilespmem:s7+$0x40];
	v1 =	vand.u32 $0xFFFFFFFC, v1;
	v2 =	vand.u32 $0xFFFFFFFD, v2  }
0xf1: {  	v21 =	vld [tilespmem:s7+$0xFFFFFFC0];
	v1 =	vbroadcast v1, $0x0;
	v15 =	vbroadcast v2, $0x0;
	v2 =	vand.u32 $0xFFFFFFFE, v13  }
0xf2: {  	v16 =	vbroadcast v2, $0x0;
	v2 =	vld.idx.msk [tilespmem:v11+s3+$0x0], $0xffff  }
0xf3: {  	v22 =	vld [tilespmem:s7+$0xFFFFFFB0]  }
0xf4: {  	v23 =	vld [tilespmem:s7+$0xFFFFFF60]  }
0xf5: {  	v24 =	vld [tilespmem:s7+$0xFFFFFF50]  }
0xf6: {  	v63 =	vld [tilespmem:s7+$0xFFFFFF30]  }
0xf7: {  	v20 =	vld.idx.msk [tilespmem:v1+s3+$0x0], $0xffff;
	v3 =	vmul.f32 v3, v2  }
0xf8: {  	v11 =	vld.idx.msk [tilespmem:v15+s3+$0x0], $0xffff;
	v18 =	vmul.f32 v18, v2  }
0xf9: {  	v1 =	vld.idx.msk [tilespmem:v16+s3+$0x0], $0xffff;
	v12 =	vmul.f32 v12, v2;
	[tilespmem:s7+$0xD0] =	vst v3  }
0xfa: {  	v25 =	vld [tilespmem:s7+$0xFFFFFF20];
	v17 =	vmul.f32 v17, v2;
	[tilespmem:s7+$0xC0] =	vst v18  }
0xfb: {  	v15 =	vld [tilespmem:s7+$0xFFFFFFE0];
	v4 =	vmul.f32 v4, v2;
	[tilespmem:s7+$0x80] =	vst v12  }
0xfc: {  	v16 =	vld [tilespmem:s7+$0xFFFFFFD0];
	v14 =	vmul.f32 v14, v2;
	[tilespmem:s7+$0xB0] =	vst v17  }
0xfd: {  	v13 =	vld [tilespmem:s7+$0xA0];
	[tilespmem:s7+$0xF0] =	vst v4;
	v5 =	vmul.f32 v5, v11  }
0xfe: {  	v18 =	vld [tilespmem:s7+$0xFFFFFF90];
	[tilespmem:s7+$0x90] =	vst v14;
	v62 =	vmul.f32 v22, v11  }
0xff: {  	v3 =	vld [tilespmem:s7+$0xFFFFFFA0];
	v6 =	vmul.f32 v6, v1;
	[tilespmem:s7+$0xFFFFFFF0] =	vst v5  }
0x100: {  	v12 =	vld [tilespmem:s7+$0xFFFFFF80];
	v14 =	vmul.f32 v25, v20;
	v8 =	vmul.f32 v8, v1;
	[tilespmem:s7+$0xFFFFFFB0] =	vst v62  }
0x101: {  	v17 =	vld [tilespmem:s7+$0xFFFFFF70];
	v4 =	vmul.f32 v16, v11;
	v5 =	vmul.f32 v15, v11;
	[tilespmem:s7+$0x0] =	vst v6  }
0x102: {  	v16 =	vld [tilespmem:s7+$0xFFFFFF40];
	v9 =	vmul.f32 v9, v1;
	v6 =	vmul.f32 v7, v1;
	[tilespmem:s7+$0x20] =	vst v8  }
0x103: {  	v7 =	vmul.f32 v21, v11;
	[tilespmem:s7+$0xFFFFFFE0] =	vst v5;
	v5 =	vmul.f32 v18, v11;
	v18 =	vld [tilespmem:s7+$0xFFFFFF10]  }
0x104: {  	[tilespmem:s7+$0x10] =	vst v6;
	v6 =	vmul.f32 v3, v11;
	v3 =	vmul.f32 v19, v1;
	v19 =	vld [tilespmem:s7+$0xFFFFFF00]  }
0x105: {  	v8 =	vmul.f32 v10, v1;
	[tilespmem:s7+$0x30] =	vst v9;
	v10 =	vmul.f32 v23, v20  }
0x106: {  	[tilespmem:s7+$0xFFFFFFC0] =	vst v7;
	v7 =	vmul.f32 v12, v11;
	v12 =	vmul.f32 v13, v2  }
0x107: {  	v15 =	vld [tilespmem:s7+$0x60];
	[tilespmem:s7+$0xFFFFFFD0] =	vst v4;
	v9 =	vmul.f32 v17, v20;
	v13 =	vmul.f32 v24, v20  }
0x108: {  	v17 =	vld [tilespmem:s7+$0xE0];
	v11 =	vmul.f32 v16, v20;
	[tilespmem:s7+$0xA0] =	vst v12;
	v12 =	vmul.f32 v63, v20  }
0x109: {  	s9 =	simm.s32 $0x4;
	s8 =	simm.s32 $0xA00;
	[tilespmem:s7+$0x50] =	vst v8;
	v16 =	vld [tilespmem:s7+$0x70];
	v8 =	vmul.f32 v18, v20;
	v4 =	vmul.f32 v19, v20  }
.LBB2_8:
0x10a: {  	s11 =	sadd.s32 $0x1, s9  }
0x10b: {  	v18 =	vmov s9;
	s4 =	sadd.s32 $0x3, s9;
	v19 =	vld [tilespmem:s8+$0xD0];
	[tilespmem:s7+$0xFFFFFFA0] =	vst v6;
	s25 =	smov.u32 s9;
	s10 =	sadd.s32 $0x4, s9  }
0x10c: {  	p3 =	sne.s32 s9, $0x7C;
	v6 =	vand.u32 $0xFFFFFFFC, v18;
	v18 =	vmov s11;
	s11 =	sadd.s32 $0x2, s25;
	v20 =	vmov s4;
	v21 =	vld [tilespmem:s8+$0xF0];
	[tilespmem:s7+$0xFFFFFF90] =	vst v5  }
0x10d: {  	v5 =	vbroadcast v6, $0x0;
	v6 =	vand.u32 $0xFFFFFFFD, v18;
	v18 =	vmov s11;
	v22 =	vld [tilespmem:s8+$0xFFFFFFF0];
	[tilespmem:s7+$0xFFFFFF80] =	vst v7  }
0x10e: {  	v6 =	vbroadcast v6, $0x0;
	v7 =	vand.u32 $0xFFFFFFFE, v18;
	v18 =	vld [tilespmem:s8+$0x0];
	[tilespmem:s7+$0xFFFFFF70] =	vst v9;
	v2 =	vmul.f32 v17, v2  }
0x10f: {  	v7 =	vbroadcast v7, $0x0;
	v9 =	vld [tilespmem:s8+$0x10];
	[tilespmem:s7+$0xFFFFFF60] =	vst v10;
	v10 =	vmul.f32 v16, v1  }
0x110: {  	v1 =	vmul.f32 v15, v1;
	v16 =	vld [tilespmem:s8+$0x20];
	[tilespmem:s7+$0xFFFFFF50] =	vst v13  }
0x111: {  	v13 =	vld [tilespmem:s8+$0x30];
	[tilespmem:s7+$0xFFFFFF40] =	vst v11  }
0x112: {  	v11 =	vld [tilespmem:s8+$0x50];
	[tilespmem:s7+$0xFFFFFF30] =	vst v12  }
0x113: {  	[tilespmem:s7+$0xFFFFFF20] =	vst v14  }
0x114: {  	v12 =	vld [tilespmem:s8+$0x80];
	[tilespmem:s7+$0xE0] =	vst v2  }
0x115: {  	v14 =	vld [tilespmem:s8+$0x90];
	[tilespmem:s7+$0xFFFFFF10] =	vst v8  }
0x116: {  	v8 =	vld [tilespmem:s8+$0xA0];
	[tilespmem:s7+$0x60] =	vst v1  }
0x117: {  	v15 =	vld [tilespmem:s8+$0xB0];
	[tilespmem:s7+$0x70] =	vst v10  }
0x118: {  	v10 =	vld [tilespmem:s8+$0xC0];
	[tilespmem:s7+$0x40] =	vst v3  }
0x119: {  	v3 =	vld [tilespmem:s8+$0x40];
	[tilespmem:s7+$0xFFFFFF00] =	vst v4;
	s7 =	smov.u32 s8  }
0x11a: {  	v2 =	vld.idx.msk [tilespmem:v20+s3+$0x0], $0xffff  }
0x11b: {  	v4 =	vld.idx.msk [tilespmem:v5+s3+$0x0], $0xffff  }
0x11c: {  	v17 =	vld.idx.msk [tilespmem:v6+s3+$0x0], $0xffff  }
0x11d: {  	v1 =	vld.idx.msk [tilespmem:v7+s3+$0x0], $0xffff  }
0x11e: {  	v5 =	vld [tilespmem:s8+$0xFFFFFFE0]  }
0x11f: {  	v6 =	vld [tilespmem:s8+$0xFFFFFFD0]  }
0x120: {  	v19 =	vmul.f32 v19, v2;
	v20 =	vmul.f32 v21, v2;
	v7 =	vld [tilespmem:s8+$0xFFFFFFC0]  }
0x121: {  	v12 =	vmul.f32 v12, v2;
	v10 =	vmul.f32 v10, v2;
	v21 =	vld [tilespmem:s8+$0xFFFFFFB0]  }
0x122: {  	v15 =	vmul.f32 v15, v2;
	v22 =	vmul.f32 v22, v17;
	v23 =	vld [tilespmem:s8+$0xFFFFFFA0];
	[tilespmem:s8+$0xD0] =	vst v19  }
0x123: {  	v19 =	vld [tilespmem:s8+$0xFFFFFF90];
	v24 =	vmul.f32 v5, v17;
	v5 =	vmul.f32 v18, v1;
	[tilespmem:s8+$0xC0] =	vst v10  }
0x124: {  	v25 =	vmul.f32 v9, v1;
	v10 =	vld [tilespmem:s8+$0xFFFFFF80];
	v18 =	vmul.f32 v6, v17;
	[tilespmem:s8+$0x80] =	vst v12  }
0x125: {  	v16 =	vmul.f32 v16, v1;
	v9 =	vld [tilespmem:s8+$0xFFFFFF70];
	v12 =	vmul.f32 v7, v17;
	[tilespmem:s8+$0xB0] =	vst v15  }
0x126: {  	v15 =	vld [tilespmem:s8+$0xFFFFFF60];
	v21 =	vmul.f32 v21, v17;
	[tilespmem:s8+$0xFFFFFFF0] =	vst v22;
	v22 =	vmul.f32 v13, v1  }
0x127: {  	v3 =	vmul.f32 v3, v1;
	v13 =	vld [tilespmem:s8+$0xFFFFFF50];
	v6 =	vmul.f32 v23, v17;
	[tilespmem:s8+$0x0] =	vst v5  }
0x128: {  	v23 =	vld [tilespmem:s8+$0xFFFFFF40];
	v5 =	vmul.f32 v19, v17;
	v19 =	vmul.f32 v11, v1;
	[tilespmem:s8+$0xF0] =	vst v20  }
0x129: {  	v20 =	vld [tilespmem:s8+$0xFFFFFF30];
	v7 =	vmul.f32 v10, v17;
	[tilespmem:s8+$0xFFFFFFE0] =	vst v24;
	v17 =	vmul.f32 v14, v2  }
0x12a: {  	v24 =	vmul.f32 v8, v2;
	v14 =	vld [tilespmem:s8+$0xFFFFFF20];
	v9 =	vmul.f32 v9, v4;
	[tilespmem:s8+$0x10] =	vst v25  }
0x12b: {  	v8 =	vld [tilespmem:s8+$0xFFFFFF10];
	v10 =	vmul.f32 v15, v4;
	[tilespmem:s8+$0xFFFFFFC0] =	vst v12  }
0x12c: {  	v25 =	vld [tilespmem:s8+$0xFFFFFF00];
	v13 =	vmul.f32 v13, v4;
	[tilespmem:s8+$0xFFFFFFD0] =	vst v18  }
0x12d: {  	v11 =	vmul.f32 v23, v4;
	[tilespmem:s8+$0x20] =	vst v16  }
.Ltmp7:
0x12e: {  	v12 =	vmul.f32 v20, v4;
	[tilespmem:s8+$0xFFFFFFB0] =	vst v21;
	(pc) =	sbr.rel @p3 .LBB2_8-.Ltmp7, $4  }
0x12f: {  	v14 =	vmul.f32 v14, v4;
	[tilespmem:s8+$0x30] =	vst v22  }
0x130: {  	v8 =	vmul.f32 v8, v4;
	v15 =	vld [tilespmem:s8+$0x60];
	[tilespmem:s8+$0x90] =	vst v17  }
0x131: {  	v4 =	vmul.f32 v25, v4;
	[tilespmem:s8+$0xA0] =	vst v24;
	v17 =	vld [tilespmem:s8+$0xE0]  }
0x132: {  	s9 =	smov.u32 s10;
	s8 =	sadd.s32 $0x200, s8;
	[tilespmem:s7+$0x50] =	vst v19;
	v16 =	vld [tilespmem:s7+$0x70]  }
0x133: {  	[tilespmem:s7+$0xFFFFFFA0] =	vst v6  }
0x134: {  	[tilespmem:s7+$0xFFFFFF90] =	vst v5  }
0x135: {  	[tilespmem:s7+$0xFFFFFF80] =	vst v7  }
0x136: {  	[tilespmem:s7+$0xFFFFFF70] =	vst v9  }
0x137: {  	[tilespmem:s7+$0xFFFFFF60] =	vst v10  }
0x138: {  	[tilespmem:s7+$0xFFFFFF50] =	vst v13  }
0x139: {  	[tilespmem:s7+$0xFFFFFF40] =	vst v11  }
0x13a: {  	[tilespmem:s7+$0xFFFFFF30] =	vst v12  }
0x13b: {  	[tilespmem:s7+$0xFFFFFF20] =	vst v14  }
0x13c: {  	[tilespmem:s7+$0xFFFFFF10] =	vst v8  }
0x13d: {  	[tilespmem:s7+$0x40] =	vst v3;
	v63 =	vmul.f32 v15, v1  }
0x13e: {  	[tilespmem:s7+$0xFFFFFF00] =	vst v4;
	v2 =	vmul.f32 v17, v2  }
0x13f: {  	v1 =	vmul.f32 v16, v1;
	[tilespmem:s7+$0x60] =	vst v63  }
0x140: {  	[tilespmem:s7+$0xE0] =	vst v2  }
0x141: {  	[tilespmem:s7+$0x70] =	vst v1  }
0x142: {  	[spmem:s2] =	stream.indirect.scatter.add.f32 [tilespmem:s26], [sflag:$0x7], $0x80, s30, s29, $0xb8;
	[tilespmem:$0x1BF80] =	vst v63  }
.LBB2_10:
0x143: {  	s4 =	simm.s32 @!p2 $0x1  }
0x144: {  	_ =	swait.ge @!p2 [sflag:s4], $0x200  }
0x145: {  	[sflag:s4] =	ssyncset.done @!p2 $0x0  }
0x146: {  	[sflag:s4] =	ssyncadd.s32 @!p2 $0xFFFFFE00;
	s4 =	simm.s32 @!p2 $0x7  }
0x147: {  	_ =	swait.ge @!p2 [sflag:s4], $0x4000  }
0x148: {  	[sflag:s4] =	ssyncset.done @!p2 $0x0  }
0x149: {  	[sflag:s4] =	ssyncadd.s32 @!p2 $0xFFFFC000;
	s4 =	simm.s32 @!p2 $0x500  }
0x14a: {  	[tilespmem:s4], [sflag:$0x3] =	stream.indirect.gather @!p2 [hbm4b:s1+s24], $0x1, s24, s24, $0xb8;
	[tilespmem:$0x1BF80] =	vst v63  }
.Ltmp8:
0x14b: {  	_ = 	snop;
	(pc) =	sbr.rel @p1 .LBB2_12-.Ltmp8, $4  }
0x14c: {  	s7 =	simm.s32 @!p2 $0x600;
	s4 =	simm.s32 @!p2 $0x100  }
0x14d: {  	[tilespmem:s7], [sflag:$0x3] =	stream.indirect.gather @!p2 [hbm4b:s1+s24], $0x1, s4, s24, $0xb8;
	[tilespmem:$0x1BF80] =	vst v63  }
0x14e: {  	s4 =	simm.s32 @!p2 $0x700  }
0x14f: {  	[tilespmem:s4], [sflag:$0x5] =	stream.indirect.gather @!p2 [hbm4b:s5+s24], $0x80, s6, s24, $0xb8;
	[tilespmem:$0x1BF80] =	vst v63  }
0x150: {  	_ =	swait.ge [sflag:s13], $0x80  }
0x151: {  	[sflag:s13] =	ssyncset.done $0x0  }
0x152: {  	[sflag:s13] =	ssyncadd.s32 $0xFFFFFF80  }
0x153: {  	_ =	swait.ge [sflag:s13], $0x80  }
0x154: {  	[sflag:s13] =	ssyncset.done $0x0  }
0x155: {  	[sflag:s13] =	ssyncadd.s32 $0xFFFFFF80  }
0x156: {  	_ =	swait.ge [sflag:s17], $0x4000  }
0x157: {  	[sflag:s17] =	ssyncset.done $0x0  }
0x158: {  	[sflag:s17] =	ssyncadd.s32 $0xFFFFC000  }
0x159: {  	v1 =	vld [tilespmem:$0x580]  }
0x15a: {  	v2 =	vld [tilespmem:$0x680]  }
0x15b: {  	v3 =	vld [tilespmem:$0x590]  }
0x15c: {  	v4 =	vld [tilespmem:$0x690]  }
0x15d: {  	v5 =	vld [tilespmem:$0x5A0]  }
0x15e: {  	v6 =	vld [tilespmem:$0x6A0]  }
0x15f: {  	v7 =	vld [tilespmem:$0x5B0]  }
0x160: {  	v8 =	vld [tilespmem:$0x6B0]  }
0x161: {  	v9 =	vld [tilespmem:$0x5C0]  }
0x162: {  	v10 =	vld [tilespmem:$0x6C0]  }
0x163: {  	v11 =	vld [tilespmem:$0x5D0]  }
0x164: {  	v12 =	vld [tilespmem:$0x6D0]  }
0x165: {  	v13 =	vld [tilespmem:$0x5E0]  }
0x166: {  	v57 =	vld [tilespmem:$0x5F0];
	v1 =	vadd.f32 v2, v1  }
0x167: {  	v2 =	vld [tilespmem:$0x6E0];
	v3 =	vadd.f32 v4, v3  }
0x168: {  	v58 =	vld [tilespmem:$0x6F0];
	v5 =	vadd.f32 v6, v5;
	v1 =	vmax.f32 v1, $1.000000000e+00  }
0x169: {  	v3 =	vmax.f32 v3, $1.000000000e+00;
	(erf) = vrcp.f32 v1;
	v1 =	vadd.f32 v8, v7  }
0x16a: {  	v5 =	vmax.f32 v5, $1.000000000e+00;
	(erf) = vrcp.f32 v3;
	v3 =	vadd.f32 v10, v9  }
0x16b: {  	v59 =	vadd.f32 v12, v11;
	(erf) = vrcp.f32 v5;
	v1 =	vmax.f32 v1, $1.000000000e+00  }
0x16c: {  	(erf) = vrcp.f32 v1;
	v1 =	vadd.f32 v2, v13;
	v2 =	vmax.f32 v3, $1.000000000e+00  }
0x16d: {  	v3 =	vadd.f32 v58, v57;
	(erf) = vrcp.f32 v2;
	v2 =	vmax.f32 v59, $1.000000000e+00  }
0x16e: {  	(erf) = vrcp.f32 v2;
	v1 =	vmax.f32 v1, $1.000000000e+00  }
0x16f: {  	(erf) = vrcp.f32 v1;
	v1 =	vmax.f32 v3, $1.000000000e+00;
	_ =	sdelay $0x2  }
0x170: {  	(erf) = vrcp.f32 v1;
	v1 =	vpop (erf)  }
0x171: {  	v2 =	vpop (erf);
	[tilespmem:$0x580] =	vst v1  }
0x172: {  	v62 =	vld [tilespmem:$0x3B0];
	v1 =	vpop (erf);
	[tilespmem:$0x590] =	vst v2  }
0x173: {  	v63 =	vld [tilespmem:$0x3C0];
	v2 =	vpop (erf);
	[tilespmem:$0x5A0] =	vst v1  }
0x174: {  	v1 =	vpop (erf);
	[tilespmem:$0x5B0] =	vst v2;
	v2 =	vld [tilespmem:$0x380]  }
0x175: {  	v3 =	vpop (erf);
	[tilespmem:$0x5C0] =	vst v1;
	v1 =	vld [tilespmem:$0x390]  }
0x176: {  	[tilespmem:$0x5D0] =	vst v3;
	v3 =	vld [tilespmem:$0x3A0]  }
0x177: {  	[tilespmem:$0x4B0] =	vst v62  }
0x178: {  	[tilespmem:$0x4C0] =	vst v63  }
0x179: {  	[tilespmem:$0x480] =	vst v2;
	v2 =	vld [tilespmem:$0x3D0]  }
0x17a: {  	[tilespmem:$0x490] =	vst v1;
	v1 =	vld [tilespmem:$0x3E0]  }
0x17b: {  	v60 =	vpop (erf);
	[tilespmem:$0x4A0] =	vst v3;
	v3 =	vld [tilespmem:$0x3F0]  }
0x17c: {  	[tilespmem:$0x5E0] =	vst v60;
	v61 =	vpop (erf)  }
0x17d: {  	[tilespmem:$0x5F0] =	vst v61  }
0x17e: {  	[tilespmem:$0x4D0] =	vst v2  }
0x17f: {  	[tilespmem:$0x4E0] =	vst v1  }
0x180: {  	[tilespmem:$0x4F0] =	vst v3  }
.LBB2_12:
0x181: {  	s4 =	sadd.s32 s23, s21  }
.Ltmp9:
0x182: {  	p2 =	sgt.u32 s4, $0x9C3;
	(pc) =	sbr.rel @p1 .LBB2_16-.Ltmp9, $4  }
0x183: {  	s4 =	sshll.u32 @!p2 s4, $0x6  }
0x184: {  	s6 =	simm.s32 @!p2 $0x80;
	s4 =	sand.u32 @!p2 $0x3FE00, s4  }
0x185: {  	s7 =	simm.s32 @!p2 $0x400;
	s8 =	simm.s32 @!p2 $0x200;
	s4 =	sadd.s32 @!p2 s4, s14  }
0x186: {  	[tilespmem:s8], [sflag:$0x2] =	stream.strided.gather @!p2 [hbm4b:s4+s6], $0x200, s7, s6, $0x38;
	[tilespmem:$0x1BF80] =	vst v63  }
0x187: {  	s6 =	simm.s32 $0x4800  }
0x188: {  	v3 =	vld [tilespmem:s6+$0xD0]  }
0x189: {  	v4 =	vld [tilespmem:s6+$0xF0]  }
0x18a: {  	v5 =	vld [tilespmem:s6+$0xFFFFFFF0]  }
0x18b: {  	v6 =	vld [tilespmem:s6+$0x0]  }
0x18c: {  	v7 =	vld [tilespmem:s6+$0x10]  }
0x18d: {  	v8 =	vld [tilespmem:s6+$0x20]  }
0x18e: {  	v9 =	vld [tilespmem:s6+$0x30]  }
0x18f: {  	v10 =	vld [tilespmem:s6+$0x50]  }
0x190: {  	s7 =	simm.s32 $0x3;
	v12 =	vld [tilespmem:s6+$0x80]  }
0x191: {  	v11 =	vmov s7;
	v14 =	vld [tilespmem:s6+$0x90]  }
0x192: {  	s4 =	simm.s32 $0x0;
	s24 =	simm.s32 $0x1;
	v17 =	vld [tilespmem:s6+$0xB0]  }
0x193: {  	s25 =	simm.s32 $0x2;
	v1 =	vmov s4;
	v2 =	vmov s24;
	v18 =	vld [tilespmem:s6+$0xC0]  }
0x194: {  	v13 =	vmov s25;
	v19 =	vld [tilespmem:s6+$0x40];
	v1 =	vand.u32 $0xFFFFFFFC, v1;
	v2 =	vand.u32 $0xFFFFFFFD, v2  }
0x195: {  	v21 =	vld [tilespmem:s6+$0xFFFFFFC0];
	v1 =	vbroadcast v1, $0x0;
	v15 =	vbroadcast v2, $0x0;
	v2 =	vand.u32 $0xFFFFFFFE, v13  }
0x196: {  	v16 =	vbroadcast v2, $0x0;
	v2 =	vld.idx.msk [tilespmem:v11+s18+$0x0], $0xffff  }
0x197: {  	v22 =	vld [tilespmem:s6+$0xFFFFFFB0]  }
0x198: {  	v23 =	vld [tilespmem:s6+$0xFFFFFF60]  }
0x199: {  	v24 =	vld [tilespmem:s6+$0xFFFFFF50]  }
0x19a: {  	v63 =	vld [tilespmem:s6+$0xFFFFFF30]  }
0x19b: {  	v20 =	vld.idx.msk [tilespmem:v1+s18+$0x0], $0xffff;
	v3 =	vmul.f32 v3, v2  }
0x19c: {  	v11 =	vld.idx.msk [tilespmem:v15+s18+$0x0], $0xffff;
	v18 =	vmul.f32 v18, v2  }
0x19d: {  	v1 =	vld.idx.msk [tilespmem:v16+s18+$0x0], $0xffff;
	v12 =	vmul.f32 v12, v2;
	[tilespmem:s6+$0xD0] =	vst v3  }
0x19e: {  	v25 =	vld [tilespmem:s6+$0xFFFFFF20];
	v17 =	vmul.f32 v17, v2;
	[tilespmem:s6+$0xC0] =	vst v18  }
0x19f: {  	v15 =	vld [tilespmem:s6+$0xFFFFFFE0];
	v4 =	vmul.f32 v4, v2;
	[tilespmem:s6+$0x80] =	vst v12  }
0x1a0: {  	v16 =	vld [tilespmem:s6+$0xFFFFFFD0];
	v14 =	vmul.f32 v14, v2;
	[tilespmem:s6+$0xB0] =	vst v17  }
0x1a1: {  	v13 =	vld [tilespmem:s6+$0xA0];
	[tilespmem:s6+$0xF0] =	vst v4;
	v5 =	vmul.f32 v5, v11  }
0x1a2: {  	v18 =	vld [tilespmem:s6+$0xFFFFFF90];
	[tilespmem:s6+$0x90] =	vst v14;
	v62 =	vmul.f32 v22, v11  }
0x1a3: {  	v3 =	vld [tilespmem:s6+$0xFFFFFFA0];
	v6 =	vmul.f32 v6, v1;
	[tilespmem:s6+$0xFFFFFFF0] =	vst v5  }
0x1a4: {  	v12 =	vld [tilespmem:s6+$0xFFFFFF80];
	v14 =	vmul.f32 v25, v20;
	v8 =	vmul.f32 v8, v1;
	[tilespmem:s6+$0xFFFFFFB0] =	vst v62  }
0x1a5: {  	v17 =	vld [tilespmem:s6+$0xFFFFFF70];
	v4 =	vmul.f32 v16, v11;
	v5 =	vmul.f32 v15, v11;
	[tilespmem:s6+$0x0] =	vst v6  }
0x1a6: {  	v16 =	vld [tilespmem:s6+$0xFFFFFF40];
	v9 =	vmul.f32 v9, v1;
	v6 =	vmul.f32 v7, v1;
	[tilespmem:s6+$0x20] =	vst v8  }
0x1a7: {  	v7 =	vmul.f32 v21, v11;
	[tilespmem:s6+$0xFFFFFFE0] =	vst v5;
	v5 =	vmul.f32 v18, v11;
	v18 =	vld [tilespmem:s6+$0xFFFFFF10]  }
0x1a8: {  	[tilespmem:s6+$0x10] =	vst v6;
	v6 =	vmul.f32 v3, v11;
	v3 =	vmul.f32 v19, v1;
	v19 =	vld [tilespmem:s6+$0xFFFFFF00]  }
0x1a9: {  	v8 =	vmul.f32 v10, v1;
	[tilespmem:s6+$0x30] =	vst v9;
	v10 =	vmul.f32 v23, v20  }
0x1aa: {  	[tilespmem:s6+$0xFFFFFFC0] =	vst v7;
	v7 =	vmul.f32 v12, v11;
	v12 =	vmul.f32 v13, v2  }
0x1ab: {  	v15 =	vld [tilespmem:s6+$0x60];
	[tilespmem:s6+$0xFFFFFFD0] =	vst v4;
	v9 =	vmul.f32 v17, v20;
	v13 =	vmul.f32 v24, v20  }
0x1ac: {  	v17 =	vld [tilespmem:s6+$0xE0];
	v11 =	vmul.f32 v16, v20;
	[tilespmem:s6+$0xA0] =	vst v12;
	v12 =	vmul.f32 v63, v20  }
0x1ad: {  	s9 =	simm.s32 $0x4;
	s7 =	simm.s32 $0x4A00;
	[tilespmem:s6+$0x50] =	vst v8;
	v16 =	vld [tilespmem:s6+$0x70];
	v8 =	vmul.f32 v18, v20;
	v4 =	vmul.f32 v19, v20  }
.LBB2_14:
0x1ae: {  	s4 =	sadd.s32 $0x1, s9  }
0x1af: {  	v18 =	vmov s9;
	s10 =	sadd.s32 $0x3, s9;
	v19 =	vld [tilespmem:s7+$0xD0];
	[tilespmem:s6+$0xFFFFFFA0] =	vst v6;
	s11 =	smov.u32 s9;
	s8 =	sadd.s32 $0x4, s9  }
0x1b0: {  	p1 =	sne.s32 s9, $0x7C;
	v6 =	vand.u32 $0xFFFFFFFC, v18;
	v18 =	vmov s4;
	s4 =	sadd.s32 $0x2, s11;
	v20 =	vmov s10;
	v21 =	vld [tilespmem:s7+$0xF0];
	[tilespmem:s6+$0xFFFFFF90] =	vst v5  }
0x1b1: {  	v5 =	vbroadcast v6, $0x0;
	v6 =	vand.u32 $0xFFFFFFFD, v18;
	v18 =	vmov s4;
	v22 =	vld [tilespmem:s7+$0xFFFFFFF0];
	[tilespmem:s6+$0xFFFFFF80] =	vst v7  }
0x1b2: {  	v6 =	vbroadcast v6, $0x0;
	v7 =	vand.u32 $0xFFFFFFFE, v18;
	v18 =	vld [tilespmem:s7+$0x0];
	[tilespmem:s6+$0xFFFFFF70] =	vst v9;
	v2 =	vmul.f32 v17, v2  }
0x1b3: {  	v7 =	vbroadcast v7, $0x0;
	v9 =	vld [tilespmem:s7+$0x10];
	[tilespmem:s6+$0xFFFFFF60] =	vst v10;
	v10 =	vmul.f32 v16, v1  }
0x1b4: {  	v1 =	vmul.f32 v15, v1;
	v16 =	vld [tilespmem:s7+$0x20];
	[tilespmem:s6+$0xFFFFFF50] =	vst v13  }
0x1b5: {  	v13 =	vld [tilespmem:s7+$0x30];
	[tilespmem:s6+$0xFFFFFF40] =	vst v11  }
0x1b6: {  	v11 =	vld [tilespmem:s7+$0x50];
	[tilespmem:s6+$0xFFFFFF30] =	vst v12  }
0x1b7: {  	[tilespmem:s6+$0xFFFFFF20] =	vst v14  }
0x1b8: {  	v12 =	vld [tilespmem:s7+$0x80];
	[tilespmem:s6+$0xE0] =	vst v2  }
0x1b9: {  	v14 =	vld [tilespmem:s7+$0x90];
	[tilespmem:s6+$0xFFFFFF10] =	vst v8  }
0x1ba: {  	v8 =	vld [tilespmem:s7+$0xA0];
	[tilespmem:s6+$0x60] =	vst v1  }
0x1bb: {  	v15 =	vld [tilespmem:s7+$0xB0];
	[tilespmem:s6+$0x70] =	vst v10  }
0x1bc: {  	v10 =	vld [tilespmem:s7+$0xC0];
	[tilespmem:s6+$0x40] =	vst v3  }
0x1bd: {  	v3 =	vld [tilespmem:s7+$0x40];
	[tilespmem:s6+$0xFFFFFF00] =	vst v4;
	s6 =	smov.u32 s7  }
0x1be: {  	v2 =	vld.idx.msk [tilespmem:v20+s18+$0x0], $0xffff  }
0x1bf: {  	v4 =	vld.idx.msk [tilespmem:v5+s18+$0x0], $0xffff  }
0x1c0: {  	v17 =	vld.idx.msk [tilespmem:v6+s18+$0x0], $0xffff  }
0x1c1: {  	v1 =	vld.idx.msk [tilespmem:v7+s18+$0x0], $0xffff  }
0x1c2: {  	v5 =	vld [tilespmem:s7+$0xFFFFFFE0]  }
0x1c3: {  	v6 =	vld [tilespmem:s7+$0xFFFFFFD0]  }
0x1c4: {  	v19 =	vmul.f32 v19, v2;
	v20 =	vmul.f32 v21, v2;
	v7 =	vld [tilespmem:s7+$0xFFFFFFC0]  }
0x1c5: {  	v12 =	vmul.f32 v12, v2;
	v10 =	vmul.f32 v10, v2;
	v21 =	vld [tilespmem:s7+$0xFFFFFFB0]  }
0x1c6: {  	v15 =	vmul.f32 v15, v2;
	v22 =	vmul.f32 v22, v17;
	v23 =	vld [tilespmem:s7+$0xFFFFFFA0];
	[tilespmem:s7+$0xD0] =	vst v19  }
0x1c7: {  	v19 =	vld [tilespmem:s7+$0xFFFFFF90];
	v24 =	vmul.f32 v5, v17;
	v5 =	vmul.f32 v18, v1;
	[tilespmem:s7+$0xC0] =	vst v10  }
0x1c8: {  	v25 =	vmul.f32 v9, v1;
	v10 =	vld [tilespmem:s7+$0xFFFFFF80];
	v18 =	vmul.f32 v6, v17;
	[tilespmem:s7+$0x80] =	vst v12  }
0x1c9: {  	v16 =	vmul.f32 v16, v1;
	v9 =	vld [tilespmem:s7+$0xFFFFFF70];
	v12 =	vmul.f32 v7, v17;
	[tilespmem:s7+$0xB0] =	vst v15  }
0x1ca: {  	v15 =	vld [tilespmem:s7+$0xFFFFFF60];
	v21 =	vmul.f32 v21, v17;
	[tilespmem:s7+$0xFFFFFFF0] =	vst v22;
	v22 =	vmul.f32 v13, v1  }
0x1cb: {  	v3 =	vmul.f32 v3, v1;
	v13 =	vld [tilespmem:s7+$0xFFFFFF50];
	v6 =	vmul.f32 v23, v17;
	[tilespmem:s7+$0x0] =	vst v5  }
0x1cc: {  	v23 =	vld [tilespmem:s7+$0xFFFFFF40];
	v5 =	vmul.f32 v19, v17;
	v19 =	vmul.f32 v11, v1;
	[tilespmem:s7+$0xF0] =	vst v20  }
0x1cd: {  	v20 =	vld [tilespmem:s7+$0xFFFFFF30];
	v7 =	vmul.f32 v10, v17;
	[tilespmem:s7+$0xFFFFFFE0] =	vst v24;
	v17 =	vmul.f32 v14, v2  }
0x1ce: {  	v24 =	vmul.f32 v8, v2;
	v14 =	vld [tilespmem:s7+$0xFFFFFF20];
	v9 =	vmul.f32 v9, v4;
	[tilespmem:s7+$0x10] =	vst v25  }
0x1cf: {  	v8 =	vld [tilespmem:s7+$0xFFFFFF10];
	v10 =	vmul.f32 v15, v4;
	[tilespmem:s7+$0xFFFFFFC0] =	vst v12  }
0x1d0: {  	v25 =	vld [tilespmem:s7+$0xFFFFFF00];
	v13 =	vmul.f32 v13, v4;
	[tilespmem:s7+$0xFFFFFFD0] =	vst v18  }
0x1d1: {  	v11 =	vmul.f32 v23, v4;
	[tilespmem:s7+$0x20] =	vst v16  }
.Ltmp10:
0x1d2: {  	v12 =	vmul.f32 v20, v4;
	[tilespmem:s7+$0xFFFFFFB0] =	vst v21;
	(pc) =	sbr.rel @p1 .LBB2_14-.Ltmp10, $4  }
0x1d3: {  	v14 =	vmul.f32 v14, v4;
	[tilespmem:s7+$0x30] =	vst v22  }
0x1d4: {  	v8 =	vmul.f32 v8, v4;
	v15 =	vld [tilespmem:s7+$0x60];
	[tilespmem:s7+$0x90] =	vst v17  }
0x1d5: {  	v4 =	vmul.f32 v25, v4;
	[tilespmem:s7+$0xA0] =	vst v24;
	v17 =	vld [tilespmem:s7+$0xE0]  }
0x1d6: {  	s9 =	smov.u32 s8;
	s7 =	sadd.s32 $0x200, s7;
	[tilespmem:s6+$0x50] =	vst v19;
	v16 =	vld [tilespmem:s6+$0x70]  }
0x1d7: {  	[tilespmem:s6+$0xFFFFFFA0] =	vst v6  }
0x1d8: {  	[tilespmem:s6+$0xFFFFFF90] =	vst v5  }
0x1d9: {  	[tilespmem:s6+$0xFFFFFF80] =	vst v7  }
0x1da: {  	[tilespmem:s6+$0xFFFFFF70] =	vst v9  }
0x1db: {  	[tilespmem:s6+$0xFFFFFF60] =	vst v10  }
0x1dc: {  	[tilespmem:s6+$0xFFFFFF50] =	vst v13  }
0x1dd: {  	[tilespmem:s6+$0xFFFFFF40] =	vst v11  }
0x1de: {  	[tilespmem:s6+$0xFFFFFF30] =	vst v12  }
0x1df: {  	[tilespmem:s6+$0xFFFFFF20] =	vst v14  }
0x1e0: {  	[tilespmem:s6+$0xFFFFFF10] =	vst v8  }
0x1e1: {  	[tilespmem:s6+$0x40] =	vst v3;
	v63 =	vmul.f32 v15, v1  }
.Ltmp11:
0x1e2: {  	[tilespmem:s6+$0xFFFFFF00] =	vst v4;
	v2 =	vmul.f32 v17, v2;
	(pc) =	sbr.rel .LBB2_16-.Ltmp11, $4  }
0x1e3: {  	v1 =	vmul.f32 v16, v1;
	[tilespmem:s6+$0x60] =	vst v63  }
0x1e4: {  	[tilespmem:s6+$0xE0] =	vst v2  }
0x1e5: {  	[tilespmem:s6+$0x70] =	vst v1  }
0x1e6: {  	[spmem:s2] =	stream.indirect.scatter.add.f32 [tilespmem:s20], [sflag:$0x8], $0x80, s19, s29, $0xb8;
	[tilespmem:$0x1BF80] =	vst v63  }
.LBB2_18:
0x1e7: {  	_ =	sfence.sel $0x180000  }
0x1e8: {  	[bflag:$0x0] =	sbarrier.arrive $0xFFFF  }
0x1e9: {  	_ =	strace $0x9000004A  }
0x1ea: {  	s0 =	stileid.u32;
	[bflag:$0x2] =	sbarrier.arrive $0xFFFF  }
0x1eb: {  	p0 =	sne.s32 s0, $0x0;
	s0 =	rddreg [dreg:$0x3]  }
0x1ec: {  	s0 =	sadd.s32 @!p0 $0x100000, s0  }
0x1ed: {  	[sflag:s0] =	ssyncadd.tile.s32 @!p0 $0x1;
	_ =	shalt  }
.Lfunc_end2:
_tile_overlayer_lowered:
.L_overlay_start_2:
0x1ee: {  	(tag) =	ssettag $0x2  }
0x1ef: {  	s0 =	rddreg [dreg:$0x0];
	s2 =	stileid.u32  }
0x1f0: {  	s1 =	rddreg [dreg:$0x1];
	p0 =	sne.s32 s2, $0x0  }
0x1f1: {  	s3 =	rddreg [dreg:$0x2];
	[bflag:$0x3] =	sbarrier.arrive $0xFFFF;
	s2 =	simm.s32 @!p0 $0x1C09  }
0x1f2: {  	[timem:s3], [sflag:s2] =	dma.local @!p0 [hbm:s0], s1  }
0x1f3: {  	s0 =	simm.s32 @!p0 $0x9  }
0x1f4: {  	_ =	swait.ge @!p0 [sflag:s0], s1  }
0x1f5: {  	s1 =	ssub.s32 @!p0 $0x0, s1;
	[sflag:s0] =	ssyncset.done @!p0 $0x0  }
0x1f6: {  	[sflag:s0] =	ssyncadd.s32 @!p0 s1  }
0x1f7: {  	[bflag:$0x3] =	sbarrier.arrive $0xFFFF  }
0x1f8: {  	_ =	shalt  }

// kernel: kernel.7.cloned.1.call-start
scs
__scs_entry_jumppad:
0x0: {  	(pc) =	sbr.rel $0x88, $3  }
0x1: {  	(tag) =	ssettag $0x0;
	lr =	simm.s32 $0x1  }
0x2: {  	[smem:$0x3F99] =	sst lr;
	_ =	strace $0xD0000000  }
0x3: {  	_ = 	snop  }
0x4: {  	_ = 	snop  }
0x5: {  	_ = 	snop  }
0x6: {  	_ = 	snop  }
0x7: {  	_ = 	snop  }
__scs_overlays_trampoline_lowered:
0x8: {  	[smem:$0x3FA8] =	sst s0  }
0x9: {  	[smem:$0x3FA9] =	sst s1  }
0xa: {  	[smem:$0x3FAA] =	sst s2  }
0xb: {  	[smem:$0x3FAB] =	sst s3  }
0xc: {  	[smem:$0x3FAC] =	sst s4  }
0xd: {  	[smem:$0x3FAD] =	sst s5  }
0xe: {  	[smem:$0x3FAE] =	sst s6  }
0xf: {  	[smem:$0x3FAF] =	sst s7  }
0x10: {  	[smem:$0x3FB0] =	sst s8  }
0x11: {  	[smem:$0x3FB1] =	sst s9;
	s0 =	simm.s32 @!p0 $0x0  }
0x12: {  	s1 =	sld [smem:$0x3F97];
	s0 =	simm.s32 @p0 $0x1  }
0x13: {  	[smem:$0x3FB2] =	sst s0;
	s0 =	simm.s32 @!p1 $0x0  }
0x14: {  	s2 =	sld [smem:$0x3F96];
	s0 =	simm.s32 @p1 $0x1  }
0x15: {  	[smem:$0x3FB3] =	sst s0;
	s0 =	simm.s32 @!p2 $0x0  }
0x16: {  	s3 =	sld [smem:$0x3FDB];
	s0 =	simm.s32 @p2 $0x1  }
0x17: {  	s4 =	simm.s32 $0x1BF5;
	[smem:$0x3FB5] =	sst s0  }
0x18: {  	s0 =	sld [smem:$0x3F98];
	_ =	swait.ge [sflag:s4], $0x0  }
0x19: {  	s7 =	sld [smem:$0x3F99]  }
0x1a: {  	s8 =	sadd.s32 $0xFFFFE003, lr  }
0x1b: {  	s9 =	sadd.s32 $0xFFFFFEF7, lr;
	s5 =	simm.s32 $0xFFFFFFFF;
	p2 =	slt.u32 s8, $0xFFFFF086  }
0x1c: {  	p1 =	slt.u32 s9, $0xF7A;
	s5 =	simm.s32 @!p2 $0x0  }
0x1d: {  	s5 =	simm.s32 @p1 $0x1;
	p0 =	seq.s32 s7, s2  }
0x1e: {  	s7 =	smul.u32 @!p0 $0xF7A, s2;
	p2 =	seq.s32 @!p0 s5, $0x0  }
0x1f: {  	s9 =	smul.u32 $0xF7A, s1;
	s8 =	simm.s32 @!p0 $0x1BF5;
	p2 =	por !p2, p0  }
0x20: {  	[sflag:s8] =	ssyncset.s32 @!p0 $0xFFFFF086;
	s6 =	sadd.s32 @!p0 s3, s7;
	s7 =	simm.s32 @!p0 $0x108  }
0x21: {  	s3 =	sadd.s32 s3, s9;
	s6 =	sadd.s32 @!p0 $0x88, s6;
	s7 =	simm.s32 @p2 $0x1082  }
0x22: {  	[simem:s7], [sflag:s8] =	dma.local @!p0 [hbm:s6], $0xF7A  }
0x23: {  	s9 =	sor.u32 $0xD0000000, s2;
	s6 =	simm.s32 $0x108;
	_ =	swait.ge @!p0 [sflag:s8], $0x0  }
0x24: {  	s3 =	sadd.s32 $0x88, s3;
	s6 =	simm.s32 @!p1 $0x1082;
	[sflag:s4] =	ssyncset.s32 $0xFFFFF086  }
0x25: {  	[simem:s6], [sflag:s4] =	dma.local [hbm:s3], $0xF7A  }
0x26: {  	[smem:$0x3F99] =	sst s1;
	(tag) =	ssettag s2;
	_ =	strace s9  }
0x27: {  	s1 =	sld [smem:$0x3FA9]  }
0x28: {  	s2 =	sld [smem:$0x3FAA]  }
0x29: {  	s4 =	sld [smem:$0x3FAC]  }
0x2a: {  	p0 =	seq.s32 s5, $0x0;
	s5 =	sld [smem:$0x3FAD]  }
0x2b: {  	s6 =	sld [smem:$0x3FAE]  }
0x2c: {  	s7 =	sld [smem:$0x3FAF]  }
0x2d: {  	s3 =	simm.s32 $0x108;
	s8 =	sld [smem:$0x3FB0]  }
0x2e: {  	s3 =	simm.s32 @!p0 $0x1082;
	s9 =	sld [smem:$0x3FB1]  }
0x2f: {  	lr =	sadd.s32 s0, s3;
	s0 =	sld [smem:$0x3FA8]  }
0x30: {  	s3 =	sld [smem:$0x3FAB]  }
0x31: {  	[smem:$0x3FB4] =	sst s10  }
0x32: {  	s10 =	sld [smem:$0x3FB2];
	_ =	sdelay $0x3  }
0x33: {  	p0 =	seq.s32 s10, $0x1;
	s10 =	sld [smem:$0x3FB4];
	_ =	sdelay $0x3  }
0x34: {  	[smem:$0x3FB4] =	sst s10  }
0x35: {  	s10 =	sld [smem:$0x3FB3];
	_ =	sdelay $0x3  }
0x36: {  	p1 =	seq.s32 s10, $0x1;
	s10 =	sld [smem:$0x3FB4];
	_ =	sdelay $0x3  }
0x37: {  	[smem:$0x3FB4] =	sst s10  }
0x38: {  	s10 =	sld [smem:$0x3FB5]  }
0x39: {  	_ = 	snop;
	(pc) =	sbr.ind lr, $3  }
0x3a: {  	_ = 	snop  }
0x3b: {  	_ = 	snop  }
0x3c: {  	p2 =	seq.s32 s10, $0x1;
	s10 =	sld [smem:$0x3FB4]  }
0x3d: {  	_ =	shalt  }
0x3e: {  	_ =	shalt  }
0x3f: {  	_ =	shalt  }
0x40: {  	_ =	shalt  }
0x41: {  	_ =	shalt  }
0x42: {  	_ =	shalt  }
0x43: {  	_ =	shalt  }
0x44: {  	_ =	shalt  }
0x45: {  	_ =	shalt  }
0x46: {  	_ =	shalt  }
0x47: {  	_ =	shalt  }
0x48: {  	_ =	shalt  }
0x49: {  	_ =	shalt  }
0x4a: {  	_ =	shalt  }
0x4b: {  	_ =	shalt  }
0x4c: {  	_ =	shalt  }
0x4d: {  	_ =	shalt  }
0x4e: {  	_ =	shalt  }
0x4f: {  	_ =	shalt  }
0x50: {  	_ =	shalt  }
0x51: {  	_ =	shalt  }
0x52: {  	_ =	shalt  }
0x53: {  	_ =	shalt  }
0x54: {  	_ =	shalt  }
0x55: {  	_ =	shalt  }
0x56: {  	_ =	shalt  }
0x57: {  	_ =	shalt  }
0x58: {  	_ =	shalt  }
0x59: {  	_ =	shalt  }
0x5a: {  	_ =	shalt  }
0x5b: {  	_ =	shalt  }
0x5c: {  	_ =	shalt  }
0x5d: {  	_ =	shalt  }
0x5e: {  	_ =	shalt  }
0x5f: {  	_ =	shalt  }
0x60: {  	_ =	shalt  }
0x61: {  	_ =	shalt  }
0x62: {  	_ =	shalt  }
0x63: {  	_ =	shalt  }
0x64: {  	_ =	shalt  }
0x65: {  	_ =	shalt  }
0x66: {  	_ =	shalt  }
0x67: {  	_ =	shalt  }
0x68: {  	_ =	shalt  }
0x69: {  	_ =	shalt  }
0x6a: {  	_ =	shalt  }
0x6b: {  	_ =	shalt  }
0x6c: {  	_ =	shalt  }
0x6d: {  	_ =	shalt  }
0x6e: {  	_ =	shalt  }
0x6f: {  	_ =	shalt  }
0x70: {  	_ =	shalt  }
0x71: {  	_ =	shalt  }
0x72: {  	_ =	shalt  }
0x73: {  	_ =	shalt  }
0x74: {  	_ =	shalt  }
0x75: {  	_ =	shalt  }
0x76: {  	_ =	shalt  }
0x77: {  	_ =	shalt  }
0x78: {  	_ =	shalt  }
0x79: {  	_ =	shalt  }
0x7a: {  	_ =	shalt  }
0x7b: {  	_ =	shalt  }
0x7c: {  	_ =	shalt  }
0x7d: {  	_ =	shalt  }
0x7e: {  	_ =	shalt  }
0x7f: {  	_ =	shalt  }
0x80: {  	_ =	shalt  }
0x81: {  	_ =	shalt  }
0x82: {  	_ =	shalt  }
0x83: {  	_ =	shalt  }
0x84: {  	_ =	shalt  }
0x85: {  	_ =	shalt  }
0x86: {  	_ =	shalt  }
0x87: {  	_ =	shalt  }
.Lfunc_end0:
.L_simem_size_0:
called_computation_lowered:
.L_overlay_start_0:
0x88: {  	s2 =	sld [smem:$0x3FD9]  }
0x89: {  	s3 =	sld [smem:$0x3FFE];
	_ =	sdelay $0x1  }
0x8a: {  	s1 =	srdreg.scid  }
0x8b: {  	s0 =	sand.u32 $0x1, s1  }
0x8c: {  	s18 =	sshll.u32 s0, $0xA;
	s2 =	sadd.s32 s3, s2  }
0x8d: {  	s2 =	sadd.s32 s2, s18  }
0x8e: {  	[smem:$0x3FC0] =	sst s2  }
0x8f: {  	_ = 	snop  }
0x90: {  	s2 =	sld [smem:$0x3FC7]  }
0x91: {  	s19 =	sld [smem:$0x3FC6]  }
0x92: {  	s4 =	sld [smem:$0x3FD0];
	(tm) =	ssettm $0x1  }
0x93: {  	s5 =	sld [smem:$0x3FFB];
	_ =	sdelay $0x3  }
0x94: {  	_ =	strace s5  }
0x95: {  	s5 =	sld [smem:$0x3FFC];
	_ =	sdelay $0x3  }
0x96: {  	_ =	strace s5  }
0x97: {  	s5 =	sld [smem:$0x3FFD];
	_ =	sdelay $0x3  }
0x98: {  	_ =	strace s5  }
0x99: {  	_ =	strace $0x8FFFFFFF  }
0x9a: {  	s20 =	sld [smem:$0x3FDB];
	_ =	sdelay $0x1  }
0x9b: {  	s6 =	simm.s32 $_scs_section_size  }
0x9c: {  	s7 =	simm.s32 $_size__tile_overlayer_lowered;
	s8 =	simm.s32 $_tile_overlayer_lowered  }
0x9d: {  	s23 =	simm.s32 $0x1BFF;
	s22 =	sshll.u32 s8, $0x1;
	s5 =	sadd.s32 s6, s20  }
0x9e: {  	s9 =	simm.s32 $0x0;
	s21 =	sshll.u32 s7, $0x1;
	s7 =	sadd.s32 s22, s5  }
0x9f: {  	[timem:s9], [sflag:s23] =	dma.local [hbm:s7], s21  }
0xa0: {  	_ =	swait.ge [sflag:s23], s21  }
0xa1: {  	s6 =	ssub.s32 $0x0, s21;
	[sflag:s23] =	ssyncset.done $0x0  }
0xa2: {  	[sflag:s23] =	ssyncadd.s32 s6;
	_ =	sdelay $0x1  }
0xa3: {  	s24 =	simm.s32 $0x1B8B  }
0xa4: {  	_ =	swait.ge [sflag:s24], $0x1  }
0xa5: {  	[sflag:s24] =	ssyncset.done $0x0  }
0xa6: {  	s25 =	simm.s32 $0x1B8E;
	[sflag:s24] =	ssyncadd.s32 $0xFFFFFFFF  }
0xa7: {  	s26 =	simm.s32 $execute0_lowered;
	[smem:$0x3FD2] =	sst s25  }
0xa8: {  	s6 =	sshll.u32 s26, $0x1;
	_ =	strace $0x80000046;
	[dreg:$0x1] =	wrdreg $0xFFFFFFFF  }
0xa9: {  	s28 =	simm.s32 $_size_execute0_lowered;
	s5 =	sadd.s32 s5, s6;
	[dreg:$0x0] =	wrdreg $0x0  }
0xaa: {  	s6 =	sshll.u32 s28, $0x1;
	[dreg:$0x2] =	wrdreg s5  }
0xab: {  	[dreg:$0x3] =	wrdreg s6  }
0xac: {  	[dreg:$0x4] =	wrdreg $0xC0  }
0xad: {  	_ =	task [dreg:s9], $0x5FFFF  }
0xae: {  	[dreg:$0x1] =	wrdreg $0xFFFFFFFF  }
0xaf: {  	[dreg:$0x0] =	wrdreg $0x60  }
0xb0: {  	[dreg:$0x2] =	wrdreg s2  }
0xb1: {  	[dreg:$0x3] =	wrdreg s19  }
0xb2: {  	[dreg:$0x4] =	wrdreg s4  }
0xb3: {  	[dreg:$0x5] =	wrdreg $0x14000  }
0xb4: {  	[dreg:$0x6] =	wrdreg $0x9  }
0xb5: {  	_ =	task.clear_ibuf [dreg:s9], $0x7FFFF;
	_ =	strace $0x90000046  }
0xb6: {  	s29 =	simm.s32 $0x9;
	_ =	strace $0x80000048  }
0xb7: {  	_ =	swait.ge [sflag:s29], $0x1  }
0xb8: {  	[sflag:s29] =	ssyncadd.s32 $0xFFFFFFFF  }
0xb9: {  	_ =	strace $0x90000048  }
0xba: {  	_ =	sfence  }
0xbb: {  	s30 =	sld [smem:$0x0];
	_ =	sdelay $0x2  }
0xbc: {  	s31 =	sshll.u32 s1, $0xD;
	s1 =	sshrl.u32 s1, $0x2  }
0xbd: {  	s3 =	sand.u32 $0x4000, s31;
	s1 =	sadd.s32 s1, s30  }
0xbe: {  	s0 =	sor.u32 s3, s0;
	s1 =	sshll.u32 s1, $0x11  }
0xbf: {  	s0 =	sor.u32 s1, s0  }
0xc0: {  	s0 =	sadd.s32 $0x8F2B, s0  }
0xc1: {  	[sflag:s0] =	ssyncadd.remote.s32 $0x1  }
0xc2: {  	_ =	sfence.sel $0xFFFF  }
0xc3: {  	[dreg:$0x0] =	wrdreg $0xFFFFFFFF;
	(pc) =	sbr.abs _section_cstart, $3  }
0xc4: {  	[dreg:$0x1] =	wrdreg $0xFFFFFFFF  }
0xc5: {  	_ =	task.clear_ibuf [dreg:s9], $0x2FFFF;
	_ =	strace $0x9FFFFFFF  }
0xc6: {  	(tm) =	ssettm $0x7FFFFFFF  }
0xc7: {  	_ =	shalt  }
tec
execute0_lowered:
.L_overlay_start_1:
0x0: {  	(tag) =	ssettag $0x1  }
0x1: {  	s11 =	rddreg [dreg:$0x0]  }
0x2: {  	s12 =	rddreg [dreg:$0x1]  }
0x3: {  	s10 =	rddreg [dreg:$0x2]  }
0x4: {  	s2 =	rddreg [dreg:$0x3]  }
0x5: {  	s0 =	rddreg [dreg:$0x4];
	s4 =	srdreg.scid  }
0x6: {  	s3 =	simm.s32 $0x0;
	s1 =	stileid.u32;
	s18 =	simm.s32 $0x180  }
0x7: {  	s19 =	simm.s32 $0x3;
	s20 =	simm.s32 $0x4;
	s21 =	simm.s32 $0x0  }
0x8: {  	s13 =	sand.u32 $0x1, s4;
	[smem:$0x7FF] =	sst s3;
	s8 =	smul.u32 $0x1120, s1  }
0x9: {  	s6 =	sshll.u32 s1, $0x1;
	s9 =	sadd.s32 $0x10, s11;
	s28 =	sshll.u32 s1, $0x5  }
0xa: {  	s30 =	sshll.u32 s1, $0x6;
	s4 =	ssub.s32 $0x2, s13;
	_ =	strace $0x80000047  }
0xb: {  	s15 =	smul.u32 $0x11200, s13;
	s29 =	sshll.u32 s13, $0x4;
	s5 =	sshrl.u32 s4, $0x1  }
0xc: {  	s31 =	sadd.s32 s30, s11;
	s14 =	ssub.s32 s4, s5;
	s4 =	sor.u32 s13, s6  }
0xd: {  	s5 =	sadd.s32 s8, s2;
	s15 =	sadd.s32 s8, s15;
	s13 =	sshll.u32 s13, $0x5  }
0xe: {  	s6 =	sshll.u32 s4, $0x5;
	s7 =	sshll.u32 s4, $0x4;
	s16 =	sor.u32 $0x20, s4  }
0xf: {  	s15 =	sshrl.u32 s15, $0x3;
	s11 =	smax.u32 s14, $0x1;
	s13 =	sadd.s32 s13, s31  }
0x10: {  	s14 =	simm.s32 $0x280;
	s6 =	sadd.s32 s6, s9;
	s7 =	sadd.s32 s12, s7  }
0x11: {  	s17 =	sshll.u32 s16, $0x5;
	s26 =	sshll.u32 s16, $0x4;
	s10 =	sadd.s32 s10, s15  }
0x12: {  	s8 =	sadd.s32 s17, s9;
	s9 =	sadd.s32 s12, s26;
	s12 =	sadd.s32 s28, s12  }
0x13: {  	s13 =	sadd.s32 $0xC10, s13;
	s15 =	simm.s32 $0x5;
	s12 =	sadd.s32 s29, s12  }
0x14: {  	v0 =	vimm.f32 $1.000000000e+00;
	v1 =	vimm.f32 $0.0e+00;
	s16 =	simm.s32 $0x100;
	s17 =	simm.s32 $0x80;
	s12 =	sadd.s32 $0x600, s12  }
.LBB2_1:
0x15: {  	[tilespmem:$0x200] =	vst v0  }
0x16: {  	[tilespmem:$0x210] =	vst v0  }
0x17: {  	[tilespmem:$0x220] =	vst v0  }
0x18: {  	[tilespmem:$0x230] =	vst v0  }
0x19: {  	[tilespmem:$0x240] =	vst v0  }
0x1a: {  	[tilespmem:$0x250] =	vst v0  }
0x1b: {  	[tilespmem:$0x260] =	vst v0  }
0x1c: {  	[tilespmem:$0x270] =	vst v0;
	s22 =	simm.s32 $0x40;
	s23 =	simm.s32 $0x0  }
.LBB2_2:
0x1d: {  	p0 =	sne.s32 s22, $0x4440;
	[tilespmem:s23+$0x280] =	vst v1;
	s23 =	smov.u32 s22;
	s22 =	sadd.s32 $0x40, s22  }
.Ltmp0:
0x1e: {  	(pc) =	sbr.rel @p0 .LBB2_2-.Ltmp0, $2  }
0x1f: {  	_ =	sdelay $0x2  }
0x20: {  	s23 =	sshra.s32 s23, $0x2  }
0x21: {  	[tilespmem:s23+$0x280] =	vst v1  }
0x22: {  	[spmem:s5] =	stream.linear.scatter [tilespmem:s14], [sflag:$0x5], $0x1120, $0x38;
	[tilespmem:$0x2520] =	vst v63  }
0x23: {  	_ =	swait.ge [sflag:s15], $0x1120  }
0x24: {  	[sflag:s15] =	ssyncset.done $0x0  }
0x25: {  	[sflag:s15] =	ssyncadd.s32 $0xFFFFEEE0  }
0x26: {  	s22 =	simm.s32 $0x0;
	[bflag:$0x0] =	sbarrier.arrive $0xFFFF  }
0x27: {  	[tilespmem:s22], [sflag:$0x1] =	stream.linear.gather [hbm4b:s6+s22], $0x80, $0x38;
	[tilespmem:$0x2520] =	vst v63  }
0x28: {  	_ = 	snop  }
0x29: {  	[tilespmem:s16], [sflag:$0x1] =	stream.linear.gather [hbm4b:s7+s22], $0x80, $0x38;
	[tilespmem:$0x2520] =	vst v63  }
0x2a: {  	_ = 	snop  }
0x2b: {  	[tilespmem:s17], [sflag:$0x2] =	stream.linear.gather [hbm4b:s8+s22], $0x80, $0x38;
	[tilespmem:$0x2520] =	vst v63  }
0x2c: {  	_ = 	snop  }
0x2d: {  	[tilespmem:s18], [sflag:$0x2] =	stream.linear.gather [hbm4b:s9+s22], $0x80, $0x38;
	[tilespmem:$0x2520] =	vst v63  }
0x2e: {  	s22 =	sadd.s32 $0x0, s4  }
0x2f: {  	p0 =	sgt.u32 s22, $0x9C3  }
0x30: {  	s23 =	simm.s32 @!p0 $0x1  }
0x31: {  	_ =	swait.ge @!p0 [sflag:s23], $0x80  }
0x32: {  	[sflag:s23] =	ssyncset.done @!p0 $0x0  }
0x33: {  	[sflag:s23] =	ssyncadd.s32 @!p0 $0xFFFFFF80  }
0x34: {  	_ =	swait.ge @!p0 [sflag:s23], $0x80  }
0x35: {  	[sflag:s23] =	ssyncset.done @!p0 $0x0  }
0x36: {  	[sflag:s23] =	ssyncadd.s32 @!p0 $0xFFFFFF80  }
0x37: {  	v2 =	vld @!p0 [tilespmem:$0x60]  }
0x38: {  	v3 =	vld @!p0 [tilespmem:$0x50]  }
0x39: {  	v4 =	vld @!p0 [tilespmem:$0x40]  }
0x3a: {  	v6 =	vld @!p0 [tilespmem:$0x20]  }
0x3b: {  	v7 =	vld @!p0 [tilespmem:$0x30]  }
0x3c: {  	v8 =	vld @!p0 [tilespmem:$0x130]  }
0x3d: {  	v9 =	vld @!p0 [tilespmem:$0x150]  }
0x3e: {  	v10 =	vld @!p0 [tilespmem:$0x120]  }
0x3f: {  	v11 =	vld @!p0 [tilespmem:$0x140]  }
0x40: {  	v13 =	vld @!p0 [tilespmem:$0x110]  }
0x41: {  	v12 =	vld @!p0 [tilespmem:$0x160]  }
0x42: {  	v5 =	vld @!p0 [tilespmem:$0x10];
	v8 =	vmul.u32 @!p0 $0x2710, v8  }
0x43: {  	v14 =	vld @!p0 [tilespmem:$0x170];
	v9 =	vmul.u32 @!p0 $0x2710, v9;
	v10 =	vmul.u32 @!p0 $0x2710, v10  }
0x44: {  	v15 =	vld @!p0 [tilespmem:$0x100];
	v7 =	vadd.s32 @!p0 v7, v8  }
0x45: {  	v3 =	vadd.s32 @!p0 v3, v9;
	v8 =	vld @!p0 [tilespmem:$0x70];
	v6 =	vadd.s32 @!p0 v6, v10;
	v10 =	vmul.u32 @!p0 $0x2710, v13;
	[tilespmem:$0x30] =	vst @!p0 v7  }
0x46: {  	v9 =	vld @!p0 [tilespmem:$0x0];
	v7 =	vmul.u32 @!p0 $0x2710, v11;
	[tilespmem:$0x50] =	vst @!p0 v3;
	v3 =	vmul.u32 @!p0 $0x2710, v12  }
0x47: {  	[tilespmem:$0x20] =	vst @!p0 v6;
	v5 =	vadd.s32 @!p0 v5, v10  }
0x48: {  	v4 =	vadd.s32 @!p0 v4, v7;
	v2 =	vadd.s32 @!p0 v2, v3;
	v3 =	vmul.u32 @!p0 $0x2710, v14;
	[tilespmem:$0x10] =	vst @!p0 v5  }
0x49: {  	[tilespmem:$0x40] =	vst @!p0 v4;
	v4 =	vmul.u32 @!p0 $0x2710, v15  }
0x4a: {  	[tilespmem:$0x60] =	vst @!p0 v2;
	v2 =	vadd.s32 @!p0 v8, v3  }
0x4b: {  	p1 =	sgt.u32 @!p0 s22, $0x983;
	s24 =	simm.s32 @!p0 $0x80;
	v3 =	vadd.s32 @!p0 v9, v4;
	[tilespmem:$0x70] =	vst @!p0 v2  }
0x4c: {  	s25 =	simm.s32 @!p0 $0x0;
	p2 =	por p1, p0;
	s23 =	simm.s32 @!p0 $0x200;
	[tilespmem:$0x0] =	vst @!p0 v3  }
0x4d: {  	[spmem:s2] =	stream.indirect.scatter.add.f32 @!p0 [tilespmem:s23], [sflag:$0x3], $0x1, s25, s24, $0xb8;
	[tilespmem:$0x2520] =	vst v63  }
0x4e: {  	s23 =	simm.s32 @!p2 $0x3  }
0x4f: {  	_ =	swait.ge @!p2 [sflag:s23], $0x80  }
0x50: {  	s22 =	sadd.s32 $0x20, s22;
	[sflag:s23] =	ssyncset.done @!p2 $0x0  }
0x51: {  	s24 =	simm.s32 @!p2 $0x0;
	[sflag:s23] =	ssyncadd.s32 @!p2 $0xFFFFFF80;
	s23 =	sadd.s32 @!p2 $0xFFFFFC00, s13  }
0x52: {  	[tilespmem:s24], [sflag:$0x1] =	stream.linear.gather @!p2 [hbm4b:s23+s24], $0x80, $0x38;
	[tilespmem:$0x2520] =	vst v63  }
0x53: {  	p1 =	sgt.u32 s22, $0x9C3;
	s25 =	simm.s32 @!p2 $0x100;
	s23 =	sadd.s32 @!p2 $0xFFFFFE00, s12  }
0x54: {  	[tilespmem:s25], [sflag:$0x1] =	stream.linear.gather @!p2 [hbm4b:s23+s24], $0x80, $0x38;
	[tilespmem:$0x2520] =	vst v63  }
0x55: {  	s23 =	simm.s32 @!p1 $0x2  }
0x56: {  	_ =	swait.ge @!p1 [sflag:s23], $0x80  }
0x57: {  	[sflag:s23] =	ssyncset.done @!p1 $0x0  }
0x58: {  	[sflag:s23] =	ssyncadd.s32 @!p1 $0xFFFFFF80  }
0x59: {  	s26 =	smov.u32 s13;
	s24 =	simm.s32 $0x40;
	_ =	swait.ge @!p1 [sflag:s23], $0x80  }
0x5a: {  	p2 =	sgt.u32 @!p1 s22, $0x983;
	s25 =	smov.u32 s12;
	[sflag:s23] =	ssyncset.done @!p1 $0x0  }
0x5b: {  	s22 =	smov.u32 s13;
	[sflag:s23] =	ssyncadd.s32 @!p1 $0xFFFFFF80;
	s23 =	smov.u32 s12  }
.LBB2_4:
0x5c: {  	s25 =	sadd.s32 $0x400, s25  }
0x5d: {  	s26 =	sadd.s32 $0x800, s26;
	s28 =	smov.u32 s24;
	s24 =	sadd.s32 $0x40, s24  }
0x5e: {  	p0 =	sne.s32 s24, $0xA00;
	v2 =	vld @!p1 [tilespmem:$0xD0]  }
0x5f: {  	v3 =	vld @!p1 [tilespmem:$0xF0]  }
0x60: {  	v4 =	vld @!p1 [tilespmem:$0x1F0]  }
0x61: {  	v5 =	vld @!p1 [tilespmem:$0xE0]  }
0x62: {  	v6 =	vld @!p1 [tilespmem:$0x1E0]  }
0x63: {  	v7 =	vld @!p1 [tilespmem:$0x1D0]  }
0x64: {  	v8 =	vld @!p1 [tilespmem:$0xA0]  }
0x65: {  	v9 =	vld @!p1 [tilespmem:$0xC0];
	v4 =	vmul.u32 @!p1 $0x2710, v4  }
0x66: {  	v10 =	vld @!p1 [tilespmem:$0xB0]  }
0x67: {  	v11 =	vld @!p1 [tilespmem:$0x1C0];
	v6 =	vmul.u32 @!p1 $0x2710, v6;
	v3 =	vadd.s32 @!p1 v3, v4  }
0x68: {  	v4 =	vld @!p1 [tilespmem:$0x1B0];
	v7 =	vmul.u32 @!p1 $0x2710, v7;
	[tilespmem:$0xF0] =	vst @!p1 v3  }
0x69: {  	v3 =	vld @!p1 [tilespmem:$0x1A0];
	v5 =	vadd.s32 @!p1 v5, v6  }
0x6a: {  	v6 =	vld @!p1 [tilespmem:$0x190];
	v2 =	vadd.s32 @!p1 v2, v7;
	[tilespmem:$0xE0] =	vst @!p1 v5  }
0x6b: {  	v5 =	vld @!p1 [tilespmem:$0x180];
	[tilespmem:$0xD0] =	vst @!p1 v2  }
0x6c: {  	v2 =	vld @!p1 [tilespmem:$0x90];
	v7 =	vmul.u32 @!p1 $0x2710, v11  }
0x6d: {  	v11 =	vld @!p1 [tilespmem:$0x80];
	v4 =	vmul.u32 @!p1 $0x2710, v4  }
0x6e: {  	v3 =	vmul.u32 @!p1 $0x2710, v3;
	v7 =	vadd.s32 @!p1 v9, v7  }
0x6f: {  	v6 =	vmul.u32 @!p1 $0x2710, v6;
	v4 =	vadd.s32 @!p1 v10, v4;
	[tilespmem:$0xC0] =	vst @!p1 v7  }
0x70: {  	v5 =	vmul.u32 @!p1 $0x2710, v5;
	v3 =	vadd.s32 @!p1 v8, v3;
	[tilespmem:$0xB0] =	vst @!p1 v4  }
0x71: {  	v2 =	vadd.s32 @!p1 v2, v6;
	[tilespmem:$0xA0] =	vst @!p1 v3  }
0x72: {  	v3 =	vadd.s32 @!p1 v11, v5;
	[tilespmem:$0x90] =	vst @!p1 v2  }
0x73: {  	s29 =	simm.s32 @!p1 $0x80;
	s30 =	simm.s32 @!p1 $0x200;
	p2 =	por p2, p1;
	[tilespmem:$0x80] =	vst @!p1 v3  }
0x74: {  	[spmem:s2] =	stream.indirect.scatter.add.f32 @!p1 [tilespmem:s30], [sflag:$0x4], $0x1, s29, s29, $0xb8;
	[tilespmem:$0x2520] =	vst v63  }
0x75: {  	s29 =	simm.s32 @!p2 $0x4  }
0x76: {  	_ =	swait.ge @!p2 [sflag:s29], $0x80  }
0x77: {  	s31 =	simm.s32 @!p2 $0x80;
	s30 =	simm.s32 @!p2 $0x0;
	[sflag:s29] =	ssyncset.done @!p2 $0x0  }
0x78: {  	[sflag:s29] =	ssyncadd.s32 @!p2 $0xFFFFFF80;
	s29 =	simm.s32 @!p2 $0x180  }
0x79: {  	[tilespmem:s31], [sflag:$0x2] =	stream.linear.gather @!p2 [hbm4b:s22+s30], $0x80, $0x38;
	[tilespmem:$0x2520] =	vst v63  }
0x7a: {  	s31 =	sadd.s32 s28, s4;
	s22 =	smov.u32 s26  }
0x7b: {  	[tilespmem:s29], [sflag:$0x2] =	stream.linear.gather @!p2 [hbm4b:s23+s30], $0x80, $0x38;
	[tilespmem:$0x2520] =	vst v63  }
0x7c: {  	p1 =	sgt.u32 s31, $0x9C3;
	s28 =	sadd.s32 $0x20, s31;
	s23 =	smov.u32 s25  }
0x7d: {  	s29 =	simm.s32 @!p1 $0x1;
	p2 =	sgt.u32 @!p1 s31, $0x983  }
0x7e: {  	_ =	swait.ge @!p1 [sflag:s29], $0x80  }
0x7f: {  	[sflag:s29] =	ssyncset.done @!p1 $0x0  }
0x80: {  	[sflag:s29] =	ssyncadd.s32 @!p1 $0xFFFFFF80  }
0x81: {  	_ =	swait.ge @!p1 [sflag:s29], $0x80  }
0x82: {  	[sflag:s29] =	ssyncset.done @!p1 $0x0  }
0x83: {  	[sflag:s29] =	ssyncadd.s32 @!p1 $0xFFFFFF80  }
0x84: {  	v2 =	vld @!p1 [tilespmem:$0x60]  }
0x85: {  	v3 =	vld @!p1 [tilespmem:$0x50]  }
0x86: {  	v4 =	vld @!p1 [tilespmem:$0x40]  }
0x87: {  	v5 =	vld @!p1 [tilespmem:$0x10]  }
0x88: {  	v6 =	vld @!p1 [tilespmem:$0x20]  }
0x89: {  	v7 =	vld @!p1 [tilespmem:$0x30]  }
0x8a: {  	v8 =	vld @!p1 [tilespmem:$0x130]  }
0x8b: {  	v9 =	vld @!p1 [tilespmem:$0x150]  }
0x8c: {  	v10 =	vld @!p1 [tilespmem:$0x120]  }
0x8d: {  	v11 =	vld @!p1 [tilespmem:$0x140]  }
0x8e: {  	v12 =	vld @!p1 [tilespmem:$0x160]  }
0x8f: {  	v13 =	vld @!p1 [tilespmem:$0x110];
	v8 =	vmul.u32 @!p1 $0x2710, v8  }
0x90: {  	v9 =	vmul.u32 @!p1 $0x2710, v9;
	v14 =	vld @!p1 [tilespmem:$0x170]  }
0x91: {  	v15 =	vld @!p1 [tilespmem:$0x100];
	v10 =	vmul.u32 @!p1 $0x2710, v10;
	v7 =	vadd.s32 @!p1 v7, v8  }
0x92: {  	[tilespmem:$0x30] =	vst @!p1 v7;
	v7 =	vmul.u32 @!p1 $0x2710, v11;
	v3 =	vadd.s32 @!p1 v3, v9;
	v8 =	vld @!p1 [tilespmem:$0x70]  }
0x93: {  	v9 =	vld @!p1 [tilespmem:$0x0];
	v6 =	vadd.s32 @!p1 v6, v10;
	[tilespmem:$0x50] =	vst @!p1 v3;
	v3 =	vmul.u32 @!p1 $0x2710, v12  }
0x94: {  	v10 =	vmul.u32 @!p1 $0x2710, v13;
	[tilespmem:$0x20] =	vst @!p1 v6;
	v4 =	vadd.s32 @!p1 v4, v7  }
0x95: {  	[tilespmem:$0x40] =	vst @!p1 v4;
	v2 =	vadd.s32 @!p1 v2, v3;
	v3 =	vmul.u32 @!p1 $0x2710, v14  }
0x96: {  	v4 =	vmul.u32 @!p1 $0x2710, v15;
	v5 =	vadd.s32 @!p1 v5, v10;
	[tilespmem:$0x60] =	vst @!p1 v2  }
0x97: {  	[tilespmem:$0x10] =	vst @!p1 v5;
	v2 =	vadd.s32 @!p1 v8, v3  }
0x98: {  	s29 =	simm.s32 @!p1 $0x200;
	v3 =	vadd.s32 @!p1 v9, v4;
	[tilespmem:$0x70] =	vst @!p1 v2  }
0x99: {  	s30 =	simm.s32 @!p1 $0x80;
	s31 =	simm.s32 @!p1 $0x0;
	p2 =	por p2, p1;
	[tilespmem:$0x0] =	vst @!p1 v3  }
0x9a: {  	[spmem:s2] =	stream.indirect.scatter.add.f32 @!p1 [tilespmem:s29], [sflag:$0x3], $0x1, s31, s30, $0xb8;
	[tilespmem:$0x2520] =	vst v63  }
0x9b: {  	s29 =	simm.s32 @!p2 $0x3  }
0x9c: {  	_ =	swait.ge @!p2 [sflag:s29], $0x80  }
0x9d: {  	[sflag:s29] =	ssyncset.done @!p2 $0x0  }
0x9e: {  	s30 =	simm.s32 @!p2 $0x0;
	[sflag:s29] =	ssyncadd.s32 @!p2 $0xFFFFFF80;
	s29 =	sadd.s32 @!p2 $0xFFFFFC00, s26  }
0x9f: {  	[tilespmem:s30], [sflag:$0x1] =	stream.linear.gather @!p2 [hbm4b:s29+s30], $0x80, $0x38;
	[tilespmem:$0x2520] =	vst v63  }
0xa0: {  	s31 =	simm.s32 @!p2 $0x100;
	p1 =	sgt.u32 s28, $0x9C3;
	s29 =	sadd.s32 @!p2 $0xFFFFFE00, s25  }
0xa1: {  	[tilespmem:s31], [sflag:$0x1] =	stream.linear.gather @!p2 [hbm4b:s29+s30], $0x80, $0x38;
	[tilespmem:$0x2520] =	vst v63  }
0xa2: {  	s29 =	simm.s32 @!p1 $0x2;
	p2 =	sgt.u32 @!p1 s28, $0x983  }
0xa3: {  	_ =	swait.ge @!p1 [sflag:s29], $0x80  }
.Ltmp1:
0xa4: {  	[sflag:s29] =	ssyncset.done @!p1 $0x0;
	(pc) =	sbr.rel @p0 .LBB2_4-.Ltmp1, $4  }
0xa5: {  	[sflag:s29] =	ssyncadd.s32 @!p1 $0xFFFFFF80  }
0xa6: {  	_ =	swait.ge @!p1 [sflag:s29], $0x80  }
0xa7: {  	[sflag:s29] =	ssyncset.done @!p1 $0x0  }
0xa8: {  	[sflag:s29] =	ssyncadd.s32 @!p1 $0xFFFFFF80  }
0xa9: {  	v2 =	vld @!p1 [tilespmem:$0xD0]  }
0xaa: {  	v3 =	vld @!p1 [tilespmem:$0xF0]  }
0xab: {  	v4 =	vld @!p1 [tilespmem:$0x1F0]  }
0xac: {  	v5 =	vld @!p1 [tilespmem:$0xE0]  }
0xad: {  	v6 =	vld @!p1 [tilespmem:$0x1E0]  }
0xae: {  	v7 =	vld @!p1 [tilespmem:$0x1D0]  }
0xaf: {  	v8 =	vld @!p1 [tilespmem:$0xA0]  }
0xb0: {  	v9 =	vld @!p1 [tilespmem:$0xC0]  }
0xb1: {  	v10 =	vld @!p1 [tilespmem:$0xB0]  }
0xb2: {  	v11 =	vld @!p1 [tilespmem:$0x1C0]  }
0xb3: {  	v12 =	vld @!p1 [tilespmem:$0x1B0]  }
0xb4: {  	v13 =	vld @!p1 [tilespmem:$0x1A0];
	v4 =	vmul.u32 @!p1 $0x2710, v4  }
0xb5: {  	v14 =	vld @!p1 [tilespmem:$0x190];
	v6 =	vmul.u32 @!p1 $0x2710, v6  }
0xb6: {  	v3 =	vadd.s32 @!p1 v3, v4;
	v4 =	vmul.u32 @!p1 $0x2710, v7;
	v7 =	vld @!p1 [tilespmem:$0x180]  }
0xb7: {  	[tilespmem:$0xF0] =	vst @!p1 v3;
	v3 =	vadd.s32 @!p1 v5, v6;
	v5 =	vld @!p1 [tilespmem:$0x90];
	v6 =	vmul.u32 @!p1 $0x2710, v11  }
0xb8: {  	v2 =	vadd.s32 @!p1 v2, v4;
	[tilespmem:$0xE0] =	vst @!p1 v3;
	v3 =	vld @!p1 [tilespmem:$0x80];
	v4 =	vmul.u32 @!p1 $0x2710, v12  }
0xb9: {  	[tilespmem:$0xD0] =	vst @!p1 v2;
	v2 =	vmul.u32 @!p1 $0x2710, v13;
	v6 =	vadd.s32 @!p1 v9, v6  }
0xba: {  	v9 =	vmul.u32 @!p1 $0x2710, v14;
	v4 =	vadd.s32 @!p1 v10, v4;
	[tilespmem:$0xC0] =	vst @!p1 v6  }
0xbb: {  	v6 =	vmul.u32 @!p1 $0x2710, v7;
	v2 =	vadd.s32 @!p1 v8, v2;
	[tilespmem:$0xB0] =	vst @!p1 v4  }
0xbc: {  	v4 =	vadd.s32 @!p1 v5, v9;
	[tilespmem:$0xA0] =	vst @!p1 v2  }
0xbd: {  	v2 =	vadd.s32 @!p1 v3, v6;
	[tilespmem:$0x90] =	vst @!p1 v4  }
0xbe: {  	s24 =	simm.s32 @!p1 $0x80;
	s25 =	simm.s32 @!p1 $0x200;
	p0 =	por p2, p1;
	[tilespmem:$0x80] =	vst @!p1 v2  }
0xbf: {  	[spmem:s2] =	stream.indirect.scatter.add.f32 @!p1 [tilespmem:s25], [sflag:$0x4], $0x1, s24, s24, $0xb8;
	[tilespmem:$0x2520] =	vst v63  }
0xc0: {  	s24 =	simm.s32 @!p0 $0x4  }
0xc1: {  	_ =	swait.ge @!p0 [sflag:s24], $0x80  }
0xc2: {  	[sflag:s24] =	ssyncset.done @!p0 $0x0  }
0xc3: {  	s26 =	simm.s32 @!p0 $0x80;
	s25 =	simm.s32 @!p0 $0x0;
	[sflag:s24] =	ssyncadd.s32 @!p0 $0xFFFFFF80  }
0xc4: {  	[tilespmem:s26], [sflag:$0x2] =	stream.linear.gather @!p0 [hbm4b:s22+s25], $0x80, $0x38;
	[tilespmem:$0x2520] =	vst v63  }
0xc5: {  	s22 =	simm.s32 @!p0 $0x180  }
0xc6: {  	[tilespmem:s22], [sflag:$0x2] =	stream.linear.gather @!p0 [hbm4b:s23+s25], $0x80, $0x38;
	[tilespmem:$0x2520] =	vst v63  }
0xc7: {  	_ =	swait.ge [sflag:s19], $0x80  }
0xc8: {  	[sflag:s19] =	ssyncset.done $0x0  }
0xc9: {  	[sflag:s19] =	ssyncadd.s32 $0xFFFFFF80  }
0xca: {  	_ =	swait.ge [sflag:s20], $0x80  }
0xcb: {  	[sflag:s20] =	ssyncset.done $0x0  }
0xcc: {  	[sflag:s20] =	ssyncadd.s32 $0xFFFFFF80  }
0xcd: {  	[bflag:$0x0] =	sbarrier.arrive $0xFFFF  }
0xce: {  	[tilespmem:s14], [sflag:$0x5] =	stream.linear.gather [spmem:s5], $0x1120, $0x38;
	[tilespmem:$0x2520] =	vst v63  }
0xcf: {  	s21 =	sadd.s32 $0x1, s21;
	_ =	swait.ge [sflag:s15], $0x1120  }
0xd0: {  	p0 =	sne.s32 s21, s11;
	[sflag:s15] =	ssyncset.done $0x0  }
.Ltmp2:
0xd1: {  	[sflag:s15] =	ssyncadd.s32 $0xFFFFEEE0;
	(pc) =	sbr.rel @p0 .LBB2_1-.Ltmp2, $4  }
0xd2: {  	[hbm4b:s10+s3] =	stream.linear.scatter [tilespmem:s14], [sflag:$0x5], $0x1120, $0x38;
	[tilespmem:$0x2520] =	vst v63  }
0xd3: {  	_ =	swait.ge [sflag:s15], $0x1120  }
0xd4: {  	[sflag:s15] =	ssyncset.done $0x0  }
0xd5: {  	[sflag:s15] =	ssyncadd.s32 $0xFFFFEEE0  }
0xd6: {  	_ =	sfence.sel $0x180000  }
0xd7: {  	[bflag:$0x0] =	sbarrier.arrive $0xFFFF  }
0xd8: {  	p0 =	sne.s32 s1, $0x0;
	_ =	strace $0x90000047  }
0xd9: {  	s0 =	sadd.s32 @!p0 $0x100000, s0;
	[bflag:$0x2] =	sbarrier.arrive $0xFFFF  }
0xda: {  	[sflag:s0] =	ssyncadd.tile.s32 @!p0 $0x1;
	_ =	shalt  }
.Lfunc_end2:
_tile_overlayer_lowered:
.L_overlay_start_2:
0xdb: {  	(tag) =	ssettag $0x2  }
0xdc: {  	s0 =	rddreg [dreg:$0x0];
	s2 =	stileid.u32  }
0xdd: {  	s1 =	rddreg [dreg:$0x1];
	p0 =	sne.s32 s2, $0x0  }
0xde: {  	s3 =	rddreg [dreg:$0x2];
	[bflag:$0x3] =	sbarrier.arrive $0xFFFF;
	s2 =	simm.s32 @!p0 $0x1C05  }
0xdf: {  	[timem:s3], [sflag:s2] =	dma.local @!p0 [hbm:s0], s1  }
0xe0: {  	s0 =	simm.s32 @!p0 $0x5  }
0xe1: {  	_ =	swait.ge @!p0 [sflag:s0], s1  }
0xe2: {  	s1 =	ssub.s32 @!p0 $0x0, s1;
	[sflag:s0] =	ssyncset.done @!p0 $0x0  }
0xe3: {  	[sflag:s0] =	ssyncadd.s32 @!p0 s1  }
0xe4: {  	[bflag:$0x3] =	sbarrier.arrive $0xFFFF  }
0xe5: {  	_ =	shalt  }

</sc_bundles>
